<compile_context>
chip_gen: v7x
topology: tpu7x:2x2x1
jax: 0.10.2.dev20260603
libtpu: 0.0.44.dev20260713+nightly
codegen_flags: <defaults>
</compile_context>

<pallas_src>
import functools

import jax
import jax.numpy as jnp
from jax import lax
from jax.experimental import pallas as pl
from jax.experimental.pallas import tpu as pltpu
from jax.experimental.pallas import tpu_sc as plsc

_IDXW = 128
_CH = 64
_NSLOT = 8
_DIST = 4


def _build_gather(V, D, B, NC, NS):
    NW = NC * NS
    b_per_w = B // NW
    n_rows = b_per_w // _IDXW
    n_ch = b_per_w // _CH
    n_grp = n_ch // _NSLOT

    mesh = plsc.VectorSubcoreMesh(core_axis_name="c", subcore_axis_name="s")

    @functools.partial(
        pl.kernel,
        mesh=mesh,
        out_type=jax.ShapeDtypeStruct((B, D), jnp.float32),
        scratch_types=[
            pltpu.VMEM((n_rows, _IDXW), jnp.int32),
            pltpu.VMEM((_NSLOT, _CH, D), jnp.float32),
        ]
        + [pltpu.SemaphoreType.DMA] * (2 * _NSLOT),
    )
    def gather_kernel(table_hbm, idx_hbm, out_hbm, idx_v, rows_v, *sems):
        gsem = sems[:_NSLOT]
        wsem = sems[_NSLOT:]
        wid = lax.axis_index("s") * NC + lax.axis_index("c")
        base = pl.multiple_of(wid * b_per_w, b_per_w)
        idx_base = pl.multiple_of(base // _IDXW, n_rows)

        def fire_gather(c, slot, half):
            pltpu.async_copy(
                table_hbm.at[idx_v.at[c // 2, pl.ds(half * _CH, _CH)]],
                rows_v.at[slot],
                gsem[slot],
            )

        def wait_gather(slot):
            pltpu.make_async_copy(
                table_hbm.at[pl.ds(0, _CH)], rows_v.at[slot], gsem[slot]
            ).wait()

        def fire_write(c, slot):
            off = pl.multiple_of(base + c * _CH, _CH)
            pltpu.async_copy(rows_v.at[slot], out_hbm.at[pl.ds(off, _CH)],
                             wsem[slot])

        def wait_write(slot):
            pltpu.make_async_copy(
                rows_v.at[slot], out_hbm.at[pl.ds(0, _CH)], wsem[slot]
            ).wait()

        pltpu.sync_copy(idx_hbm.at[pl.ds(idx_base, n_rows)], idx_v)

        for k in range(_DIST):
            fire_gather(k, k, k & 1)
        for k in range(_NSLOT):
            wait_gather(k)
            fire_write(k, k)
            if k + _DIST < _NSLOT:
                fire_gather(k + _DIST, k + _DIST, (k + _DIST) & 1)
            else:
                wait_write((k + _DIST) % _NSLOT)
                fire_gather(k + _DIST, (k + _DIST) % _NSLOT, (k + _DIST) & 1)

        def body(g, carry):
            c0 = g * _NSLOT
            for k in range(_NSLOT):
                nslot = (k + _DIST) % _NSLOT
                wait_gather(k)
                fire_write(c0 + k, k)
                wait_write(nslot)
                fire_gather(c0 + k + _DIST, nslot, (k + _DIST) & 1)
            return carry

        lax.fori_loop(1, n_grp - 1, body, 0)

        c0 = (n_grp - 1) * _NSLOT
        for k in range(_NSLOT):
            nslot = (k + _DIST) % _NSLOT
            wait_gather(k)
            fire_write(c0 + k, k)
            if k + _DIST < _NSLOT:
                wait_write(nslot)
                fire_gather(c0 + k + _DIST, nslot, (k + _DIST) & 1)
        for k in range(_NSLOT):
            wait_write(k)

    return gather_kernel


def kernel(x, table):
    V, D = table.shape
    B = x.size
    info = plsc.get_sparse_core_info()
    NC, NS = info.num_cores, info.num_subcores
    per_w = B // (NC * NS)
    assert B % (NC * NS) == 0 and per_w % (_CH * _NSLOT) == 0
    assert per_w % _IDXW == 0 and per_w // _CH >= 3 * _NSLOT
    xf = x.reshape(B // _IDXW, _IDXW).astype(jnp.int32)
    out = _build_gather(V, D, B, NC, NS)(table, xf)
    return out.reshape(*x.shape, D)

# --- scband reference (transcript-rebuilt; emitter-appended) ---
"""Pipeline reference for scband-custom-transformer-21345987461608 (READ-ONLY COPY).

The authoritative reference and input builder live on the scoring server;
editing this copy changes nothing except your own understanding.
"""

import jax, jax.numpy as jnp
import numpy as np

VOCAB = 50000
EMBED_DIM = 128

def setup_inputs(seed: int = 0) -> dict:
    key = jax.random.key(seed)
    k_idx, k_tab = jax.random.split(key)
    x = jax.random.randint(k_idx, (4096, 200), 0, VOCAB, dtype=jnp.int64 if jax.config.jax_enable_x64 else jnp.int32)
    table = jax.random.normal(k_tab, (VOCAB, EMBED_DIM), dtype=jnp.float32)
    return {"x": x, "table": table}

def reference(x, table):
    # CustomTransformer.forward: return self.embedding(x)
    return jnp.take(table, x, axis=0)

if __name__ == "__main__":
    import jax
    _d = setup_inputs()
    print(jax.jit(kernel)(*tuple(_d.values())))

</pallas_src>

<mosaic_0001>
#map = affine_map<(d0, d1) -> (0, 0)>
module attributes {stable_mosaic.version = 14 : i64} {
  func.func @gather_kernel(%arg0: i32, %arg1: i32, %arg2: memref<50000x128xf32, #tpu.memory_space<hbm>>, %arg3: memref<6400x128xi32, #tpu.memory_space<hbm>>, %arg4: memref<819200x128xf32, #tpu.memory_space<hbm>>, %arg5: memref<200x128xi32, #tpu.memory_space<vmem>>, %arg6: memref<8x64x128xf32, #tpu.memory_space<vmem>>, %arg7: memref<!tpu.dma_semaphore, #tpu.memory_space<semaphore_mem>>, %arg8: memref<!tpu.dma_semaphore, #tpu.memory_space<semaphore_mem>>, %arg9: memref<!tpu.dma_semaphore, #tpu.memory_space<semaphore_mem>>, %arg10: memref<!tpu.dma_semaphore, #tpu.memory_space<semaphore_mem>>, %arg11: memref<!tpu.dma_semaphore, #tpu.memory_space<semaphore_mem>>, %arg12: memref<!tpu.dma_semaphore, #tpu.memory_space<semaphore_mem>>, %arg13: memref<!tpu.dma_semaphore, #tpu.memory_space<semaphore_mem>>, %arg14: memref<!tpu.dma_semaphore, #tpu.memory_space<semaphore_mem>>, %arg15: memref<!tpu.dma_semaphore, #tpu.memory_space<semaphore_mem>>, %arg16: memref<!tpu.dma_semaphore, #tpu.memory_space<semaphore_mem>>, %arg17: memref<!tpu.dma_semaphore, #tpu.memory_space<semaphore_mem>>, %arg18: memref<!tpu.dma_semaphore, #tpu.memory_space<semaphore_mem>>, %arg19: memref<!tpu.dma_semaphore, #tpu.memory_space<semaphore_mem>>, %arg20: memref<!tpu.dma_semaphore, #tpu.memory_space<semaphore_mem>>, %arg21: memref<!tpu.dma_semaphore, #tpu.memory_space<semaphore_mem>>, %arg22: memref<!tpu.dma_semaphore, #tpu.memory_space<semaphore_mem>>) attributes {dimension_semantics = [#tpu.dimension_semantics<core_parallel>, #tpu.dimension_semantics<subcore_parallel>], iteration_bounds = array<i64: 2, 16>, scalar_prefetch = 0 : i64, scratch_operands = 18 : i64, tpu.core_type = #tpu.core_type<sc_vector_subcore>, window_params = [{transform_indices = #map}, {transform_indices = #map}, {transform_indices = #map}]} {
    %mul3A = arith.constant 2 : i32
    %mul3A_0 = arith.muli %arg1, %mul3A : i32
    %add3A = arith.addi %mul3A_0, %arg0 : i32
    %mul3A_1 = arith.constant 25600 : i32
    %mul3A_2 = arith.muli %add3A, %mul3A_1 : i32
    %multiple_of3A = tpu.assume_multiple %mul3A_2, 25600 : i32
    %jit3A = arith.constant 128 : i32
    %div3A = arith.divsi %multiple_of3A, %jit3A : i32
    %sign3A = arith.constant 0 : i32
    %sign3A_3 = arith.cmpi sgt, %multiple_of3A, %sign3A : i32
    %sign3A_4 = arith.extui %sign3A_3 : i1 to i32
    %sign3A_5 = arith.constant 0 : i32
    %sign3A_6 = arith.cmpi slt, %multiple_of3A, %sign3A_5 : i32
    %sign3A_7 = arith.extui %sign3A_6 : i1 to i32
    %sign3A_8 = arith.subi %sign3A_4, %sign3A_7 : i32
    %sign3A_9 = arith.constant 0 : i32
    %sign3A_10 = arith.cmpi sgt, %jit3A, %sign3A_9 : i32
    %sign3A_11 = arith.extui %sign3A_10 : i1 to i32
    %sign3A_12 = arith.constant 0 : i32
    %sign3A_13 = arith.cmpi slt, %jit3A, %sign3A_12 : i32
    %sign3A_14 = arith.extui %sign3A_13 : i1 to i32
    %sign3A_15 = arith.subi %sign3A_11, %sign3A_14 : i32
    %ne3A = arith.cmpi ne, %sign3A_8, %sign3A_15 : i32
    %rem3A = arith.remsi %multiple_of3A, %jit3A : i32
    %ne3A_16 = arith.constant 0 : i32
    %ne3A_17 = arith.cmpi ne, %rem3A, %ne3A_16 : i32
    %and3A = arith.andi %ne3A, %ne3A_17 : i1
    %sub3A = arith.constant 1 : i32
    %sub3A_18 = arith.subi %div3A, %sub3A : i32
    %select_n3A = arith.select %and3A, %sub3A_18, %div3A : i32
    %multiple_of3A_19 = tpu.assume_multiple %select_n3A, 200 : i32
    "tpu.region"() ({
      %run_scoped3A = tpu.sem_alloc : memref<!tpu.dma_semaphore, #tpu.memory_space<semaphore_mem>>
      %dma_start3A_951 = arith.constant 0 : i32
      %dma_start3A_952 = tpu.memref_slice %arg3[%multiple_of3A_19, %dma_start3A_951] : memref<6400x128xi32, #tpu.memory_space<hbm>> -> memref<200x128xi32, #tpu.memory_space<hbm>>
      %dma_start3A_953 = arith.constant 0 : i32
      %dma_start3A_954 = tpu.memref_slice %arg3[%multiple_of3A_19, %dma_start3A_953] : memref<6400x128xi32, #tpu.memory_space<hbm>> -> memref<200x128xi32, #tpu.memory_space<hbm>>
      tpu.enqueue_dma source(%dma_start3A_954 : memref<200x128xi32, #tpu.memory_space<hbm>>) target(%arg5 : memref<200x128xi32, #tpu.memory_space<vmem>>) target_semaphore(%run_scoped3A : memref<!tpu.dma_semaphore, #tpu.memory_space<semaphore_mem>>)
      %dma_wait3A_955 = arith.constant 0 : i32
      %dma_wait3A_956 = tpu.memref_slice %arg3[%multiple_of3A_19, %dma_wait3A_955] : memref<6400x128xi32, #tpu.memory_space<hbm>> -> memref<200x128xi32, #tpu.memory_space<hbm>>
      %dma_wait3A_957 = arith.constant 0 : i32
      %dma_wait3A_958 = tpu.memref_slice %arg3[%multiple_of3A_19, %dma_wait3A_957] : memref<6400x128xi32, #tpu.memory_space<hbm>> -> memref<200x128xi32, #tpu.memory_space<hbm>>
      tpu.wait_dma2 semaphore(%run_scoped3A : memref<!tpu.dma_semaphore, #tpu.memory_space<semaphore_mem>>) src(%dma_wait3A_958 : memref<200x128xi32, #tpu.memory_space<hbm>>) dst(%arg5 : memref<200x128xi32, #tpu.memory_space<vmem>>)
      tpu.yield
    }) : () -> ()
    %dma_start3A = arith.constant 0 : i32
    %dma_start3A_20 = arith.constant 0 : i32
    %dma_start3A_21 = arith.constant 0 : i32
    %dma_start3A_22 = arith.constant 0 : i32
    %dma_start3A_23 = tpu.memref_slice %arg6[%dma_start3A_20, %dma_start3A_21, %dma_start3A_22] : memref<8x64x128xf32, #tpu.memory_space<vmem>> -> memref<1x64x128xf32, #tpu.memory_space<vmem>>
    %dma_start3A_24 = tpu.memref_squeeze %dma_start3A_23 : memref<1x64x128xf32, #tpu.memory_space<vmem>> -> memref<64x128xf32, #tpu.memory_space<vmem>>
    %dma_start3A_25 = arith.constant 0 : i32
    %dma_start3A_26 = tpu.memref_slice %arg5[%dma_start3A, %dma_start3A_25] : memref<200x128xi32, #tpu.memory_space<vmem>> -> memref<1x64xi32, #tpu.memory_space<vmem>>
    %dma_start3A_27 = tpu.memref_squeeze %dma_start3A_26 : memref<1x64xi32, #tpu.memory_space<vmem>> -> memref<64xi32, #tpu.memory_space<vmem>>
    %dma_start3A_28 = arith.constant 0 : i32
    %dma_start3A_29 = arith.constant 0 : i32
    %dma_start3A_30 = tpu.memref_slice %arg2[%dma_start3A_28, %dma_start3A_29] : memref<50000x128xf32, #tpu.memory_space<hbm>> -> memref<50000x128xf32, #tpu.memory_space<hbm>>
    tpu.enqueue_indirect_dma source(%dma_start3A_30 : memref<50000x128xf32, #tpu.memory_space<hbm>>) target(%dma_start3A_24 : memref<64x128xf32, #tpu.memory_space<vmem>>) offsets(%dma_start3A_27 : memref<64xi32, #tpu.memory_space<vmem>>) semaphore(%arg7 : memref<!tpu.dma_semaphore, #tpu.memory_space<semaphore_mem>>)
    %dma_start3A_31 = arith.constant 0 : i32
    %dma_start3A_32 = arith.constant 1 : i32
    %dma_start3A_33 = arith.constant 0 : i32
    %dma_start3A_34 = arith.constant 0 : i32
    %dma_start3A_35 = tpu.memref_slice %arg6[%dma_start3A_32, %dma_start3A_33, %dma_start3A_34] : memref<8x64x128xf32, #tpu.memory_space<vmem>> -> memref<1x64x128xf32, #tpu.memory_space<vmem>>
    %dma_start3A_36 = tpu.memref_squeeze %dma_start3A_35 : memref<1x64x128xf32, #tpu.memory_space<vmem>> -> memref<64x128xf32, #tpu.memory_space<vmem>>
    %dma_start3A_37 = arith.constant 64 : i32
    %dma_start3A_38 = tpu.memref_slice %arg5[%dma_start3A_31, %dma_start3A_37] : memref<200x128xi32, #tpu.memory_space<vmem>> -> memref<1x64xi32, #tpu.memory_space<vmem>>
    %dma_start3A_39 = tpu.memref_squeeze %dma_start3A_38 : memref<1x64xi32, #tpu.memory_space<vmem>> -> memref<64xi32, #tpu.memory_space<vmem>>
    %dma_start3A_40 = arith.constant 0 : i32
    %dma_start3A_41 = arith.constant 0 : i32
    %dma_start3A_42 = tpu.memref_slice %arg2[%dma_start3A_40, %dma_start3A_41] : memref<50000x128xf32, #tpu.memory_space<hbm>> -> memref<50000x128xf32, #tpu.memory_space<hbm>>
    tpu.enqueue_indirect_dma source(%dma_start3A_42 : memref<50000x128xf32, #tpu.memory_space<hbm>>) target(%dma_start3A_36 : memref<64x128xf32, #tpu.memory_space<vmem>>) offsets(%dma_start3A_39 : memref<64xi32, #tpu.memory_space<vmem>>) semaphore(%arg8 : memref<!tpu.dma_semaphore, #tpu.memory_space<semaphore_mem>>)
    %dma_start3A_43 = arith.constant 1 : i32
    %dma_start3A_44 = arith.constant 2 : i32
    %dma_start3A_45 = arith.constant 0 : i32
    %dma_start3A_46 = arith.constant 0 : i32
    %dma_start3A_47 = tpu.memref_slice %arg6[%dma_start3A_44, %dma_start3A_45, %dma_start3A_46] : memref<8x64x128xf32, #tpu.memory_space<vmem>> -> memref<1x64x128xf32, #tpu.memory_space<vmem>>
    %dma_start3A_48 = tpu.memref_squeeze %dma_start3A_47 : memref<1x64x128xf32, #tpu.memory_space<vmem>> -> memref<64x128xf32, #tpu.memory_space<vmem>>
    %dma_start3A_49 = arith.constant 0 : i32
    %dma_start3A_50 = tpu.memref_slice %arg5[%dma_start3A_43, %dma_start3A_49] : memref<200x128xi32, #tpu.memory_space<vmem>> -> memref<1x64xi32, #tpu.memory_space<vmem>>
    %dma_start3A_51 = tpu.memref_squeeze %dma_start3A_50 : memref<1x64xi32, #tpu.memory_space<vmem>> -> memref<64xi32, #tpu.memory_space<vmem>>
    %dma_start3A_52 = arith.constant 0 : i32
    %dma_start3A_53 = arith.constant 0 : i32
    %dma_start3A_54 = tpu.memref_slice %arg2[%dma_start3A_52, %dma_start3A_53] : memref<50000x128xf32, #tpu.memory_space<hbm>> -> memref<50000x128xf32, #tpu.memory_space<hbm>>
    tpu.enqueue_indirect_dma source(%dma_start3A_54 : memref<50000x128xf32, #tpu.memory_space<hbm>>) target(%dma_start3A_48 : memref<64x128xf32, #tpu.memory_space<vmem>>) offsets(%dma_start3A_51 : memref<64xi32, #tpu.memory_space<vmem>>) semaphore(%arg9 : memref<!tpu.dma_semaphore, #tpu.memory_space<semaphore_mem>>)
    %dma_start3A_55 = arith.constant 1 : i32
    %dma_start3A_56 = arith.constant 3 : i32
    %dma_start3A_57 = arith.constant 0 : i32
    %dma_start3A_58 = arith.constant 0 : i32
    %dma_start3A_59 = tpu.memref_slice %arg6[%dma_start3A_56, %dma_start3A_57, %dma_start3A_58] : memref<8x64x128xf32, #tpu.memory_space<vmem>> -> memref<1x64x128xf32, #tpu.memory_space<vmem>>
    %dma_start3A_60 = tpu.memref_squeeze %dma_start3A_59 : memref<1x64x128xf32, #tpu.memory_space<vmem>> -> memref<64x128xf32, #tpu.memory_space<vmem>>
    %dma_start3A_61 = arith.constant 64 : i32
    %dma_start3A_62 = tpu.memref_slice %arg5[%dma_start3A_55, %dma_start3A_61] : memref<200x128xi32, #tpu.memory_space<vmem>> -> memref<1x64xi32, #tpu.memory_space<vmem>>
    %dma_start3A_63 = tpu.memref_squeeze %dma_start3A_62 : memref<1x64xi32, #tpu.memory_space<vmem>> -> memref<64xi32, #tpu.memory_space<vmem>>
    %dma_start3A_64 = arith.constant 0 : i32
    %dma_start3A_65 = arith.constant 0 : i32
    %dma_start3A_66 = tpu.memref_slice %arg2[%dma_start3A_64, %dma_start3A_65] : memref<50000x128xf32, #tpu.memory_space<hbm>> -> memref<50000x128xf32, #tpu.memory_space<hbm>>
    tpu.enqueue_indirect_dma source(%dma_start3A_66 : memref<50000x128xf32, #tpu.memory_space<hbm>>) target(%dma_start3A_60 : memref<64x128xf32, #tpu.memory_space<vmem>>) offsets(%dma_start3A_63 : memref<64xi32, #tpu.memory_space<vmem>>) semaphore(%arg10 : memref<!tpu.dma_semaphore, #tpu.memory_space<semaphore_mem>>)
    %dma_wait3A = arith.constant 0 : i32
    %dma_wait3A_67 = arith.constant 0 : i32
    %dma_wait3A_68 = arith.constant 0 : i32
    %dma_wait3A_69 = tpu.memref_slice %arg6[%dma_wait3A, %dma_wait3A_67, %dma_wait3A_68] : memref<8x64x128xf32, #tpu.memory_space<vmem>> -> memref<1x64x128xf32, #tpu.memory_space<vmem>>
    %dma_wait3A_70 = tpu.memref_squeeze %dma_wait3A_69 : memref<1x64x128xf32, #tpu.memory_space<vmem>> -> memref<64x128xf32, #tpu.memory_space<vmem>>
    %dma_wait3A_71 = arith.constant 0 : i32
    %dma_wait3A_72 = arith.constant 0 : i32
    %dma_wait3A_73 = tpu.memref_slice %arg2[%dma_wait3A_71, %dma_wait3A_72] : memref<50000x128xf32, #tpu.memory_space<hbm>> -> memref<64x128xf32, #tpu.memory_space<hbm>>
    %dma_wait3A_74 = arith.constant 0 : i32
    %dma_wait3A_75 = arith.constant 0 : i32
    %dma_wait3A_76 = tpu.memref_slice %arg6[%dma_wait3A, %dma_wait3A_74, %dma_wait3A_75] : memref<8x64x128xf32, #tpu.memory_space<vmem>> -> memref<1x64x128xf32, #tpu.memory_space<vmem>>
    %dma_wait3A_77 = tpu.memref_squeeze %dma_wait3A_76 : memref<1x64x128xf32, #tpu.memory_space<vmem>> -> memref<64x128xf32, #tpu.memory_space<vmem>>
    %dma_wait3A_78 = arith.constant 0 : i32
    %dma_wait3A_79 = arith.constant 0 : i32
    %dma_wait3A_80 = tpu.memref_slice %arg2[%dma_wait3A_78, %dma_wait3A_79] : memref<50000x128xf32, #tpu.memory_space<hbm>> -> memref<64x128xf32, #tpu.memory_space<hbm>>
    tpu.wait_dma2 semaphore(%arg7 : memref<!tpu.dma_semaphore, #tpu.memory_space<semaphore_mem>>) src(%dma_wait3A_80 : memref<64x128xf32, #tpu.memory_space<hbm>>) dst(%dma_wait3A_77 : memref<64x128xf32, #tpu.memory_space<vmem>>)
    %add3A_81 = arith.constant 0 : i32
    %add3A_82 = arith.addi %multiple_of3A, %add3A_81 : i32
    %multiple_of3A_83 = tpu.assume_multiple %add3A_82, 64 : i32
    %dma_start3A_84 = arith.constant 0 : i32
    %dma_start3A_85 = arith.constant 0 : i32
    %dma_start3A_86 = arith.constant 0 : i32
    %dma_start3A_87 = tpu.memref_slice %arg6[%dma_start3A_84, %dma_start3A_85, %dma_start3A_86] : memref<8x64x128xf32, #tpu.memory_space<vmem>> -> memref<1x64x128xf32, #tpu.memory_space<vmem>>
    %dma_start3A_88 = tpu.memref_squeeze %dma_start3A_87 : memref<1x64x128xf32, #tpu.memory_space<vmem>> -> memref<64x128xf32, #tpu.memory_space<vmem>>
    %dma_start3A_89 = arith.constant 0 : i32
    %dma_start3A_90 = tpu.memref_slice %arg4[%multiple_of3A_83, %dma_start3A_89] : memref<819200x128xf32, #tpu.memory_space<hbm>> -> memref<64x128xf32, #tpu.memory_space<hbm>>
    %dma_start3A_91 = arith.constant 0 : i32
    %dma_start3A_92 = tpu.memref_slice %arg4[%multiple_of3A_83, %dma_start3A_91] : memref<819200x128xf32, #tpu.memory_space<hbm>> -> memref<64x128xf32, #tpu.memory_space<hbm>>
    %dma_start3A_93 = arith.constant 0 : i32
    %dma_start3A_94 = arith.constant 0 : i32
    %dma_start3A_95 = tpu.memref_slice %arg6[%dma_start3A_84, %dma_start3A_93, %dma_start3A_94] : memref<8x64x128xf32, #tpu.memory_space<vmem>> -> memref<1x64x128xf32, #tpu.memory_space<vmem>>
    %dma_start3A_96 = tpu.memref_squeeze %dma_start3A_95 : memref<1x64x128xf32, #tpu.memory_space<vmem>> -> memref<64x128xf32, #tpu.memory_space<vmem>>
    tpu.enqueue_dma source(%dma_start3A_96 : memref<64x128xf32, #tpu.memory_space<vmem>>) target(%dma_start3A_92 : memref<64x128xf32, #tpu.memory_space<hbm>>) target_semaphore(%arg15 : memref<!tpu.dma_semaphore, #tpu.memory_space<semaphore_mem>>)
    %dma_start3A_97 = arith.constant 2 : i32
    %dma_start3A_98 = arith.constant 4 : i32
    %dma_start3A_99 = arith.constant 0 : i32
    %dma_start3A_100 = arith.constant 0 : i32
    %dma_start3A_101 = tpu.memref_slice %arg6[%dma_start3A_98, %dma_start3A_99, %dma_start3A_100] : memref<8x64x128xf32, #tpu.memory_space<vmem>> -> memref<1x64x128xf32, #tpu.memory_space<vmem>>
    %dma_start3A_102 = tpu.memref_squeeze %dma_start3A_101 : memref<1x64x128xf32, #tpu.memory_space<vmem>> -> memref<64x128xf32, #tpu.memory_space<vmem>>
    %dma_start3A_103 = arith.constant 0 : i32
    %dma_start3A_104 = tpu.memref_slice %arg5[%dma_start3A_97, %dma_start3A_103] : memref<200x128xi32, #tpu.memory_space<vmem>> -> memref<1x64xi32, #tpu.memory_space<vmem>>
    %dma_start3A_105 = tpu.memref_squeeze %dma_start3A_104 : memref<1x64xi32, #tpu.memory_space<vmem>> -> memref<64xi32, #tpu.memory_space<vmem>>
    %dma_start3A_106 = arith.constant 0 : i32
    %dma_start3A_107 = arith.constant 0 : i32
    %dma_start3A_108 = tpu.memref_slice %arg2[%dma_start3A_106, %dma_start3A_107] : memref<50000x128xf32, #tpu.memory_space<hbm>> -> memref<50000x128xf32, #tpu.memory_space<hbm>>
    tpu.enqueue_indirect_dma source(%dma_start3A_108 : memref<50000x128xf32, #tpu.memory_space<hbm>>) target(%dma_start3A_102 : memref<64x128xf32, #tpu.memory_space<vmem>>) offsets(%dma_start3A_105 : memref<64xi32, #tpu.memory_space<vmem>>) semaphore(%arg11 : memref<!tpu.dma_semaphore, #tpu.memory_space<semaphore_mem>>)
    %dma_wait3A_109 = arith.constant 1 : i32
    %dma_wait3A_110 = arith.constant 0 : i32
    %dma_wait3A_111 = arith.constant 0 : i32
    %dma_wait3A_112 = tpu.memref_slice %arg6[%dma_wait3A_109, %dma_wait3A_110, %dma_wait3A_111] : memref<8x64x128xf32, #tpu.memory_space<vmem>> -> memref<1x64x128xf32, #tpu.memory_space<vmem>>
    %dma_wait3A_113 = tpu.memref_squeeze %dma_wait3A_112 : memref<1x64x128xf32, #tpu.memory_space<vmem>> -> memref<64x128xf32, #tpu.memory_space<vmem>>
    %dma_wait3A_114 = arith.constant 0 : i32
    %dma_wait3A_115 = arith.constant 0 : i32
    %dma_wait3A_116 = tpu.memref_slice %arg2[%dma_wait3A_114, %dma_wait3A_115] : memref<50000x128xf32, #tpu.memory_space<hbm>> -> memref<64x128xf32, #tpu.memory_space<hbm>>
    %dma_wait3A_117 = arith.constant 0 : i32
    %dma_wait3A_118 = arith.constant 0 : i32
    %dma_wait3A_119 = tpu.memref_slice %arg6[%dma_wait3A_109, %dma_wait3A_117, %dma_wait3A_118] : memref<8x64x128xf32, #tpu.memory_space<vmem>> -> memref<1x64x128xf32, #tpu.memory_space<vmem>>
    %dma_wait3A_120 = tpu.memref_squeeze %dma_wait3A_119 : memref<1x64x128xf32, #tpu.memory_space<vmem>> -> memref<64x128xf32, #tpu.memory_space<vmem>>
    %dma_wait3A_121 = arith.constant 0 : i32
    %dma_wait3A_122 = arith.constant 0 : i32
    %dma_wait3A_123 = tpu.memref_slice %arg2[%dma_wait3A_121, %dma_wait3A_122] : memref<50000x128xf32, #tpu.memory_space<hbm>> -> memref<64x128xf32, #tpu.memory_space<hbm>>
    tpu.wait_dma2 semaphore(%arg8 : memref<!tpu.dma_semaphore, #tpu.memory_space<semaphore_mem>>) src(%dma_wait3A_123 : memref<64x128xf32, #tpu.memory_space<hbm>>) dst(%dma_wait3A_120 : memref<64x128xf32, #tpu.memory_space<vmem>>)
    %add3A_124 = arith.constant 64 : i32
    %add3A_125 = arith.addi %multiple_of3A, %add3A_124 : i32
    %multiple_of3A_126 = tpu.assume_multiple %add3A_125, 64 : i32
    %dma_start3A_127 = arith.constant 1 : i32
    %dma_start3A_128 = arith.constant 0 : i32
    %dma_start3A_129 = arith.constant 0 : i32
    %dma_start3A_130 = tpu.memref_slice %arg6[%dma_start3A_127, %dma_start3A_128, %dma_start3A_129] : memref<8x64x128xf32, #tpu.memory_space<vmem>> -> memref<1x64x128xf32, #tpu.memory_space<vmem>>
    %dma_start3A_131 = tpu.memref_squeeze %dma_start3A_130 : memref<1x64x128xf32, #tpu.memory_space<vmem>> -> memref<64x128xf32, #tpu.memory_space<vmem>>
    %dma_start3A_132 = arith.constant 0 : i32
    %dma_start3A_133 = tpu.memref_slice %arg4[%multiple_of3A_126, %dma_start3A_132] : memref<819200x128xf32, #tpu.memory_space<hbm>> -> memref<64x128xf32, #tpu.memory_space<hbm>>
    %dma_start3A_134 = arith.constant 0 : i32
    %dma_start3A_135 = tpu.memref_slice %arg4[%multiple_of3A_126, %dma_start3A_134] : memref<819200x128xf32, #tpu.memory_space<hbm>> -> memref<64x128xf32, #tpu.memory_space<hbm>>
    %dma_start3A_136 = arith.constant 0 : i32
    %dma_start3A_137 = arith.constant 0 : i32
    %dma_start3A_138 = tpu.memref_slice %arg6[%dma_start3A_127, %dma_start3A_136, %dma_start3A_137] : memref<8x64x128xf32, #tpu.memory_space<vmem>> -> memref<1x64x128xf32, #tpu.memory_space<vmem>>
    %dma_start3A_139 = tpu.memref_squeeze %dma_start3A_138 : memref<1x64x128xf32, #tpu.memory_space<vmem>> -> memref<64x128xf32, #tpu.memory_space<vmem>>
    tpu.enqueue_dma source(%dma_start3A_139 : memref<64x128xf32, #tpu.memory_space<vmem>>) target(%dma_start3A_135 : memref<64x128xf32, #tpu.memory_space<hbm>>) target_semaphore(%arg16 : memref<!tpu.dma_semaphore, #tpu.memory_space<semaphore_mem>>)
    %dma_start3A_140 = arith.constant 2 : i32
    %dma_start3A_141 = arith.constant 5 : i32
    %dma_start3A_142 = arith.constant 0 : i32
    %dma_start3A_143 = arith.constant 0 : i32
    %dma_start3A_144 = tpu.memref_slice %arg6[%dma_start3A_141, %dma_start3A_142, %dma_start3A_143] : memref<8x64x128xf32, #tpu.memory_space<vmem>> -> memref<1x64x128xf32, #tpu.memory_space<vmem>>
    %dma_start3A_145 = tpu.memref_squeeze %dma_start3A_144 : memref<1x64x128xf32, #tpu.memory_space<vmem>> -> memref<64x128xf32, #tpu.memory_space<vmem>>
    %dma_start3A_146 = arith.constant 64 : i32
    %dma_start3A_147 = tpu.memref_slice %arg5[%dma_start3A_140, %dma_start3A_146] : memref<200x128xi32, #tpu.memory_space<vmem>> -> memref<1x64xi32, #tpu.memory_space<vmem>>
    %dma_start3A_148 = tpu.memref_squeeze %dma_start3A_147 : memref<1x64xi32, #tpu.memory_space<vmem>> -> memref<64xi32, #tpu.memory_space<vmem>>
    %dma_start3A_149 = arith.constant 0 : i32
    %dma_start3A_150 = arith.constant 0 : i32
    %dma_start3A_151 = tpu.memref_slice %arg2[%dma_start3A_149, %dma_start3A_150] : memref<50000x128xf32, #tpu.memory_space<hbm>> -> memref<50000x128xf32, #tpu.memory_space<hbm>>
    tpu.enqueue_indirect_dma source(%dma_start3A_151 : memref<50000x128xf32, #tpu.memory_space<hbm>>) target(%dma_start3A_145 : memref<64x128xf32, #tpu.memory_space<vmem>>) offsets(%dma_start3A_148 : memref<64xi32, #tpu.memory_space<vmem>>) semaphore(%arg12 : memref<!tpu.dma_semaphore, #tpu.memory_space<semaphore_mem>>)
    %dma_wait3A_152 = arith.constant 2 : i32
    %dma_wait3A_153 = arith.constant 0 : i32
    %dma_wait3A_154 = arith.constant 0 : i32
    %dma_wait3A_155 = tpu.memref_slice %arg6[%dma_wait3A_152, %dma_wait3A_153, %dma_wait3A_154] : memref<8x64x128xf32, #tpu.memory_space<vmem>> -> memref<1x64x128xf32, #tpu.memory_space<vmem>>
    %dma_wait3A_156 = tpu.memref_squeeze %dma_wait3A_155 : memref<1x64x128xf32, #tpu.memory_space<vmem>> -> memref<64x128xf32, #tpu.memory_space<vmem>>
    %dma_wait3A_157 = arith.constant 0 : i32
    %dma_wait3A_158 = arith.constant 0 : i32
    %dma_wait3A_159 = tpu.memref_slice %arg2[%dma_wait3A_157, %dma_wait3A_158] : memref<50000x128xf32, #tpu.memory_space<hbm>> -> memref<64x128xf32, #tpu.memory_space<hbm>>
    %dma_wait3A_160 = arith.constant 0 : i32
    %dma_wait3A_161 = arith.constant 0 : i32
    %dma_wait3A_162 = tpu.memref_slice %arg6[%dma_wait3A_152, %dma_wait3A_160, %dma_wait3A_161] : memref<8x64x128xf32, #tpu.memory_space<vmem>> -> memref<1x64x128xf32, #tpu.memory_space<vmem>>
    %dma_wait3A_163 = tpu.memref_squeeze %dma_wait3A_162 : memref<1x64x128xf32, #tpu.memory_space<vmem>> -> memref<64x128xf32, #tpu.memory_space<vmem>>
    %dma_wait3A_164 = arith.constant 0 : i32
    %dma_wait3A_165 = arith.constant 0 : i32
    %dma_wait3A_166 = tpu.memref_slice %arg2[%dma_wait3A_164, %dma_wait3A_165] : memref<50000x128xf32, #tpu.memory_space<hbm>> -> memref<64x128xf32, #tpu.memory_space<hbm>>
    tpu.wait_dma2 semaphore(%arg9 : memref<!tpu.dma_semaphore, #tpu.memory_space<semaphore_mem>>) src(%dma_wait3A_166 : memref<64x128xf32, #tpu.memory_space<hbm>>) dst(%dma_wait3A_163 : memref<64x128xf32, #tpu.memory_space<vmem>>)
    %add3A_167 = arith.constant 128 : i32
    %add3A_168 = arith.addi %multiple_of3A, %add3A_167 : i32
    %multiple_of3A_169 = tpu.assume_multiple %add3A_168, 64 : i32
    %dma_start3A_170 = arith.constant 2 : i32
    %dma_start3A_171 = arith.constant 0 : i32
    %dma_start3A_172 = arith.constant 0 : i32
    %dma_start3A_173 = tpu.memref_slice %arg6[%dma_start3A_170, %dma_start3A_171, %dma_start3A_172] : memref<8x64x128xf32, #tpu.memory_space<vmem>> -> memref<1x64x128xf32, #tpu.memory_space<vmem>>
    %dma_start3A_174 = tpu.memref_squeeze %dma_start3A_173 : memref<1x64x128xf32, #tpu.memory_space<vmem>> -> memref<64x128xf32, #tpu.memory_space<vmem>>
    %dma_start3A_175 = arith.constant 0 : i32
    %dma_start3A_176 = tpu.memref_slice %arg4[%multiple_of3A_169, %dma_start3A_175] : memref<819200x128xf32, #tpu.memory_space<hbm>> -> memref<64x128xf32, #tpu.memory_space<hbm>>
    %dma_start3A_177 = arith.constant 0 : i32
    %dma_start3A_178 = tpu.memref_slice %arg4[%multiple_of3A_169, %dma_start3A_177] : memref<819200x128xf32, #tpu.memory_space<hbm>> -> memref<64x128xf32, #tpu.memory_space<hbm>>
    %dma_start3A_179 = arith.constant 0 : i32
    %dma_start3A_180 = arith.constant 0 : i32
    %dma_start3A_181 = tpu.memref_slice %arg6[%dma_start3A_170, %dma_start3A_179, %dma_start3A_180] : memref<8x64x128xf32, #tpu.memory_space<vmem>> -> memref<1x64x128xf32, #tpu.memory_space<vmem>>
    %dma_start3A_182 = tpu.memref_squeeze %dma_start3A_181 : memref<1x64x128xf32, #tpu.memory_space<vmem>> -> memref<64x128xf32, #tpu.memory_space<vmem>>
    tpu.enqueue_dma source(%dma_start3A_182 : memref<64x128xf32, #tpu.memory_space<vmem>>) target(%dma_start3A_178 : memref<64x128xf32, #tpu.memory_space<hbm>>) target_semaphore(%arg17 : memref<!tpu.dma_semaphore, #tpu.memory_space<semaphore_mem>>)
    %dma_start3A_183 = arith.constant 3 : i32
    %dma_start3A_184 = arith.constant 6 : i32
    %dma_start3A_185 = arith.constant 0 : i32
    %dma_start3A_186 = arith.constant 0 : i32
    %dma_start3A_187 = tpu.memref_slice %arg6[%dma_start3A_184, %dma_start3A_185, %dma_start3A_186] : memref<8x64x128xf32, #tpu.memory_space<vmem>> -> memref<1x64x128xf32, #tpu.memory_space<vmem>>
    %dma_start3A_188 = tpu.memref_squeeze %dma_start3A_187 : memref<1x64x128xf32, #tpu.memory_space<vmem>> -> memref<64x128xf32, #tpu.memory_space<vmem>>
    %dma_start3A_189 = arith.constant 0 : i32
    %dma_start3A_190 = tpu.memref_slice %arg5[%dma_start3A_183, %dma_start3A_189] : memref<200x128xi32, #tpu.memory_space<vmem>> -> memref<1x64xi32, #tpu.memory_space<vmem>>
    %dma_start3A_191 = tpu.memref_squeeze %dma_start3A_190 : memref<1x64xi32, #tpu.memory_space<vmem>> -> memref<64xi32, #tpu.memory_space<vmem>>
    %dma_start3A_192 = arith.constant 0 : i32
    %dma_start3A_193 = arith.constant 0 : i32
    %dma_start3A_194 = tpu.memref_slice %arg2[%dma_start3A_192, %dma_start3A_193] : memref<50000x128xf32, #tpu.memory_space<hbm>> -> memref<50000x128xf32, #tpu.memory_space<hbm>>
    tpu.enqueue_indirect_dma source(%dma_start3A_194 : memref<50000x128xf32, #tpu.memory_space<hbm>>) target(%dma_start3A_188 : memref<64x128xf32, #tpu.memory_space<vmem>>) offsets(%dma_start3A_191 : memref<64xi32, #tpu.memory_space<vmem>>) semaphore(%arg13 : memref<!tpu.dma_semaphore, #tpu.memory_space<semaphore_mem>>)
    %dma_wait3A_195 = arith.constant 3 : i32
    %dma_wait3A_196 = arith.constant 0 : i32
    %dma_wait3A_197 = arith.constant 0 : i32
    %dma_wait3A_198 = tpu.memref_slice %arg6[%dma_wait3A_195, %dma_wait3A_196, %dma_wait3A_197] : memref<8x64x128xf32, #tpu.memory_space<vmem>> -> memref<1x64x128xf32, #tpu.memory_space<vmem>>
    %dma_wait3A_199 = tpu.memref_squeeze %dma_wait3A_198 : memref<1x64x128xf32, #tpu.memory_space<vmem>> -> memref<64x128xf32, #tpu.memory_space<vmem>>
    %dma_wait3A_200 = arith.constant 0 : i32
    %dma_wait3A_201 = arith.constant 0 : i32
    %dma_wait3A_202 = tpu.memref_slice %arg2[%dma_wait3A_200, %dma_wait3A_201] : memref<50000x128xf32, #tpu.memory_space<hbm>> -> memref<64x128xf32, #tpu.memory_space<hbm>>
    %dma_wait3A_203 = arith.constant 0 : i32
    %dma_wait3A_204 = arith.constant 0 : i32
    %dma_wait3A_205 = tpu.memref_slice %arg6[%dma_wait3A_195, %dma_wait3A_203, %dma_wait3A_204] : memref<8x64x128xf32, #tpu.memory_space<vmem>> -> memref<1x64x128xf32, #tpu.memory_space<vmem>>
    %dma_wait3A_206 = tpu.memref_squeeze %dma_wait3A_205 : memref<1x64x128xf32, #tpu.memory_space<vmem>> -> memref<64x128xf32, #tpu.memory_space<vmem>>
    %dma_wait3A_207 = arith.constant 0 : i32
    %dma_wait3A_208 = arith.constant 0 : i32
    %dma_wait3A_209 = tpu.memref_slice %arg2[%dma_wait3A_207, %dma_wait3A_208] : memref<50000x128xf32, #tpu.memory_space<hbm>> -> memref<64x128xf32, #tpu.memory_space<hbm>>
    tpu.wait_dma2 semaphore(%arg10 : memref<!tpu.dma_semaphore, #tpu.memory_space<semaphore_mem>>) src(%dma_wait3A_209 : memref<64x128xf32, #tpu.memory_space<hbm>>) dst(%dma_wait3A_206 : memref<64x128xf32, #tpu.memory_space<vmem>>)
    %add3A_210 = arith.constant 192 : i32
    %add3A_211 = arith.addi %multiple_of3A, %add3A_210 : i32
    %multiple_of3A_212 = tpu.assume_multiple %add3A_211, 64 : i32
    %dma_start3A_213 = arith.constant 3 : i32
    %dma_start3A_214 = arith.constant 0 : i32
    %dma_start3A_215 = arith.constant 0 : i32
    %dma_start3A_216 = tpu.memref_slice %arg6[%dma_start3A_213, %dma_start3A_214, %dma_start3A_215] : memref<8x64x128xf32, #tpu.memory_space<vmem>> -> memref<1x64x128xf32, #tpu.memory_space<vmem>>
    %dma_start3A_217 = tpu.memref_squeeze %dma_start3A_216 : memref<1x64x128xf32, #tpu.memory_space<vmem>> -> memref<64x128xf32, #tpu.memory_space<vmem>>
    %dma_start3A_218 = arith.constant 0 : i32
    %dma_start3A_219 = tpu.memref_slice %arg4[%multiple_of3A_212, %dma_start3A_218] : memref<819200x128xf32, #tpu.memory_space<hbm>> -> memref<64x128xf32, #tpu.memory_space<hbm>>
    %dma_start3A_220 = arith.constant 0 : i32
    %dma_start3A_221 = tpu.memref_slice %arg4[%multiple_of3A_212, %dma_start3A_220] : memref<819200x128xf32, #tpu.memory_space<hbm>> -> memref<64x128xf32, #tpu.memory_space<hbm>>
    %dma_start3A_222 = arith.constant 0 : i32
    %dma_start3A_223 = arith.constant 0 : i32
    %dma_start3A_224 = tpu.memref_slice %arg6[%dma_start3A_213, %dma_start3A_222, %dma_start3A_223] : memref<8x64x128xf32, #tpu.memory_space<vmem>> -> memref<1x64x128xf32, #tpu.memory_space<vmem>>
    %dma_start3A_225 = tpu.memref_squeeze %dma_start3A_224 : memref<1x64x128xf32, #tpu.memory_space<vmem>> -> memref<64x128xf32, #tpu.memory_space<vmem>>
    tpu.enqueue_dma source(%dma_start3A_225 : memref<64x128xf32, #tpu.memory_space<vmem>>) target(%dma_start3A_221 : memref<64x128xf32, #tpu.memory_space<hbm>>) target_semaphore(%arg18 : memref<!tpu.dma_semaphore, #tpu.memory_space<semaphore_mem>>)
    %dma_start3A_226 = arith.constant 3 : i32
    %dma_start3A_227 = arith.constant 7 : i32
    %dma_start3A_228 = arith.constant 0 : i32
    %dma_start3A_229 = arith.constant 0 : i32
    %dma_start3A_230 = tpu.memref_slice %arg6[%dma_start3A_227, %dma_start3A_228, %dma_start3A_229] : memref<8x64x128xf32, #tpu.memory_space<vmem>> -> memref<1x64x128xf32, #tpu.memory_space<vmem>>
    %dma_start3A_231 = tpu.memref_squeeze %dma_start3A_230 : memref<1x64x128xf32, #tpu.memory_space<vmem>> -> memref<64x128xf32, #tpu.memory_space<vmem>>
    %dma_start3A_232 = arith.constant 64 : i32
    %dma_start3A_233 = tpu.memref_slice %arg5[%dma_start3A_226, %dma_start3A_232] : memref<200x128xi32, #tpu.memory_space<vmem>> -> memref<1x64xi32, #tpu.memory_space<vmem>>
    %dma_start3A_234 = tpu.memref_squeeze %dma_start3A_233 : memref<1x64xi32, #tpu.memory_space<vmem>> -> memref<64xi32, #tpu.memory_space<vmem>>
    %dma_start3A_235 = arith.constant 0 : i32
    %dma_start3A_236 = arith.constant 0 : i32
    %dma_start3A_237 = tpu.memref_slice %arg2[%dma_start3A_235, %dma_start3A_236] : memref<50000x128xf32, #tpu.memory_space<hbm>> -> memref<50000x128xf32, #tpu.memory_space<hbm>>
    tpu.enqueue_indirect_dma source(%dma_start3A_237 : memref<50000x128xf32, #tpu.memory_space<hbm>>) target(%dma_start3A_231 : memref<64x128xf32, #tpu.memory_space<vmem>>) offsets(%dma_start3A_234 : memref<64xi32, #tpu.memory_space<vmem>>) semaphore(%arg14 : memref<!tpu.dma_semaphore, #tpu.memory_space<semaphore_mem>>)
    %dma_wait3A_238 = arith.constant 4 : i32
    %dma_wait3A_239 = arith.constant 0 : i32
    %dma_wait3A_240 = arith.constant 0 : i32
    %dma_wait3A_241 = tpu.memref_slice %arg6[%dma_wait3A_238, %dma_wait3A_239, %dma_wait3A_240] : memref<8x64x128xf32, #tpu.memory_space<vmem>> -> memref<1x64x128xf32, #tpu.memory_space<vmem>>
    %dma_wait3A_242 = tpu.memref_squeeze %dma_wait3A_241 : memref<1x64x128xf32, #tpu.memory_space<vmem>> -> memref<64x128xf32, #tpu.memory_space<vmem>>
    %dma_wait3A_243 = arith.constant 0 : i32
    %dma_wait3A_244 = arith.constant 0 : i32
    %dma_wait3A_245 = tpu.memref_slice %arg2[%dma_wait3A_243, %dma_wait3A_244] : memref<50000x128xf32, #tpu.memory_space<hbm>> -> memref<64x128xf32, #tpu.memory_space<hbm>>
    %dma_wait3A_246 = arith.constant 0 : i32
    %dma_wait3A_247 = arith.constant 0 : i32
    %dma_wait3A_248 = tpu.memref_slice %arg6[%dma_wait3A_238, %dma_wait3A_246, %dma_wait3A_247] : memref<8x64x128xf32, #tpu.memory_space<vmem>> -> memref<1x64x128xf32, #tpu.memory_space<vmem>>
    %dma_wait3A_249 = tpu.memref_squeeze %dma_wait3A_248 : memref<1x64x128xf32, #tpu.memory_space<vmem>> -> memref<64x128xf32, #tpu.memory_space<vmem>>
    %dma_wait3A_250 = arith.constant 0 : i32
    %dma_wait3A_251 = arith.constant 0 : i32
    %dma_wait3A_252 = tpu.memref_slice %arg2[%dma_wait3A_250, %dma_wait3A_251] : memref<50000x128xf32, #tpu.memory_space<hbm>> -> memref<64x128xf32, #tpu.memory_space<hbm>>
    tpu.wait_dma2 semaphore(%arg11 : memref<!tpu.dma_semaphore, #tpu.memory_space<semaphore_mem>>) src(%dma_wait3A_252 : memref<64x128xf32, #tpu.memory_space<hbm>>) dst(%dma_wait3A_249 : memref<64x128xf32, #tpu.memory_space<vmem>>)
    %add3A_253 = arith.constant 256 : i32
    %add3A_254 = arith.addi %multiple_of3A, %add3A_253 : i32
    %multiple_of3A_255 = tpu.assume_multiple %add3A_254, 64 : i32
    %dma_start3A_256 = arith.constant 4 : i32
    %dma_start3A_257 = arith.constant 0 : i32
    %dma_start3A_258 = arith.constant 0 : i32
    %dma_start3A_259 = tpu.memref_slice %arg6[%dma_start3A_256, %dma_start3A_257, %dma_start3A_258] : memref<8x64x128xf32, #tpu.memory_space<vmem>> -> memref<1x64x128xf32, #tpu.memory_space<vmem>>
    %dma_start3A_260 = tpu.memref_squeeze %dma_start3A_259 : memref<1x64x128xf32, #tpu.memory_space<vmem>> -> memref<64x128xf32, #tpu.memory_space<vmem>>
    %dma_start3A_261 = arith.constant 0 : i32
    %dma_start3A_262 = tpu.memref_slice %arg4[%multiple_of3A_255, %dma_start3A_261] : memref<819200x128xf32, #tpu.memory_space<hbm>> -> memref<64x128xf32, #tpu.memory_space<hbm>>
    %dma_start3A_263 = arith.constant 0 : i32
    %dma_start3A_264 = tpu.memref_slice %arg4[%multiple_of3A_255, %dma_start3A_263] : memref<819200x128xf32, #tpu.memory_space<hbm>> -> memref<64x128xf32, #tpu.memory_space<hbm>>
    %dma_start3A_265 = arith.constant 0 : i32
    %dma_start3A_266 = arith.constant 0 : i32
    %dma_start3A_267 = tpu.memref_slice %arg6[%dma_start3A_256, %dma_start3A_265, %dma_start3A_266] : memref<8x64x128xf32, #tpu.memory_space<vmem>> -> memref<1x64x128xf32, #tpu.memory_space<vmem>>
    %dma_start3A_268 = tpu.memref_squeeze %dma_start3A_267 : memref<1x64x128xf32, #tpu.memory_space<vmem>> -> memref<64x128xf32, #tpu.memory_space<vmem>>
    tpu.enqueue_dma source(%dma_start3A_268 : memref<64x128xf32, #tpu.memory_space<vmem>>) target(%dma_start3A_264 : memref<64x128xf32, #tpu.memory_space<hbm>>) target_semaphore(%arg19 : memref<!tpu.dma_semaphore, #tpu.memory_space<semaphore_mem>>)
    %dma_wait3A_269 = arith.constant 0 : i32
    %dma_wait3A_270 = arith.constant 0 : i32
    %dma_wait3A_271 = arith.constant 0 : i32
    %dma_wait3A_272 = tpu.memref_slice %arg6[%dma_wait3A_269, %dma_wait3A_270, %dma_wait3A_271] : memref<8x64x128xf32, #tpu.memory_space<vmem>> -> memref<1x64x128xf32, #tpu.memory_space<vmem>>
    %dma_wait3A_273 = tpu.memref_squeeze %dma_wait3A_272 : memref<1x64x128xf32, #tpu.memory_space<vmem>> -> memref<64x128xf32, #tpu.memory_space<vmem>>
    %dma_wait3A_274 = arith.constant 0 : i32
    %dma_wait3A_275 = arith.constant 0 : i32
    %dma_wait3A_276 = tpu.memref_slice %arg4[%dma_wait3A_274, %dma_wait3A_275] : memref<819200x128xf32, #tpu.memory_space<hbm>> -> memref<64x128xf32, #tpu.memory_space<hbm>>
    %dma_wait3A_277 = arith.constant 0 : i32
    %dma_wait3A_278 = arith.constant 0 : i32
    %dma_wait3A_279 = tpu.memref_slice %arg4[%dma_wait3A_277, %dma_wait3A_278] : memref<819200x128xf32, #tpu.memory_space<hbm>> -> memref<64x128xf32, #tpu.memory_space<hbm>>
    %dma_wait3A_280 = arith.constant 0 : i32
    %dma_wait3A_281 = arith.constant 0 : i32
    %dma_wait3A_282 = tpu.memref_slice %arg6[%dma_wait3A_269, %dma_wait3A_280, %dma_wait3A_281] : memref<8x64x128xf32, #tpu.memory_space<vmem>> -> memref<1x64x128xf32, #tpu.memory_space<vmem>>
    %dma_wait3A_283 = tpu.memref_squeeze %dma_wait3A_282 : memref<1x64x128xf32, #tpu.memory_space<vmem>> -> memref<64x128xf32, #tpu.memory_space<vmem>>
    tpu.wait_dma2 semaphore(%arg15 : memref<!tpu.dma_semaphore, #tpu.memory_space<semaphore_mem>>) src(%dma_wait3A_283 : memref<64x128xf32, #tpu.memory_space<vmem>>) dst(%dma_wait3A_279 : memref<64x128xf32, #tpu.memory_space<hbm>>)
    %dma_start3A_284 = arith.constant 4 : i32
    %dma_start3A_285 = arith.constant 0 : i32
    %dma_start3A_286 = arith.constant 0 : i32
    %dma_start3A_287 = arith.constant 0 : i32
    %dma_start3A_288 = tpu.memref_slice %arg6[%dma_start3A_285, %dma_start3A_286, %dma_start3A_287] : memref<8x64x128xf32, #tpu.memory_space<vmem>> -> memref<1x64x128xf32, #tpu.memory_space<vmem>>
    %dma_start3A_289 = tpu.memref_squeeze %dma_start3A_288 : memref<1x64x128xf32, #tpu.memory_space<vmem>> -> memref<64x128xf32, #tpu.memory_space<vmem>>
    %dma_start3A_290 = arith.constant 0 : i32
    %dma_start3A_291 = tpu.memref_slice %arg5[%dma_start3A_284, %dma_start3A_290] : memref<200x128xi32, #tpu.memory_space<vmem>> -> memref<1x64xi32, #tpu.memory_space<vmem>>
    %dma_start3A_292 = tpu.memref_squeeze %dma_start3A_291 : memref<1x64xi32, #tpu.memory_space<vmem>> -> memref<64xi32, #tpu.memory_space<vmem>>
    %dma_start3A_293 = arith.constant 0 : i32
    %dma_start3A_294 = arith.constant 0 : i32
    %dma_start3A_295 = tpu.memref_slice %arg2[%dma_start3A_293, %dma_start3A_294] : memref<50000x128xf32, #tpu.memory_space<hbm>> -> memref<50000x128xf32, #tpu.memory_space<hbm>>
    tpu.enqueue_indirect_dma source(%dma_start3A_295 : memref<50000x128xf32, #tpu.memory_space<hbm>>) target(%dma_start3A_289 : memref<64x128xf32, #tpu.memory_space<vmem>>) offsets(%dma_start3A_292 : memref<64xi32, #tpu.memory_space<vmem>>) semaphore(%arg7 : memref<!tpu.dma_semaphore, #tpu.memory_space<semaphore_mem>>)
    %dma_wait3A_296 = arith.constant 5 : i32
    %dma_wait3A_297 = arith.constant 0 : i32
    %dma_wait3A_298 = arith.constant 0 : i32
    %dma_wait3A_299 = tpu.memref_slice %arg6[%dma_wait3A_296, %dma_wait3A_297, %dma_wait3A_298] : memref<8x64x128xf32, #tpu.memory_space<vmem>> -> memref<1x64x128xf32, #tpu.memory_space<vmem>>
    %dma_wait3A_300 = tpu.memref_squeeze %dma_wait3A_299 : memref<1x64x128xf32, #tpu.memory_space<vmem>> -> memref<64x128xf32, #tpu.memory_space<vmem>>
    %dma_wait3A_301 = arith.constant 0 : i32
    %dma_wait3A_302 = arith.constant 0 : i32
    %dma_wait3A_303 = tpu.memref_slice %arg2[%dma_wait3A_301, %dma_wait3A_302] : memref<50000x128xf32, #tpu.memory_space<hbm>> -> memref<64x128xf32, #tpu.memory_space<hbm>>
    %dma_wait3A_304 = arith.constant 0 : i32
    %dma_wait3A_305 = arith.constant 0 : i32
    %dma_wait3A_306 = tpu.memref_slice %arg6[%dma_wait3A_296, %dma_wait3A_304, %dma_wait3A_305] : memref<8x64x128xf32, #tpu.memory_space<vmem>> -> memref<1x64x128xf32, #tpu.memory_space<vmem>>
    %dma_wait3A_307 = tpu.memref_squeeze %dma_wait3A_306 : memref<1x64x128xf32, #tpu.memory_space<vmem>> -> memref<64x128xf32, #tpu.memory_space<vmem>>
    %dma_wait3A_308 = arith.constant 0 : i32
    %dma_wait3A_309 = arith.constant 0 : i32
    %dma_wait3A_310 = tpu.memref_slice %arg2[%dma_wait3A_308, %dma_wait3A_309] : memref<50000x128xf32, #tpu.memory_space<hbm>> -> memref<64x128xf32, #tpu.memory_space<hbm>>
    tpu.wait_dma2 semaphore(%arg12 : memref<!tpu.dma_semaphore, #tpu.memory_space<semaphore_mem>>) src(%dma_wait3A_310 : memref<64x128xf32, #tpu.memory_space<hbm>>) dst(%dma_wait3A_307 : memref<64x128xf32, #tpu.memory_space<vmem>>)
    %add3A_311 = arith.constant 320 : i32
    %add3A_312 = arith.addi %multiple_of3A, %add3A_311 : i32
    %multiple_of3A_313 = tpu.assume_multiple %add3A_312, 64 : i32
    %dma_start3A_314 = arith.constant 5 : i32
    %dma_start3A_315 = arith.constant 0 : i32
    %dma_start3A_316 = arith.constant 0 : i32
    %dma_start3A_317 = tpu.memref_slice %arg6[%dma_start3A_314, %dma_start3A_315, %dma_start3A_316] : memref<8x64x128xf32, #tpu.memory_space<vmem>> -> memref<1x64x128xf32, #tpu.memory_space<vmem>>
    %dma_start3A_318 = tpu.memref_squeeze %dma_start3A_317 : memref<1x64x128xf32, #tpu.memory_space<vmem>> -> memref<64x128xf32, #tpu.memory_space<vmem>>
    %dma_start3A_319 = arith.constant 0 : i32
    %dma_start3A_320 = tpu.memref_slice %arg4[%multiple_of3A_313, %dma_start3A_319] : memref<819200x128xf32, #tpu.memory_space<hbm>> -> memref<64x128xf32, #tpu.memory_space<hbm>>
    %dma_start3A_321 = arith.constant 0 : i32
    %dma_start3A_322 = tpu.memref_slice %arg4[%multiple_of3A_313, %dma_start3A_321] : memref<819200x128xf32, #tpu.memory_space<hbm>> -> memref<64x128xf32, #tpu.memory_space<hbm>>
    %dma_start3A_323 = arith.constant 0 : i32
    %dma_start3A_324 = arith.constant 0 : i32
    %dma_start3A_325 = tpu.memref_slice %arg6[%dma_start3A_314, %dma_start3A_323, %dma_start3A_324] : memref<8x64x128xf32, #tpu.memory_space<vmem>> -> memref<1x64x128xf32, #tpu.memory_space<vmem>>
    %dma_start3A_326 = tpu.memref_squeeze %dma_start3A_325 : memref<1x64x128xf32, #tpu.memory_space<vmem>> -> memref<64x128xf32, #tpu.memory_space<vmem>>
    tpu.enqueue_dma source(%dma_start3A_326 : memref<64x128xf32, #tpu.memory_space<vmem>>) target(%dma_start3A_322 : memref<64x128xf32, #tpu.memory_space<hbm>>) target_semaphore(%arg20 : memref<!tpu.dma_semaphore, #tpu.memory_space<semaphore_mem>>)
    %dma_wait3A_327 = arith.constant 1 : i32
    %dma_wait3A_328 = arith.constant 0 : i32
    %dma_wait3A_329 = arith.constant 0 : i32
    %dma_wait3A_330 = tpu.memref_slice %arg6[%dma_wait3A_327, %dma_wait3A_328, %dma_wait3A_329] : memref<8x64x128xf32, #tpu.memory_space<vmem>> -> memref<1x64x128xf32, #tpu.memory_space<vmem>>
    %dma_wait3A_331 = tpu.memref_squeeze %dma_wait3A_330 : memref<1x64x128xf32, #tpu.memory_space<vmem>> -> memref<64x128xf32, #tpu.memory_space<vmem>>
    %dma_wait3A_332 = arith.constant 0 : i32
    %dma_wait3A_333 = arith.constant 0 : i32
    %dma_wait3A_334 = tpu.memref_slice %arg4[%dma_wait3A_332, %dma_wait3A_333] : memref<819200x128xf32, #tpu.memory_space<hbm>> -> memref<64x128xf32, #tpu.memory_space<hbm>>
    %dma_wait3A_335 = arith.constant 0 : i32
    %dma_wait3A_336 = arith.constant 0 : i32
    %dma_wait3A_337 = tpu.memref_slice %arg4[%dma_wait3A_335, %dma_wait3A_336] : memref<819200x128xf32, #tpu.memory_space<hbm>> -> memref<64x128xf32, #tpu.memory_space<hbm>>
    %dma_wait3A_338 = arith.constant 0 : i32
    %dma_wait3A_339 = arith.constant 0 : i32
    %dma_wait3A_340 = tpu.memref_slice %arg6[%dma_wait3A_327, %dma_wait3A_338, %dma_wait3A_339] : memref<8x64x128xf32, #tpu.memory_space<vmem>> -> memref<1x64x128xf32, #tpu.memory_space<vmem>>
    %dma_wait3A_341 = tpu.memref_squeeze %dma_wait3A_340 : memref<1x64x128xf32, #tpu.memory_space<vmem>> -> memref<64x128xf32, #tpu.memory_space<vmem>>
    tpu.wait_dma2 semaphore(%arg16 : memref<!tpu.dma_semaphore, #tpu.memory_space<semaphore_mem>>) src(%dma_wait3A_341 : memref<64x128xf32, #tpu.memory_space<vmem>>) dst(%dma_wait3A_337 : memref<64x128xf32, #tpu.memory_space<hbm>>)
    %dma_start3A_342 = arith.constant 4 : i32
    %dma_start3A_343 = arith.constant 1 : i32
    %dma_start3A_344 = arith.constant 0 : i32
    %dma_start3A_345 = arith.constant 0 : i32
    %dma_start3A_346 = tpu.memref_slice %arg6[%dma_start3A_343, %dma_start3A_344, %dma_start3A_345] : memref<8x64x128xf32, #tpu.memory_space<vmem>> -> memref<1x64x128xf32, #tpu.memory_space<vmem>>
    %dma_start3A_347 = tpu.memref_squeeze %dma_start3A_346 : memref<1x64x128xf32, #tpu.memory_space<vmem>> -> memref<64x128xf32, #tpu.memory_space<vmem>>
    %dma_start3A_348 = arith.constant 64 : i32
    %dma_start3A_349 = tpu.memref_slice %arg5[%dma_start3A_342, %dma_start3A_348] : memref<200x128xi32, #tpu.memory_space<vmem>> -> memref<1x64xi32, #tpu.memory_space<vmem>>
    %dma_start3A_350 = tpu.memref_squeeze %dma_start3A_349 : memref<1x64xi32, #tpu.memory_space<vmem>> -> memref<64xi32, #tpu.memory_space<vmem>>
    %dma_start3A_351 = arith.constant 0 : i32
    %dma_start3A_352 = arith.constant 0 : i32
    %dma_start3A_353 = tpu.memref_slice %arg2[%dma_start3A_351, %dma_start3A_352] : memref<50000x128xf32, #tpu.memory_space<hbm>> -> memref<50000x128xf32, #tpu.memory_space<hbm>>
    tpu.enqueue_indirect_dma source(%dma_start3A_353 : memref<50000x128xf32, #tpu.memory_space<hbm>>) target(%dma_start3A_347 : memref<64x128xf32, #tpu.memory_space<vmem>>) offsets(%dma_start3A_350 : memref<64xi32, #tpu.memory_space<vmem>>) semaphore(%arg8 : memref<!tpu.dma_semaphore, #tpu.memory_space<semaphore_mem>>)
    %dma_wait3A_354 = arith.constant 6 : i32
    %dma_wait3A_355 = arith.constant 0 : i32
    %dma_wait3A_356 = arith.constant 0 : i32
    %dma_wait3A_357 = tpu.memref_slice %arg6[%dma_wait3A_354, %dma_wait3A_355, %dma_wait3A_356] : memref<8x64x128xf32, #tpu.memory_space<vmem>> -> memref<1x64x128xf32, #tpu.memory_space<vmem>>
    %dma_wait3A_358 = tpu.memref_squeeze %dma_wait3A_357 : memref<1x64x128xf32, #tpu.memory_space<vmem>> -> memref<64x128xf32, #tpu.memory_space<vmem>>
    %dma_wait3A_359 = arith.constant 0 : i32
    %dma_wait3A_360 = arith.constant 0 : i32
    %dma_wait3A_361 = tpu.memref_slice %arg2[%dma_wait3A_359, %dma_wait3A_360] : memref<50000x128xf32, #tpu.memory_space<hbm>> -> memref<64x128xf32, #tpu.memory_space<hbm>>
    %dma_wait3A_362 = arith.constant 0 : i32
    %dma_wait3A_363 = arith.constant 0 : i32
    %dma_wait3A_364 = tpu.memref_slice %arg6[%dma_wait3A_354, %dma_wait3A_362, %dma_wait3A_363] : memref<8x64x128xf32, #tpu.memory_space<vmem>> -> memref<1x64x128xf32, #tpu.memory_space<vmem>>
    %dma_wait3A_365 = tpu.memref_squeeze %dma_wait3A_364 : memref<1x64x128xf32, #tpu.memory_space<vmem>> -> memref<64x128xf32, #tpu.memory_space<vmem>>
    %dma_wait3A_366 = arith.constant 0 : i32
    %dma_wait3A_367 = arith.constant 0 : i32
    %dma_wait3A_368 = tpu.memref_slice %arg2[%dma_wait3A_366, %dma_wait3A_367] : memref<50000x128xf32, #tpu.memory_space<hbm>> -> memref<64x128xf32, #tpu.memory_space<hbm>>
    tpu.wait_dma2 semaphore(%arg13 : memref<!tpu.dma_semaphore, #tpu.memory_space<semaphore_mem>>) src(%dma_wait3A_368 : memref<64x128xf32, #tpu.memory_space<hbm>>) dst(%dma_wait3A_365 : memref<64x128xf32, #tpu.memory_space<vmem>>)
    %add3A_369 = arith.constant 384 : i32
    %add3A_370 = arith.addi %multiple_of3A, %add3A_369 : i32
    %multiple_of3A_371 = tpu.assume_multiple %add3A_370, 64 : i32
    %dma_start3A_372 = arith.constant 6 : i32
    %dma_start3A_373 = arith.constant 0 : i32
    %dma_start3A_374 = arith.constant 0 : i32
    %dma_start3A_375 = tpu.memref_slice %arg6[%dma_start3A_372, %dma_start3A_373, %dma_start3A_374] : memref<8x64x128xf32, #tpu.memory_space<vmem>> -> memref<1x64x128xf32, #tpu.memory_space<vmem>>
    %dma_start3A_376 = tpu.memref_squeeze %dma_start3A_375 : memref<1x64x128xf32, #tpu.memory_space<vmem>> -> memref<64x128xf32, #tpu.memory_space<vmem>>
    %dma_start3A_377 = arith.constant 0 : i32
    %dma_start3A_378 = tpu.memref_slice %arg4[%multiple_of3A_371, %dma_start3A_377] : memref<819200x128xf32, #tpu.memory_space<hbm>> -> memref<64x128xf32, #tpu.memory_space<hbm>>
    %dma_start3A_379 = arith.constant 0 : i32
    %dma_start3A_380 = tpu.memref_slice %arg4[%multiple_of3A_371, %dma_start3A_379] : memref<819200x128xf32, #tpu.memory_space<hbm>> -> memref<64x128xf32, #tpu.memory_space<hbm>>
    %dma_start3A_381 = arith.constant 0 : i32
    %dma_start3A_382 = arith.constant 0 : i32
    %dma_start3A_383 = tpu.memref_slice %arg6[%dma_start3A_372, %dma_start3A_381, %dma_start3A_382] : memref<8x64x128xf32, #tpu.memory_space<vmem>> -> memref<1x64x128xf32, #tpu.memory_space<vmem>>
    %dma_start3A_384 = tpu.memref_squeeze %dma_start3A_383 : memref<1x64x128xf32, #tpu.memory_space<vmem>> -> memref<64x128xf32, #tpu.memory_space<vmem>>
    tpu.enqueue_dma source(%dma_start3A_384 : memref<64x128xf32, #tpu.memory_space<vmem>>) target(%dma_start3A_380 : memref<64x128xf32, #tpu.memory_space<hbm>>) target_semaphore(%arg21 : memref<!tpu.dma_semaphore, #tpu.memory_space<semaphore_mem>>)
    %dma_wait3A_385 = arith.constant 2 : i32
    %dma_wait3A_386 = arith.constant 0 : i32
    %dma_wait3A_387 = arith.constant 0 : i32
    %dma_wait3A_388 = tpu.memref_slice %arg6[%dma_wait3A_385, %dma_wait3A_386, %dma_wait3A_387] : memref<8x64x128xf32, #tpu.memory_space<vmem>> -> memref<1x64x128xf32, #tpu.memory_space<vmem>>
    %dma_wait3A_389 = tpu.memref_squeeze %dma_wait3A_388 : memref<1x64x128xf32, #tpu.memory_space<vmem>> -> memref<64x128xf32, #tpu.memory_space<vmem>>
    %dma_wait3A_390 = arith.constant 0 : i32
    %dma_wait3A_391 = arith.constant 0 : i32
    %dma_wait3A_392 = tpu.memref_slice %arg4[%dma_wait3A_390, %dma_wait3A_391] : memref<819200x128xf32, #tpu.memory_space<hbm>> -> memref<64x128xf32, #tpu.memory_space<hbm>>
    %dma_wait3A_393 = arith.constant 0 : i32
    %dma_wait3A_394 = arith.constant 0 : i32
    %dma_wait3A_395 = tpu.memref_slice %arg4[%dma_wait3A_393, %dma_wait3A_394] : memref<819200x128xf32, #tpu.memory_space<hbm>> -> memref<64x128xf32, #tpu.memory_space<hbm>>
    %dma_wait3A_396 = arith.constant 0 : i32
    %dma_wait3A_397 = arith.constant 0 : i32
    %dma_wait3A_398 = tpu.memref_slice %arg6[%dma_wait3A_385, %dma_wait3A_396, %dma_wait3A_397] : memref<8x64x128xf32, #tpu.memory_space<vmem>> -> memref<1x64x128xf32, #tpu.memory_space<vmem>>
    %dma_wait3A_399 = tpu.memref_squeeze %dma_wait3A_398 : memref<1x64x128xf32, #tpu.memory_space<vmem>> -> memref<64x128xf32, #tpu.memory_space<vmem>>
    tpu.wait_dma2 semaphore(%arg17 : memref<!tpu.dma_semaphore, #tpu.memory_space<semaphore_mem>>) src(%dma_wait3A_399 : memref<64x128xf32, #tpu.memory_space<vmem>>) dst(%dma_wait3A_395 : memref<64x128xf32, #tpu.memory_space<hbm>>)
    %dma_start3A_400 = arith.constant 5 : i32
    %dma_start3A_401 = arith.constant 2 : i32
    %dma_start3A_402 = arith.constant 0 : i32
    %dma_start3A_403 = arith.constant 0 : i32
    %dma_start3A_404 = tpu.memref_slice %arg6[%dma_start3A_401, %dma_start3A_402, %dma_start3A_403] : memref<8x64x128xf32, #tpu.memory_space<vmem>> -> memref<1x64x128xf32, #tpu.memory_space<vmem>>
    %dma_start3A_405 = tpu.memref_squeeze %dma_start3A_404 : memref<1x64x128xf32, #tpu.memory_space<vmem>> -> memref<64x128xf32, #tpu.memory_space<vmem>>
    %dma_start3A_406 = arith.constant 0 : i32
    %dma_start3A_407 = tpu.memref_slice %arg5[%dma_start3A_400, %dma_start3A_406] : memref<200x128xi32, #tpu.memory_space<vmem>> -> memref<1x64xi32, #tpu.memory_space<vmem>>
    %dma_start3A_408 = tpu.memref_squeeze %dma_start3A_407 : memref<1x64xi32, #tpu.memory_space<vmem>> -> memref<64xi32, #tpu.memory_space<vmem>>
    %dma_start3A_409 = arith.constant 0 : i32
    %dma_start3A_410 = arith.constant 0 : i32
    %dma_start3A_411 = tpu.memref_slice %arg2[%dma_start3A_409, %dma_start3A_410] : memref<50000x128xf32, #tpu.memory_space<hbm>> -> memref<50000x128xf32, #tpu.memory_space<hbm>>
    tpu.enqueue_indirect_dma source(%dma_start3A_411 : memref<50000x128xf32, #tpu.memory_space<hbm>>) target(%dma_start3A_405 : memref<64x128xf32, #tpu.memory_space<vmem>>) offsets(%dma_start3A_408 : memref<64xi32, #tpu.memory_space<vmem>>) semaphore(%arg9 : memref<!tpu.dma_semaphore, #tpu.memory_space<semaphore_mem>>)
    %dma_wait3A_412 = arith.constant 7 : i32
    %dma_wait3A_413 = arith.constant 0 : i32
    %dma_wait3A_414 = arith.constant 0 : i32
    %dma_wait3A_415 = tpu.memref_slice %arg6[%dma_wait3A_412, %dma_wait3A_413, %dma_wait3A_414] : memref<8x64x128xf32, #tpu.memory_space<vmem>> -> memref<1x64x128xf32, #tpu.memory_space<vmem>>
    %dma_wait3A_416 = tpu.memref_squeeze %dma_wait3A_415 : memref<1x64x128xf32, #tpu.memory_space<vmem>> -> memref<64x128xf32, #tpu.memory_space<vmem>>
    %dma_wait3A_417 = arith.constant 0 : i32
    %dma_wait3A_418 = arith.constant 0 : i32
    %dma_wait3A_419 = tpu.memref_slice %arg2[%dma_wait3A_417, %dma_wait3A_418] : memref<50000x128xf32, #tpu.memory_space<hbm>> -> memref<64x128xf32, #tpu.memory_space<hbm>>
    %dma_wait3A_420 = arith.constant 0 : i32
    %dma_wait3A_421 = arith.constant 0 : i32
    %dma_wait3A_422 = tpu.memref_slice %arg6[%dma_wait3A_412, %dma_wait3A_420, %dma_wait3A_421] : memref<8x64x128xf32, #tpu.memory_space<vmem>> -> memref<1x64x128xf32, #tpu.memory_space<vmem>>
    %dma_wait3A_423 = tpu.memref_squeeze %dma_wait3A_422 : memref<1x64x128xf32, #tpu.memory_space<vmem>> -> memref<64x128xf32, #tpu.memory_space<vmem>>
    %dma_wait3A_424 = arith.constant 0 : i32
    %dma_wait3A_425 = arith.constant 0 : i32
    %dma_wait3A_426 = tpu.memref_slice %arg2[%dma_wait3A_424, %dma_wait3A_425] : memref<50000x128xf32, #tpu.memory_space<hbm>> -> memref<64x128xf32, #tpu.memory_space<hbm>>
    tpu.wait_dma2 semaphore(%arg14 : memref<!tpu.dma_semaphore, #tpu.memory_space<semaphore_mem>>) src(%dma_wait3A_426 : memref<64x128xf32, #tpu.memory_space<hbm>>) dst(%dma_wait3A_423 : memref<64x128xf32, #tpu.memory_space<vmem>>)
    %add3A_427 = arith.constant 448 : i32
    %add3A_428 = arith.addi %multiple_of3A, %add3A_427 : i32
    %multiple_of3A_429 = tpu.assume_multiple %add3A_428, 64 : i32
    %dma_start3A_430 = arith.constant 7 : i32
    %dma_start3A_431 = arith.constant 0 : i32
    %dma_start3A_432 = arith.constant 0 : i32
    %dma_start3A_433 = tpu.memref_slice %arg6[%dma_start3A_430, %dma_start3A_431, %dma_start3A_432] : memref<8x64x128xf32, #tpu.memory_space<vmem>> -> memref<1x64x128xf32, #tpu.memory_space<vmem>>
    %dma_start3A_434 = tpu.memref_squeeze %dma_start3A_433 : memref<1x64x128xf32, #tpu.memory_space<vmem>> -> memref<64x128xf32, #tpu.memory_space<vmem>>
    %dma_start3A_435 = arith.constant 0 : i32
    %dma_start3A_436 = tpu.memref_slice %arg4[%multiple_of3A_429, %dma_start3A_435] : memref<819200x128xf32, #tpu.memory_space<hbm>> -> memref<64x128xf32, #tpu.memory_space<hbm>>
    %dma_start3A_437 = arith.constant 0 : i32
    %dma_start3A_438 = tpu.memref_slice %arg4[%multiple_of3A_429, %dma_start3A_437] : memref<819200x128xf32, #tpu.memory_space<hbm>> -> memref<64x128xf32, #tpu.memory_space<hbm>>
    %dma_start3A_439 = arith.constant 0 : i32
    %dma_start3A_440 = arith.constant 0 : i32
    %dma_start3A_441 = tpu.memref_slice %arg6[%dma_start3A_430, %dma_start3A_439, %dma_start3A_440] : memref<8x64x128xf32, #tpu.memory_space<vmem>> -> memref<1x64x128xf32, #tpu.memory_space<vmem>>
    %dma_start3A_442 = tpu.memref_squeeze %dma_start3A_441 : memref<1x64x128xf32, #tpu.memory_space<vmem>> -> memref<64x128xf32, #tpu.memory_space<vmem>>
    tpu.enqueue_dma source(%dma_start3A_442 : memref<64x128xf32, #tpu.memory_space<vmem>>) target(%dma_start3A_438 : memref<64x128xf32, #tpu.memory_space<hbm>>) target_semaphore(%arg22 : memref<!tpu.dma_semaphore, #tpu.memory_space<semaphore_mem>>)
    %dma_wait3A_443 = arith.constant 3 : i32
    %dma_wait3A_444 = arith.constant 0 : i32
    %dma_wait3A_445 = arith.constant 0 : i32
    %dma_wait3A_446 = tpu.memref_slice %arg6[%dma_wait3A_443, %dma_wait3A_444, %dma_wait3A_445] : memref<8x64x128xf32, #tpu.memory_space<vmem>> -> memref<1x64x128xf32, #tpu.memory_space<vmem>>
    %dma_wait3A_447 = tpu.memref_squeeze %dma_wait3A_446 : memref<1x64x128xf32, #tpu.memory_space<vmem>> -> memref<64x128xf32, #tpu.memory_space<vmem>>
    %dma_wait3A_448 = arith.constant 0 : i32
    %dma_wait3A_449 = arith.constant 0 : i32
    %dma_wait3A_450 = tpu.memref_slice %arg4[%dma_wait3A_448, %dma_wait3A_449] : memref<819200x128xf32, #tpu.memory_space<hbm>> -> memref<64x128xf32, #tpu.memory_space<hbm>>
    %dma_wait3A_451 = arith.constant 0 : i32
    %dma_wait3A_452 = arith.constant 0 : i32
    %dma_wait3A_453 = tpu.memref_slice %arg4[%dma_wait3A_451, %dma_wait3A_452] : memref<819200x128xf32, #tpu.memory_space<hbm>> -> memref<64x128xf32, #tpu.memory_space<hbm>>
    %dma_wait3A_454 = arith.constant 0 : i32
    %dma_wait3A_455 = arith.constant 0 : i32
    %dma_wait3A_456 = tpu.memref_slice %arg6[%dma_wait3A_443, %dma_wait3A_454, %dma_wait3A_455] : memref<8x64x128xf32, #tpu.memory_space<vmem>> -> memref<1x64x128xf32, #tpu.memory_space<vmem>>
    %dma_wait3A_457 = tpu.memref_squeeze %dma_wait3A_456 : memref<1x64x128xf32, #tpu.memory_space<vmem>> -> memref<64x128xf32, #tpu.memory_space<vmem>>
    tpu.wait_dma2 semaphore(%arg18 : memref<!tpu.dma_semaphore, #tpu.memory_space<semaphore_mem>>) src(%dma_wait3A_457 : memref<64x128xf32, #tpu.memory_space<vmem>>) dst(%dma_wait3A_453 : memref<64x128xf32, #tpu.memory_space<hbm>>)
    %dma_start3A_458 = arith.constant 5 : i32
    %dma_start3A_459 = arith.constant 3 : i32
    %dma_start3A_460 = arith.constant 0 : i32
    %dma_start3A_461 = arith.constant 0 : i32
    %dma_start3A_462 = tpu.memref_slice %arg6[%dma_start3A_459, %dma_start3A_460, %dma_start3A_461] : memref<8x64x128xf32, #tpu.memory_space<vmem>> -> memref<1x64x128xf32, #tpu.memory_space<vmem>>
    %dma_start3A_463 = tpu.memref_squeeze %dma_start3A_462 : memref<1x64x128xf32, #tpu.memory_space<vmem>> -> memref<64x128xf32, #tpu.memory_space<vmem>>
    %dma_start3A_464 = arith.constant 64 : i32
    %dma_start3A_465 = tpu.memref_slice %arg5[%dma_start3A_458, %dma_start3A_464] : memref<200x128xi32, #tpu.memory_space<vmem>> -> memref<1x64xi32, #tpu.memory_space<vmem>>
    %dma_start3A_466 = tpu.memref_squeeze %dma_start3A_465 : memref<1x64xi32, #tpu.memory_space<vmem>> -> memref<64xi32, #tpu.memory_space<vmem>>
    %dma_start3A_467 = arith.constant 0 : i32
    %dma_start3A_468 = arith.constant 0 : i32
    %dma_start3A_469 = tpu.memref_slice %arg2[%dma_start3A_467, %dma_start3A_468] : memref<50000x128xf32, #tpu.memory_space<hbm>> -> memref<50000x128xf32, #tpu.memory_space<hbm>>
    tpu.enqueue_indirect_dma source(%dma_start3A_469 : memref<50000x128xf32, #tpu.memory_space<hbm>>) target(%dma_start3A_463 : memref<64x128xf32, #tpu.memory_space<vmem>>) offsets(%dma_start3A_466 : memref<64xi32, #tpu.memory_space<vmem>>) semaphore(%arg10 : memref<!tpu.dma_semaphore, #tpu.memory_space<semaphore_mem>>)
    %scan3A = arith.constant 0 : i32
    %scan3A_470 = arith.constant 1 : i32
    %scan3A_471 = arith.constant 48 : i32
    %scan3A_472 = arith.addi %scan3A_470, %scan3A_471 : i32
    %scan3A_473 = arith.constant 1 : i32
    scf.for %scan3A_951 = %scan3A_470 to %scan3A_472 step %scan3A_473  : i32 {
      %mul3A_952 = arith.constant 8 : i32
      %mul3A_953 = arith.muli %scan3A_951, %mul3A_952 : i32
      %dma_wait3A_954 = arith.constant 0 : i32
      %dma_wait3A_955 = arith.constant 0 : i32
      %dma_wait3A_956 = arith.constant 0 : i32
      %dma_wait3A_957 = tpu.memref_slice %arg6[%dma_wait3A_954, %dma_wait3A_955, %dma_wait3A_956] : memref<8x64x128xf32, #tpu.memory_space<vmem>> -> memref<1x64x128xf32, #tpu.memory_space<vmem>>
      %dma_wait3A_958 = tpu.memref_squeeze %dma_wait3A_957 : memref<1x64x128xf32, #tpu.memory_space<vmem>> -> memref<64x128xf32, #tpu.memory_space<vmem>>
      %dma_wait3A_959 = arith.constant 0 : i32
      %dma_wait3A_960 = arith.constant 0 : i32
      %dma_wait3A_961 = tpu.memref_slice %arg2[%dma_wait3A_959, %dma_wait3A_960] : memref<50000x128xf32, #tpu.memory_space<hbm>> -> memref<64x128xf32, #tpu.memory_space<hbm>>
      %dma_wait3A_962 = arith.constant 0 : i32
      %dma_wait3A_963 = arith.constant 0 : i32
      %dma_wait3A_964 = tpu.memref_slice %arg6[%dma_wait3A_954, %dma_wait3A_962, %dma_wait3A_963] : memref<8x64x128xf32, #tpu.memory_space<vmem>> -> memref<1x64x128xf32, #tpu.memory_space<vmem>>
      %dma_wait3A_965 = tpu.memref_squeeze %dma_wait3A_964 : memref<1x64x128xf32, #tpu.memory_space<vmem>> -> memref<64x128xf32, #tpu.memory_space<vmem>>
      %dma_wait3A_966 = arith.constant 0 : i32
      %dma_wait3A_967 = arith.constant 0 : i32
      %dma_wait3A_968 = tpu.memref_slice %arg2[%dma_wait3A_966, %dma_wait3A_967] : memref<50000x128xf32, #tpu.memory_space<hbm>> -> memref<64x128xf32, #tpu.memory_space<hbm>>
      tpu.wait_dma2 semaphore(%arg7 : memref<!tpu.dma_semaphore, #tpu.memory_space<semaphore_mem>>) src(%dma_wait3A_968 : memref<64x128xf32, #tpu.memory_space<hbm>>) dst(%dma_wait3A_965 : memref<64x128xf32, #tpu.memory_space<vmem>>)
      %add3A_969 = arith.constant 0 : i32
      %add3A_970 = arith.addi %mul3A_953, %add3A_969 : i32
      %mul3A_971 = arith.constant 64 : i32
      %mul3A_972 = arith.muli %add3A_970, %mul3A_971 : i32
      %add3A_973 = arith.addi %multiple_of3A, %mul3A_972 : i32
      %multiple_of3A_974 = tpu.assume_multiple %add3A_973, 64 : i32
      %dma_start3A_975 = arith.constant 0 : i32
      %dma_start3A_976 = arith.constant 0 : i32
      %dma_start3A_977 = arith.constant 0 : i32
      %dma_start3A_978 = tpu.memref_slice %arg6[%dma_start3A_975, %dma_start3A_976, %dma_start3A_977] : memref<8x64x128xf32, #tpu.memory_space<vmem>> -> memref<1x64x128xf32, #tpu.memory_space<vmem>>
      %dma_start3A_979 = tpu.memref_squeeze %dma_start3A_978 : memref<1x64x128xf32, #tpu.memory_space<vmem>> -> memref<64x128xf32, #tpu.memory_space<vmem>>
      %dma_start3A_980 = arith.constant 0 : i32
      %dma_start3A_981 = tpu.memref_slice %arg4[%multiple_of3A_974, %dma_start3A_980] : memref<819200x128xf32, #tpu.memory_space<hbm>> -> memref<64x128xf32, #tpu.memory_space<hbm>>
      %dma_start3A_982 = arith.constant 0 : i32
      %dma_start3A_983 = tpu.memref_slice %arg4[%multiple_of3A_974, %dma_start3A_982] : memref<819200x128xf32, #tpu.memory_space<hbm>> -> memref<64x128xf32, #tpu.memory_space<hbm>>
      %dma_start3A_984 = arith.constant 0 : i32
      %dma_start3A_985 = arith.constant 0 : i32
      %dma_start3A_986 = tpu.memref_slice %arg6[%dma_start3A_975, %dma_start3A_984, %dma_start3A_985] : memref<8x64x128xf32, #tpu.memory_space<vmem>> -> memref<1x64x128xf32, #tpu.memory_space<vmem>>
      %dma_start3A_987 = tpu.memref_squeeze %dma_start3A_986 : memref<1x64x128xf32, #tpu.memory_space<vmem>> -> memref<64x128xf32, #tpu.memory_space<vmem>>
      tpu.enqueue_dma source(%dma_start3A_987 : memref<64x128xf32, #tpu.memory_space<vmem>>) target(%dma_start3A_983 : memref<64x128xf32, #tpu.memory_space<hbm>>) target_semaphore(%arg15 : memref<!tpu.dma_semaphore, #tpu.memory_space<semaphore_mem>>)
      %dma_wait3A_988 = arith.constant 4 : i32
      %dma_wait3A_989 = arith.constant 0 : i32
      %dma_wait3A_990 = arith.constant 0 : i32
      %dma_wait3A_991 = tpu.memref_slice %arg6[%dma_wait3A_988, %dma_wait3A_989, %dma_wait3A_990] : memref<8x64x128xf32, #tpu.memory_space<vmem>> -> memref<1x64x128xf32, #tpu.memory_space<vmem>>
      %dma_wait3A_992 = tpu.memref_squeeze %dma_wait3A_991 : memref<1x64x128xf32, #tpu.memory_space<vmem>> -> memref<64x128xf32, #tpu.memory_space<vmem>>
      %dma_wait3A_993 = arith.constant 0 : i32
      %dma_wait3A_994 = arith.constant 0 : i32
      %dma_wait3A_995 = tpu.memref_slice %arg4[%dma_wait3A_993, %dma_wait3A_994] : memref<819200x128xf32, #tpu.memory_space<hbm>> -> memref<64x128xf32, #tpu.memory_space<hbm>>
      %dma_wait3A_996 = arith.constant 0 : i32
      %dma_wait3A_997 = arith.constant 0 : i32
      %dma_wait3A_998 = tpu.memref_slice %arg4[%dma_wait3A_996, %dma_wait3A_997] : memref<819200x128xf32, #tpu.memory_space<hbm>> -> memref<64x128xf32, #tpu.memory_space<hbm>>
      %dma_wait3A_999 = arith.constant 0 : i32
      %dma_wait3A_1000 = arith.constant 0 : i32
      %dma_wait3A_1001 = tpu.memref_slice %arg6[%dma_wait3A_988, %dma_wait3A_999, %dma_wait3A_1000] : memref<8x64x128xf32, #tpu.memory_space<vmem>> -> memref<1x64x128xf32, #tpu.memory_space<vmem>>
      %dma_wait3A_1002 = tpu.memref_squeeze %dma_wait3A_1001 : memref<1x64x128xf32, #tpu.memory_space<vmem>> -> memref<64x128xf32, #tpu.memory_space<vmem>>
      tpu.wait_dma2 semaphore(%arg19 : memref<!tpu.dma_semaphore, #tpu.memory_space<semaphore_mem>>) src(%dma_wait3A_1002 : memref<64x128xf32, #tpu.memory_space<vmem>>) dst(%dma_wait3A_998 : memref<64x128xf32, #tpu.memory_space<hbm>>)
      %add3A_1003 = arith.constant 0 : i32
      %add3A_1004 = arith.addi %mul3A_953, %add3A_1003 : i32
      %add3A_1005 = arith.constant 4 : i32
      %add3A_1006 = arith.addi %add3A_1004, %add3A_1005 : i32
      %jit3A_1007 = arith.constant 2 : i32
      %div3A_1008 = arith.divsi %add3A_1006, %jit3A_1007 : i32
      %sign3A_1009 = arith.constant 0 : i32
      %sign3A_1010 = arith.cmpi sgt, %add3A_1006, %sign3A_1009 : i32
      %sign3A_1011 = arith.extui %sign3A_1010 : i1 to i32
      %sign3A_1012 = arith.constant 0 : i32
      %sign3A_1013 = arith.cmpi slt, %add3A_1006, %sign3A_1012 : i32
      %sign3A_1014 = arith.extui %sign3A_1013 : i1 to i32
      %sign3A_1015 = arith.subi %sign3A_1011, %sign3A_1014 : i32
      %sign3A_1016 = arith.constant 0 : i32
      %sign3A_1017 = arith.cmpi sgt, %jit3A_1007, %sign3A_1016 : i32
      %sign3A_1018 = arith.extui %sign3A_1017 : i1 to i32
      %sign3A_1019 = arith.constant 0 : i32
      %sign3A_1020 = arith.cmpi slt, %jit3A_1007, %sign3A_1019 : i32
      %sign3A_1021 = arith.extui %sign3A_1020 : i1 to i32
      %sign3A_1022 = arith.subi %sign3A_1018, %sign3A_1021 : i32
      %ne3A_1023 = arith.cmpi ne, %sign3A_1015, %sign3A_1022 : i32
      %rem3A_1024 = arith.remsi %add3A_1006, %jit3A_1007 : i32
      %ne3A_1025 = arith.constant 0 : i32
      %ne3A_1026 = arith.cmpi ne, %rem3A_1024, %ne3A_1025 : i32
      %and3A_1027 = arith.andi %ne3A_1023, %ne3A_1026 : i1
      %sub3A_1028 = arith.constant 1 : i32
      %sub3A_1029 = arith.subi %div3A_1008, %sub3A_1028 : i32
      %select_n3A_1030 = arith.select %and3A_1027, %sub3A_1029, %div3A_1008 : i32
      %dma_start3A_1031 = arith.constant 4 : i32
      %dma_start3A_1032 = arith.constant 0 : i32
      %dma_start3A_1033 = arith.constant 0 : i32
      %dma_start3A_1034 = tpu.memref_slice %arg6[%dma_start3A_1031, %dma_start3A_1032, %dma_start3A_1033] : memref<8x64x128xf32, #tpu.memory_space<vmem>> -> memref<1x64x128xf32, #tpu.memory_space<vmem>>
      %dma_start3A_1035 = tpu.memref_squeeze %dma_start3A_1034 : memref<1x64x128xf32, #tpu.memory_space<vmem>> -> memref<64x128xf32, #tpu.memory_space<vmem>>
      %dma_start3A_1036 = arith.constant 0 : i32
      %dma_start3A_1037 = tpu.memref_slice %arg5[%select_n3A_1030, %dma_start3A_1036] : memref<200x128xi32, #tpu.memory_space<vmem>> -> memref<1x64xi32, #tpu.memory_space<vmem>>
      %dma_start3A_1038 = tpu.memref_squeeze %dma_start3A_1037 : memref<1x64xi32, #tpu.memory_space<vmem>> -> memref<64xi32, #tpu.memory_space<vmem>>
      %dma_start3A_1039 = arith.constant 0 : i32
      %dma_start3A_1040 = arith.constant 0 : i32
      %dma_start3A_1041 = tpu.memref_slice %arg2[%dma_start3A_1039, %dma_start3A_1040] : memref<50000x128xf32, #tpu.memory_space<hbm>> -> memref<50000x128xf32, #tpu.memory_space<hbm>>
      tpu.enqueue_indirect_dma source(%dma_start3A_1041 : memref<50000x128xf32, #tpu.memory_space<hbm>>) target(%dma_start3A_1035 : memref<64x128xf32, #tpu.memory_space<vmem>>) offsets(%dma_start3A_1038 : memref<64xi32, #tpu.memory_space<vmem>>) semaphore(%arg11 : memref<!tpu.dma_semaphore, #tpu.memory_space<semaphore_mem>>)
      %dma_wait3A_1042 = arith.constant 1 : i32
      %dma_wait3A_1043 = arith.constant 0 : i32
      %dma_wait3A_1044 = arith.constant 0 : i32
      %dma_wait3A_1045 = tpu.memref_slice %arg6[%dma_wait3A_1042, %dma_wait3A_1043, %dma_wait3A_1044] : memref<8x64x128xf32, #tpu.memory_space<vmem>> -> memref<1x64x128xf32, #tpu.memory_space<vmem>>
      %dma_wait3A_1046 = tpu.memref_squeeze %dma_wait3A_1045 : memref<1x64x128xf32, #tpu.memory_space<vmem>> -> memref<64x128xf32, #tpu.memory_space<vmem>>
      %dma_wait3A_1047 = arith.constant 0 : i32
      %dma_wait3A_1048 = arith.constant 0 : i32
      %dma_wait3A_1049 = tpu.memref_slice %arg2[%dma_wait3A_1047, %dma_wait3A_1048] : memref<50000x128xf32, #tpu.memory_space<hbm>> -> memref<64x128xf32, #tpu.memory_space<hbm>>
      %dma_wait3A_1050 = arith.constant 0 : i32
      %dma_wait3A_1051 = arith.constant 0 : i32
      %dma_wait3A_1052 = tpu.memref_slice %arg6[%dma_wait3A_1042, %dma_wait3A_1050, %dma_wait3A_1051] : memref<8x64x128xf32, #tpu.memory_space<vmem>> -> memref<1x64x128xf32, #tpu.memory_space<vmem>>
      %dma_wait3A_1053 = tpu.memref_squeeze %dma_wait3A_1052 : memref<1x64x128xf32, #tpu.memory_space<vmem>> -> memref<64x128xf32, #tpu.memory_space<vmem>>
      %dma_wait3A_1054 = arith.constant 0 : i32
      %dma_wait3A_1055 = arith.constant 0 : i32
      %dma_wait3A_1056 = tpu.memref_slice %arg2[%dma_wait3A_1054, %dma_wait3A_1055] : memref<50000x128xf32, #tpu.memory_space<hbm>> -> memref<64x128xf32, #tpu.memory_space<hbm>>
      tpu.wait_dma2 semaphore(%arg8 : memref<!tpu.dma_semaphore, #tpu.memory_space<semaphore_mem>>) src(%dma_wait3A_1056 : memref<64x128xf32, #tpu.memory_space<hbm>>) dst(%dma_wait3A_1053 : memref<64x128xf32, #tpu.memory_space<vmem>>)
      %add3A_1057 = arith.constant 1 : i32
      %add3A_1058 = arith.addi %mul3A_953, %add3A_1057 : i32
      %mul3A_1059 = arith.constant 64 : i32
      %mul3A_1060 = arith.muli %add3A_1058, %mul3A_1059 : i32
      %add3A_1061 = arith.addi %multiple_of3A, %mul3A_1060 : i32
      %multiple_of3A_1062 = tpu.assume_multiple %add3A_1061, 64 : i32
      %dma_start3A_1063 = arith.constant 1 : i32
      %dma_start3A_1064 = arith.constant 0 : i32
      %dma_start3A_1065 = arith.constant 0 : i32
      %dma_start3A_1066 = tpu.memref_slice %arg6[%dma_start3A_1063, %dma_start3A_1064, %dma_start3A_1065] : memref<8x64x128xf32, #tpu.memory_space<vmem>> -> memref<1x64x128xf32, #tpu.memory_space<vmem>>
      %dma_start3A_1067 = tpu.memref_squeeze %dma_start3A_1066 : memref<1x64x128xf32, #tpu.memory_space<vmem>> -> memref<64x128xf32, #tpu.memory_space<vmem>>
      %dma_start3A_1068 = arith.constant 0 : i32
      %dma_start3A_1069 = tpu.memref_slice %arg4[%multiple_of3A_1062, %dma_start3A_1068] : memref<819200x128xf32, #tpu.memory_space<hbm>> -> memref<64x128xf32, #tpu.memory_space<hbm>>
      %dma_start3A_1070 = arith.constant 0 : i32
      %dma_start3A_1071 = tpu.memref_slice %arg4[%multiple_of3A_1062, %dma_start3A_1070] : memref<819200x128xf32, #tpu.memory_space<hbm>> -> memref<64x128xf32, #tpu.memory_space<hbm>>
      %dma_start3A_1072 = arith.constant 0 : i32
      %dma_start3A_1073 = arith.constant 0 : i32
      %dma_start3A_1074 = tpu.memref_slice %arg6[%dma_start3A_1063, %dma_start3A_1072, %dma_start3A_1073] : memref<8x64x128xf32, #tpu.memory_space<vmem>> -> memref<1x64x128xf32, #tpu.memory_space<vmem>>
      %dma_start3A_1075 = tpu.memref_squeeze %dma_start3A_1074 : memref<1x64x128xf32, #tpu.memory_space<vmem>> -> memref<64x128xf32, #tpu.memory_space<vmem>>
      tpu.enqueue_dma source(%dma_start3A_1075 : memref<64x128xf32, #tpu.memory_space<vmem>>) target(%dma_start3A_1071 : memref<64x128xf32, #tpu.memory_space<hbm>>) target_semaphore(%arg16 : memref<!tpu.dma_semaphore, #tpu.memory_space<semaphore_mem>>)
      %dma_wait3A_1076 = arith.constant 5 : i32
      %dma_wait3A_1077 = arith.constant 0 : i32
      %dma_wait3A_1078 = arith.constant 0 : i32
      %dma_wait3A_1079 = tpu.memref_slice %arg6[%dma_wait3A_1076, %dma_wait3A_1077, %dma_wait3A_1078] : memref<8x64x128xf32, #tpu.memory_space<vmem>> -> memref<1x64x128xf32, #tpu.memory_space<vmem>>
      %dma_wait3A_1080 = tpu.memref_squeeze %dma_wait3A_1079 : memref<1x64x128xf32, #tpu.memory_space<vmem>> -> memref<64x128xf32, #tpu.memory_space<vmem>>
      %dma_wait3A_1081 = arith.constant 0 : i32
      %dma_wait3A_1082 = arith.constant 0 : i32
      %dma_wait3A_1083 = tpu.memref_slice %arg4[%dma_wait3A_1081, %dma_wait3A_1082] : memref<819200x128xf32, #tpu.memory_space<hbm>> -> memref<64x128xf32, #tpu.memory_space<hbm>>
      %dma_wait3A_1084 = arith.constant 0 : i32
      %dma_wait3A_1085 = arith.constant 0 : i32
      %dma_wait3A_1086 = tpu.memref_slice %arg4[%dma_wait3A_1084, %dma_wait3A_1085] : memref<819200x128xf32, #tpu.memory_space<hbm>> -> memref<64x128xf32, #tpu.memory_space<hbm>>
      %dma_wait3A_1087 = arith.constant 0 : i32
      %dma_wait3A_1088 = arith.constant 0 : i32
      %dma_wait3A_1089 = tpu.memref_slice %arg6[%dma_wait3A_1076, %dma_wait3A_1087, %dma_wait3A_1088] : memref<8x64x128xf32, #tpu.memory_space<vmem>> -> memref<1x64x128xf32, #tpu.memory_space<vmem>>
      %dma_wait3A_1090 = tpu.memref_squeeze %dma_wait3A_1089 : memref<1x64x128xf32, #tpu.memory_space<vmem>> -> memref<64x128xf32, #tpu.memory_space<vmem>>
      tpu.wait_dma2 semaphore(%arg20 : memref<!tpu.dma_semaphore, #tpu.memory_space<semaphore_mem>>) src(%dma_wait3A_1090 : memref<64x128xf32, #tpu.memory_space<vmem>>) dst(%dma_wait3A_1086 : memref<64x128xf32, #tpu.memory_space<hbm>>)
      %add3A_1091 = arith.constant 1 : i32
      %add3A_1092 = arith.addi %mul3A_953, %add3A_1091 : i32
      %add3A_1093 = arith.constant 4 : i32
      %add3A_1094 = arith.addi %add3A_1092, %add3A_1093 : i32
      %jit3A_1095 = arith.constant 2 : i32
      %div3A_1096 = arith.divsi %add3A_1094, %jit3A_1095 : i32
      %sign3A_1097 = arith.constant 0 : i32
      %sign3A_1098 = arith.cmpi sgt, %add3A_1094, %sign3A_1097 : i32
      %sign3A_1099 = arith.extui %sign3A_1098 : i1 to i32
      %sign3A_1100 = arith.constant 0 : i32
      %sign3A_1101 = arith.cmpi slt, %add3A_1094, %sign3A_1100 : i32
      %sign3A_1102 = arith.extui %sign3A_1101 : i1 to i32
      %sign3A_1103 = arith.subi %sign3A_1099, %sign3A_1102 : i32
      %sign3A_1104 = arith.constant 0 : i32
      %sign3A_1105 = arith.cmpi sgt, %jit3A_1095, %sign3A_1104 : i32
      %sign3A_1106 = arith.extui %sign3A_1105 : i1 to i32
      %sign3A_1107 = arith.constant 0 : i32
      %sign3A_1108 = arith.cmpi slt, %jit3A_1095, %sign3A_1107 : i32
      %sign3A_1109 = arith.extui %sign3A_1108 : i1 to i32
      %sign3A_1110 = arith.subi %sign3A_1106, %sign3A_1109 : i32
      %ne3A_1111 = arith.cmpi ne, %sign3A_1103, %sign3A_1110 : i32
      %rem3A_1112 = arith.remsi %add3A_1094, %jit3A_1095 : i32
      %ne3A_1113 = arith.constant 0 : i32
      %ne3A_1114 = arith.cmpi ne, %rem3A_1112, %ne3A_1113 : i32
      %and3A_1115 = arith.andi %ne3A_1111, %ne3A_1114 : i1
      %sub3A_1116 = arith.constant 1 : i32
      %sub3A_1117 = arith.subi %div3A_1096, %sub3A_1116 : i32
      %select_n3A_1118 = arith.select %and3A_1115, %sub3A_1117, %div3A_1096 : i32
      %dma_start3A_1119 = arith.constant 5 : i32
      %dma_start3A_1120 = arith.constant 0 : i32
      %dma_start3A_1121 = arith.constant 0 : i32
      %dma_start3A_1122 = tpu.memref_slice %arg6[%dma_start3A_1119, %dma_start3A_1120, %dma_start3A_1121] : memref<8x64x128xf32, #tpu.memory_space<vmem>> -> memref<1x64x128xf32, #tpu.memory_space<vmem>>
      %dma_start3A_1123 = tpu.memref_squeeze %dma_start3A_1122 : memref<1x64x128xf32, #tpu.memory_space<vmem>> -> memref<64x128xf32, #tpu.memory_space<vmem>>
      %dma_start3A_1124 = arith.constant 64 : i32
      %dma_start3A_1125 = tpu.memref_slice %arg5[%select_n3A_1118, %dma_start3A_1124] : memref<200x128xi32, #tpu.memory_space<vmem>> -> memref<1x64xi32, #tpu.memory_space<vmem>>
      %dma_start3A_1126 = tpu.memref_squeeze %dma_start3A_1125 : memref<1x64xi32, #tpu.memory_space<vmem>> -> memref<64xi32, #tpu.memory_space<vmem>>
      %dma_start3A_1127 = arith.constant 0 : i32
      %dma_start3A_1128 = arith.constant 0 : i32
      %dma_start3A_1129 = tpu.memref_slice %arg2[%dma_start3A_1127, %dma_start3A_1128] : memref<50000x128xf32, #tpu.memory_space<hbm>> -> memref<50000x128xf32, #tpu.memory_space<hbm>>
      tpu.enqueue_indirect_dma source(%dma_start3A_1129 : memref<50000x128xf32, #tpu.memory_space<hbm>>) target(%dma_start3A_1123 : memref<64x128xf32, #tpu.memory_space<vmem>>) offsets(%dma_start3A_1126 : memref<64xi32, #tpu.memory_space<vmem>>) semaphore(%arg12 : memref<!tpu.dma_semaphore, #tpu.memory_space<semaphore_mem>>)
      %dma_wait3A_1130 = arith.constant 2 : i32
      %dma_wait3A_1131 = arith.constant 0 : i32
      %dma_wait3A_1132 = arith.constant 0 : i32
      %dma_wait3A_1133 = tpu.memref_slice %arg6[%dma_wait3A_1130, %dma_wait3A_1131, %dma_wait3A_1132] : memref<8x64x128xf32, #tpu.memory_space<vmem>> -> memref<1x64x128xf32, #tpu.memory_space<vmem>>
      %dma_wait3A_1134 = tpu.memref_squeeze %dma_wait3A_1133 : memref<1x64x128xf32, #tpu.memory_space<vmem>> -> memref<64x128xf32, #tpu.memory_space<vmem>>
      %dma_wait3A_1135 = arith.constant 0 : i32
      %dma_wait3A_1136 = arith.constant 0 : i32
      %dma_wait3A_1137 = tpu.memref_slice %arg2[%dma_wait3A_1135, %dma_wait3A_1136] : memref<50000x128xf32, #tpu.memory_space<hbm>> -> memref<64x128xf32, #tpu.memory_space<hbm>>
      %dma_wait3A_1138 = arith.constant 0 : i32
      %dma_wait3A_1139 = arith.constant 0 : i32
      %dma_wait3A_1140 = tpu.memref_slice %arg6[%dma_wait3A_1130, %dma_wait3A_1138, %dma_wait3A_1139] : memref<8x64x128xf32, #tpu.memory_space<vmem>> -> memref<1x64x128xf32, #tpu.memory_space<vmem>>
      %dma_wait3A_1141 = tpu.memref_squeeze %dma_wait3A_1140 : memref<1x64x128xf32, #tpu.memory_space<vmem>> -> memref<64x128xf32, #tpu.memory_space<vmem>>
      %dma_wait3A_1142 = arith.constant 0 : i32
      %dma_wait3A_1143 = arith.constant 0 : i32
      %dma_wait3A_1144 = tpu.memref_slice %arg2[%dma_wait3A_1142, %dma_wait3A_1143] : memref<50000x128xf32, #tpu.memory_space<hbm>> -> memref<64x128xf32, #tpu.memory_space<hbm>>
      tpu.wait_dma2 semaphore(%arg9 : memref<!tpu.dma_semaphore, #tpu.memory_space<semaphore_mem>>) src(%dma_wait3A_1144 : memref<64x128xf32, #tpu.memory_space<hbm>>) dst(%dma_wait3A_1141 : memref<64x128xf32, #tpu.memory_space<vmem>>)
      %add3A_1145 = arith.constant 2 : i32
      %add3A_1146 = arith.addi %mul3A_953, %add3A_1145 : i32
      %mul3A_1147 = arith.constant 64 : i32
      %mul3A_1148 = arith.muli %add3A_1146, %mul3A_1147 : i32
      %add3A_1149 = arith.addi %multiple_of3A, %mul3A_1148 : i32
      %multiple_of3A_1150 = tpu.assume_multiple %add3A_1149, 64 : i32
      %dma_start3A_1151 = arith.constant 2 : i32
      %dma_start3A_1152 = arith.constant 0 : i32
      %dma_start3A_1153 = arith.constant 0 : i32
      %dma_start3A_1154 = tpu.memref_slice %arg6[%dma_start3A_1151, %dma_start3A_1152, %dma_start3A_1153] : memref<8x64x128xf32, #tpu.memory_space<vmem>> -> memref<1x64x128xf32, #tpu.memory_space<vmem>>
      %dma_start3A_1155 = tpu.memref_squeeze %dma_start3A_1154 : memref<1x64x128xf32, #tpu.memory_space<vmem>> -> memref<64x128xf32, #tpu.memory_space<vmem>>
      %dma_start3A_1156 = arith.constant 0 : i32
      %dma_start3A_1157 = tpu.memref_slice %arg4[%multiple_of3A_1150, %dma_start3A_1156] : memref<819200x128xf32, #tpu.memory_space<hbm>> -> memref<64x128xf32, #tpu.memory_space<hbm>>
      %dma_start3A_1158 = arith.constant 0 : i32
      %dma_start3A_1159 = tpu.memref_slice %arg4[%multiple_of3A_1150, %dma_start3A_1158] : memref<819200x128xf32, #tpu.memory_space<hbm>> -> memref<64x128xf32, #tpu.memory_space<hbm>>
      %dma_start3A_1160 = arith.constant 0 : i32
      %dma_start3A_1161 = arith.constant 0 : i32
      %dma_start3A_1162 = tpu.memref_slice %arg6[%dma_start3A_1151, %dma_start3A_1160, %dma_start3A_1161] : memref<8x64x128xf32, #tpu.memory_space<vmem>> -> memref<1x64x128xf32, #tpu.memory_space<vmem>>
      %dma_start3A_1163 = tpu.memref_squeeze %dma_start3A_1162 : memref<1x64x128xf32, #tpu.memory_space<vmem>> -> memref<64x128xf32, #tpu.memory_space<vmem>>
      tpu.enqueue_dma source(%dma_start3A_1163 : memref<64x128xf32, #tpu.memory_space<vmem>>) target(%dma_start3A_1159 : memref<64x128xf32, #tpu.memory_space<hbm>>) target_semaphore(%arg17 : memref<!tpu.dma_semaphore, #tpu.memory_space<semaphore_mem>>)
      %dma_wait3A_1164 = arith.constant 6 : i32
      %dma_wait3A_1165 = arith.constant 0 : i32
      %dma_wait3A_1166 = arith.constant 0 : i32
      %dma_wait3A_1167 = tpu.memref_slice %arg6[%dma_wait3A_1164, %dma_wait3A_1165, %dma_wait3A_1166] : memref<8x64x128xf32, #tpu.memory_space<vmem>> -> memref<1x64x128xf32, #tpu.memory_space<vmem>>
      %dma_wait3A_1168 = tpu.memref_squeeze %dma_wait3A_1167 : memref<1x64x128xf32, #tpu.memory_space<vmem>> -> memref<64x128xf32, #tpu.memory_space<vmem>>
      %dma_wait3A_1169 = arith.constant 0 : i32
      %dma_wait3A_1170 = arith.constant 0 : i32
      %dma_wait3A_1171 = tpu.memref_slice %arg4[%dma_wait3A_1169, %dma_wait3A_1170] : memref<819200x128xf32, #tpu.memory_space<hbm>> -> memref<64x128xf32, #tpu.memory_space<hbm>>
      %dma_wait3A_1172 = arith.constant 0 : i32
      %dma_wait3A_1173 = arith.constant 0 : i32
      %dma_wait3A_1174 = tpu.memref_slice %arg4[%dma_wait3A_1172, %dma_wait3A_1173] : memref<819200x128xf32, #tpu.memory_space<hbm>> -> memref<64x128xf32, #tpu.memory_space<hbm>>
      %dma_wait3A_1175 = arith.constant 0 : i32
      %dma_wait3A_1176 = arith.constant 0 : i32
      %dma_wait3A_1177 = tpu.memref_slice %arg6[%dma_wait3A_1164, %dma_wait3A_1175, %dma_wait3A_1176] : memref<8x64x128xf32, #tpu.memory_space<vmem>> -> memref<1x64x128xf32, #tpu.memory_space<vmem>>
      %dma_wait3A_1178 = tpu.memref_squeeze %dma_wait3A_1177 : memref<1x64x128xf32, #tpu.memory_space<vmem>> -> memref<64x128xf32, #tpu.memory_space<vmem>>
      tpu.wait_dma2 semaphore(%arg21 : memref<!tpu.dma_semaphore, #tpu.memory_space<semaphore_mem>>) src(%dma_wait3A_1178 : memref<64x128xf32, #tpu.memory_space<vmem>>) dst(%dma_wait3A_1174 : memref<64x128xf32, #tpu.memory_space<hbm>>)
      %add3A_1179 = arith.constant 2 : i32
      %add3A_1180 = arith.addi %mul3A_953, %add3A_1179 : i32
      %add3A_1181 = arith.constant 4 : i32
      %add3A_1182 = arith.addi %add3A_1180, %add3A_1181 : i32
      %jit3A_1183 = arith.constant 2 : i32
      %div3A_1184 = arith.divsi %add3A_1182, %jit3A_1183 : i32
      %sign3A_1185 = arith.constant 0 : i32
      %sign3A_1186 = arith.cmpi sgt, %add3A_1182, %sign3A_1185 : i32
      %sign3A_1187 = arith.extui %sign3A_1186 : i1 to i32
      %sign3A_1188 = arith.constant 0 : i32
      %sign3A_1189 = arith.cmpi slt, %add3A_1182, %sign3A_1188 : i32
      %sign3A_1190 = arith.extui %sign3A_1189 : i1 to i32
      %sign3A_1191 = arith.subi %sign3A_1187, %sign3A_1190 : i32
      %sign3A_1192 = arith.constant 0 : i32
      %sign3A_1193 = arith.cmpi sgt, %jit3A_1183, %sign3A_1192 : i32
      %sign3A_1194 = arith.extui %sign3A_1193 : i1 to i32
      %sign3A_1195 = arith.constant 0 : i32
      %sign3A_1196 = arith.cmpi slt, %jit3A_1183, %sign3A_1195 : i32
      %sign3A_1197 = arith.extui %sign3A_1196 : i1 to i32
      %sign3A_1198 = arith.subi %sign3A_1194, %sign3A_1197 : i32
      %ne3A_1199 = arith.cmpi ne, %sign3A_1191, %sign3A_1198 : i32
      %rem3A_1200 = arith.remsi %add3A_1182, %jit3A_1183 : i32
      %ne3A_1201 = arith.constant 0 : i32
      %ne3A_1202 = arith.cmpi ne, %rem3A_1200, %ne3A_1201 : i32
      %and3A_1203 = arith.andi %ne3A_1199, %ne3A_1202 : i1
      %sub3A_1204 = arith.constant 1 : i32
      %sub3A_1205 = arith.subi %div3A_1184, %sub3A_1204 : i32
      %select_n3A_1206 = arith.select %and3A_1203, %sub3A_1205, %div3A_1184 : i32
      %dma_start3A_1207 = arith.constant 6 : i32
      %dma_start3A_1208 = arith.constant 0 : i32
      %dma_start3A_1209 = arith.constant 0 : i32
      %dma_start3A_1210 = tpu.memref_slice %arg6[%dma_start3A_1207, %dma_start3A_1208, %dma_start3A_1209] : memref<8x64x128xf32, #tpu.memory_space<vmem>> -> memref<1x64x128xf32, #tpu.memory_space<vmem>>
      %dma_start3A_1211 = tpu.memref_squeeze %dma_start3A_1210 : memref<1x64x128xf32, #tpu.memory_space<vmem>> -> memref<64x128xf32, #tpu.memory_space<vmem>>
      %dma_start3A_1212 = arith.constant 0 : i32
      %dma_start3A_1213 = tpu.memref_slice %arg5[%select_n3A_1206, %dma_start3A_1212] : memref<200x128xi32, #tpu.memory_space<vmem>> -> memref<1x64xi32, #tpu.memory_space<vmem>>
      %dma_start3A_1214 = tpu.memref_squeeze %dma_start3A_1213 : memref<1x64xi32, #tpu.memory_space<vmem>> -> memref<64xi32, #tpu.memory_space<vmem>>
      %dma_start3A_1215 = arith.constant 0 : i32
      %dma_start3A_1216 = arith.constant 0 : i32
      %dma_start3A_1217 = tpu.memref_slice %arg2[%dma_start3A_1215, %dma_start3A_1216] : memref<50000x128xf32, #tpu.memory_space<hbm>> -> memref<50000x128xf32, #tpu.memory_space<hbm>>
      tpu.enqueue_indirect_dma source(%dma_start3A_1217 : memref<50000x128xf32, #tpu.memory_space<hbm>>) target(%dma_start3A_1211 : memref<64x128xf32, #tpu.memory_space<vmem>>) offsets(%dma_start3A_1214 : memref<64xi32, #tpu.memory_space<vmem>>) semaphore(%arg13 : memref<!tpu.dma_semaphore, #tpu.memory_space<semaphore_mem>>)
      %dma_wait3A_1218 = arith.constant 3 : i32
      %dma_wait3A_1219 = arith.constant 0 : i32
      %dma_wait3A_1220 = arith.constant 0 : i32
      %dma_wait3A_1221 = tpu.memref_slice %arg6[%dma_wait3A_1218, %dma_wait3A_1219, %dma_wait3A_1220] : memref<8x64x128xf32, #tpu.memory_space<vmem>> -> memref<1x64x128xf32, #tpu.memory_space<vmem>>
      %dma_wait3A_1222 = tpu.memref_squeeze %dma_wait3A_1221 : memref<1x64x128xf32, #tpu.memory_space<vmem>> -> memref<64x128xf32, #tpu.memory_space<vmem>>
      %dma_wait3A_1223 = arith.constant 0 : i32
      %dma_wait3A_1224 = arith.constant 0 : i32
      %dma_wait3A_1225 = tpu.memref_slice %arg2[%dma_wait3A_1223, %dma_wait3A_1224] : memref<50000x128xf32, #tpu.memory_space<hbm>> -> memref<64x128xf32, #tpu.memory_space<hbm>>
      %dma_wait3A_1226 = arith.constant 0 : i32
      %dma_wait3A_1227 = arith.constant 0 : i32
      %dma_wait3A_1228 = tpu.memref_slice %arg6[%dma_wait3A_1218, %dma_wait3A_1226, %dma_wait3A_1227] : memref<8x64x128xf32, #tpu.memory_space<vmem>> -> memref<1x64x128xf32, #tpu.memory_space<vmem>>
      %dma_wait3A_1229 = tpu.memref_squeeze %dma_wait3A_1228 : memref<1x64x128xf32, #tpu.memory_space<vmem>> -> memref<64x128xf32, #tpu.memory_space<vmem>>
      %dma_wait3A_1230 = arith.constant 0 : i32
      %dma_wait3A_1231 = arith.constant 0 : i32
      %dma_wait3A_1232 = tpu.memref_slice %arg2[%dma_wait3A_1230, %dma_wait3A_1231] : memref<50000x128xf32, #tpu.memory_space<hbm>> -> memref<64x128xf32, #tpu.memory_space<hbm>>
      tpu.wait_dma2 semaphore(%arg10 : memref<!tpu.dma_semaphore, #tpu.memory_space<semaphore_mem>>) src(%dma_wait3A_1232 : memref<64x128xf32, #tpu.memory_space<hbm>>) dst(%dma_wait3A_1229 : memref<64x128xf32, #tpu.memory_space<vmem>>)
      %add3A_1233 = arith.constant 3 : i32
      %add3A_1234 = arith.addi %mul3A_953, %add3A_1233 : i32
      %mul3A_1235 = arith.constant 64 : i32
      %mul3A_1236 = arith.muli %add3A_1234, %mul3A_1235 : i32
      %add3A_1237 = arith.addi %multiple_of3A, %mul3A_1236 : i32
      %multiple_of3A_1238 = tpu.assume_multiple %add3A_1237, 64 : i32
      %dma_start3A_1239 = arith.constant 3 : i32
      %dma_start3A_1240 = arith.constant 0 : i32
      %dma_start3A_1241 = arith.constant 0 : i32
      %dma_start3A_1242 = tpu.memref_slice %arg6[%dma_start3A_1239, %dma_start3A_1240, %dma_start3A_1241] : memref<8x64x128xf32, #tpu.memory_space<vmem>> -> memref<1x64x128xf32, #tpu.memory_space<vmem>>
      %dma_start3A_1243 = tpu.memref_squeeze %dma_start3A_1242 : memref<1x64x128xf32, #tpu.memory_space<vmem>> -> memref<64x128xf32, #tpu.memory_space<vmem>>
      %dma_start3A_1244 = arith.constant 0 : i32
      %dma_start3A_1245 = tpu.memref_slice %arg4[%multiple_of3A_1238, %dma_start3A_1244] : memref<819200x128xf32, #tpu.memory_space<hbm>> -> memref<64x128xf32, #tpu.memory_space<hbm>>
      %dma_start3A_1246 = arith.constant 0 : i32
      %dma_start3A_1247 = tpu.memref_slice %arg4[%multiple_of3A_1238, %dma_start3A_1246] : memref<819200x128xf32, #tpu.memory_space<hbm>> -> memref<64x128xf32, #tpu.memory_space<hbm>>
      %dma_start3A_1248 = arith.constant 0 : i32
      %dma_start3A_1249 = arith.constant 0 : i32
      %dma_start3A_1250 = tpu.memref_slice %arg6[%dma_start3A_1239, %dma_start3A_1248, %dma_start3A_1249] : memref<8x64x128xf32, #tpu.memory_space<vmem>> -> memref<1x64x128xf32, #tpu.memory_space<vmem>>
      %dma_start3A_1251 = tpu.memref_squeeze %dma_start3A_1250 : memref<1x64x128xf32, #tpu.memory_space<vmem>> -> memref<64x128xf32, #tpu.memory_space<vmem>>
      tpu.enqueue_dma source(%dma_start3A_1251 : memref<64x128xf32, #tpu.memory_space<vmem>>) target(%dma_start3A_1247 : memref<64x128xf32, #tpu.memory_space<hbm>>) target_semaphore(%arg18 : memref<!tpu.dma_semaphore, #tpu.memory_space<semaphore_mem>>)
      %dma_wait3A_1252 = arith.constant 7 : i32
      %dma_wait3A_1253 = arith.constant 0 : i32
      %dma_wait3A_1254 = arith.constant 0 : i32
      %dma_wait3A_1255 = tpu.memref_slice %arg6[%dma_wait3A_1252, %dma_wait3A_1253, %dma_wait3A_1254] : memref<8x64x128xf32, #tpu.memory_space<vmem>> -> memref<1x64x128xf32, #tpu.memory_space<vmem>>
      %dma_wait3A_1256 = tpu.memref_squeeze %dma_wait3A_1255 : memref<1x64x128xf32, #tpu.memory_space<vmem>> -> memref<64x128xf32, #tpu.memory_space<vmem>>
      %dma_wait3A_1257 = arith.constant 0 : i32
      %dma_wait3A_1258 = arith.constant 0 : i32
      %dma_wait3A_1259 = tpu.memref_slice %arg4[%dma_wait3A_1257, %dma_wait3A_1258] : memref<819200x128xf32, #tpu.memory_space<hbm>> -> memref<64x128xf32, #tpu.memory_space<hbm>>
      %dma_wait3A_1260 = arith.constant 0 : i32
      %dma_wait3A_1261 = arith.constant 0 : i32
      %dma_wait3A_1262 = tpu.memref_slice %arg4[%dma_wait3A_1260, %dma_wait3A_1261] : memref<819200x128xf32, #tpu.memory_space<hbm>> -> memref<64x128xf32, #tpu.memory_space<hbm>>
      %dma_wait3A_1263 = arith.constant 0 : i32
      %dma_wait3A_1264 = arith.constant 0 : i32
      %dma_wait3A_1265 = tpu.memref_slice %arg6[%dma_wait3A_1252, %dma_wait3A_1263, %dma_wait3A_1264] : memref<8x64x128xf32, #tpu.memory_space<vmem>> -> memref<1x64x128xf32, #tpu.memory_space<vmem>>
      %dma_wait3A_1266 = tpu.memref_squeeze %dma_wait3A_1265 : memref<1x64x128xf32, #tpu.memory_space<vmem>> -> memref<64x128xf32, #tpu.memory_space<vmem>>
      tpu.wait_dma2 semaphore(%arg22 : memref<!tpu.dma_semaphore, #tpu.memory_space<semaphore_mem>>) src(%dma_wait3A_1266 : memref<64x128xf32, #tpu.memory_space<vmem>>) dst(%dma_wait3A_1262 : memref<64x128xf32, #tpu.memory_space<hbm>>)
      %add3A_1267 = arith.constant 3 : i32
      %add3A_1268 = arith.addi %mul3A_953, %add3A_1267 : i32
      %add3A_1269 = arith.constant 4 : i32
      %add3A_1270 = arith.addi %add3A_1268, %add3A_1269 : i32
      %jit3A_1271 = arith.constant 2 : i32
      %div3A_1272 = arith.divsi %add3A_1270, %jit3A_1271 : i32
      %sign3A_1273 = arith.constant 0 : i32
      %sign3A_1274 = arith.cmpi sgt, %add3A_1270, %sign3A_1273 : i32
      %sign3A_1275 = arith.extui %sign3A_1274 : i1 to i32
      %sign3A_1276 = arith.constant 0 : i32
      %sign3A_1277 = arith.cmpi slt, %add3A_1270, %sign3A_1276 : i32
      %sign3A_1278 = arith.extui %sign3A_1277 : i1 to i32
      %sign3A_1279 = arith.subi %sign3A_1275, %sign3A_1278 : i32
      %sign3A_1280 = arith.constant 0 : i32
      %sign3A_1281 = arith.cmpi sgt, %jit3A_1271, %sign3A_1280 : i32
      %sign3A_1282 = arith.extui %sign3A_1281 : i1 to i32
      %sign3A_1283 = arith.constant 0 : i32
      %sign3A_1284 = arith.cmpi slt, %jit3A_1271, %sign3A_1283 : i32
      %sign3A_1285 = arith.extui %sign3A_1284 : i1 to i32
      %sign3A_1286 = arith.subi %sign3A_1282, %sign3A_1285 : i32
      %ne3A_1287 = arith.cmpi ne, %sign3A_1279, %sign3A_1286 : i32
      %rem3A_1288 = arith.remsi %add3A_1270, %jit3A_1271 : i32
      %ne3A_1289 = arith.constant 0 : i32
      %ne3A_1290 = arith.cmpi ne, %rem3A_1288, %ne3A_1289 : i32
      %and3A_1291 = arith.andi %ne3A_1287, %ne3A_1290 : i1
      %sub3A_1292 = arith.constant 1 : i32
      %sub3A_1293 = arith.subi %div3A_1272, %sub3A_1292 : i32
      %select_n3A_1294 = arith.select %and3A_1291, %sub3A_1293, %div3A_1272 : i32
      %dma_start3A_1295 = arith.constant 7 : i32
      %dma_start3A_1296 = arith.constant 0 : i32
      %dma_start3A_1297 = arith.constant 0 : i32
      %dma_start3A_1298 = tpu.memref_slice %arg6[%dma_start3A_1295, %dma_start3A_1296, %dma_start3A_1297] : memref<8x64x128xf32, #tpu.memory_space<vmem>> -> memref<1x64x128xf32, #tpu.memory_space<vmem>>
      %dma_start3A_1299 = tpu.memref_squeeze %dma_start3A_1298 : memref<1x64x128xf32, #tpu.memory_space<vmem>> -> memref<64x128xf32, #tpu.memory_space<vmem>>
      %dma_start3A_1300 = arith.constant 64 : i32
      %dma_start3A_1301 = tpu.memref_slice %arg5[%select_n3A_1294, %dma_start3A_1300] : memref<200x128xi32, #tpu.memory_space<vmem>> -> memref<1x64xi32, #tpu.memory_space<vmem>>
      %dma_start3A_1302 = tpu.memref_squeeze %dma_start3A_1301 : memref<1x64xi32, #tpu.memory_space<vmem>> -> memref<64xi32, #tpu.memory_space<vmem>>
      %dma_start3A_1303 = arith.constant 0 : i32
      %dma_start3A_1304 = arith.constant 0 : i32
      %dma_start3A_1305 = tpu.memref_slice %arg2[%dma_start3A_1303, %dma_start3A_1304] : memref<50000x128xf32, #tpu.memory_space<hbm>> -> memref<50000x128xf32, #tpu.memory_space<hbm>>
      tpu.enqueue_indirect_dma source(%dma_start3A_1305 : memref<50000x128xf32, #tpu.memory_space<hbm>>) target(%dma_start3A_1299 : memref<64x128xf32, #tpu.memory_space<vmem>>) offsets(%dma_start3A_1302 : memref<64xi32, #tpu.memory_space<vmem>>) semaphore(%arg14 : memref<!tpu.dma_semaphore, #tpu.memory_space<semaphore_mem>>)
      %dma_wait3A_1306 = arith.constant 4 : i32
      %dma_wait3A_1307 = arith.constant 0 : i32
      %dma_wait3A_1308 = arith.constant 0 : i32
      %dma_wait3A_1309 = tpu.memref_slice %arg6[%dma_wait3A_1306, %dma_wait3A_1307, %dma_wait3A_1308] : memref<8x64x128xf32, #tpu.memory_space<vmem>> -> memref<1x64x128xf32, #tpu.memory_space<vmem>>
      %dma_wait3A_1310 = tpu.memref_squeeze %dma_wait3A_1309 : memref<1x64x128xf32, #tpu.memory_space<vmem>> -> memref<64x128xf32, #tpu.memory_space<vmem>>
      %dma_wait3A_1311 = arith.constant 0 : i32
      %dma_wait3A_1312 = arith.constant 0 : i32
      %dma_wait3A_1313 = tpu.memref_slice %arg2[%dma_wait3A_1311, %dma_wait3A_1312] : memref<50000x128xf32, #tpu.memory_space<hbm>> -> memref<64x128xf32, #tpu.memory_space<hbm>>
      %dma_wait3A_1314 = arith.constant 0 : i32
      %dma_wait3A_1315 = arith.constant 0 : i32
      %dma_wait3A_1316 = tpu.memref_slice %arg6[%dma_wait3A_1306, %dma_wait3A_1314, %dma_wait3A_1315] : memref<8x64x128xf32, #tpu.memory_space<vmem>> -> memref<1x64x128xf32, #tpu.memory_space<vmem>>
      %dma_wait3A_1317 = tpu.memref_squeeze %dma_wait3A_1316 : memref<1x64x128xf32, #tpu.memory_space<vmem>> -> memref<64x128xf32, #tpu.memory_space<vmem>>
      %dma_wait3A_1318 = arith.constant 0 : i32
      %dma_wait3A_1319 = arith.constant 0 : i32
      %dma_wait3A_1320 = tpu.memref_slice %arg2[%dma_wait3A_1318, %dma_wait3A_1319] : memref<50000x128xf32, #tpu.memory_space<hbm>> -> memref<64x128xf32, #tpu.memory_space<hbm>>
      tpu.wait_dma2 semaphore(%arg11 : memref<!tpu.dma_semaphore, #tpu.memory_space<semaphore_mem>>) src(%dma_wait3A_1320 : memref<64x128xf32, #tpu.memory_space<hbm>>) dst(%dma_wait3A_1317 : memref<64x128xf32, #tpu.memory_space<vmem>>)
      %add3A_1321 = arith.constant 4 : i32
      %add3A_1322 = arith.addi %mul3A_953, %add3A_1321 : i32
      %mul3A_1323 = arith.constant 64 : i32
      %mul3A_1324 = arith.muli %add3A_1322, %mul3A_1323 : i32
      %add3A_1325 = arith.addi %multiple_of3A, %mul3A_1324 : i32
      %multiple_of3A_1326 = tpu.assume_multiple %add3A_1325, 64 : i32
      %dma_start3A_1327 = arith.constant 4 : i32
      %dma_start3A_1328 = arith.constant 0 : i32
      %dma_start3A_1329 = arith.constant 0 : i32
      %dma_start3A_1330 = tpu.memref_slice %arg6[%dma_start3A_1327, %dma_start3A_1328, %dma_start3A_1329] : memref<8x64x128xf32, #tpu.memory_space<vmem>> -> memref<1x64x128xf32, #tpu.memory_space<vmem>>
      %dma_start3A_1331 = tpu.memref_squeeze %dma_start3A_1330 : memref<1x64x128xf32, #tpu.memory_space<vmem>> -> memref<64x128xf32, #tpu.memory_space<vmem>>
      %dma_start3A_1332 = arith.constant 0 : i32
      %dma_start3A_1333 = tpu.memref_slice %arg4[%multiple_of3A_1326, %dma_start3A_1332] : memref<819200x128xf32, #tpu.memory_space<hbm>> -> memref<64x128xf32, #tpu.memory_space<hbm>>
      %dma_start3A_1334 = arith.constant 0 : i32
      %dma_start3A_1335 = tpu.memref_slice %arg4[%multiple_of3A_1326, %dma_start3A_1334] : memref<819200x128xf32, #tpu.memory_space<hbm>> -> memref<64x128xf32, #tpu.memory_space<hbm>>
      %dma_start3A_1336 = arith.constant 0 : i32
      %dma_start3A_1337 = arith.constant 0 : i32
      %dma_start3A_1338 = tpu.memref_slice %arg6[%dma_start3A_1327, %dma_start3A_1336, %dma_start3A_1337] : memref<8x64x128xf32, #tpu.memory_space<vmem>> -> memref<1x64x128xf32, #tpu.memory_space<vmem>>
      %dma_start3A_1339 = tpu.memref_squeeze %dma_start3A_1338 : memref<1x64x128xf32, #tpu.memory_space<vmem>> -> memref<64x128xf32, #tpu.memory_space<vmem>>
      tpu.enqueue_dma source(%dma_start3A_1339 : memref<64x128xf32, #tpu.memory_space<vmem>>) target(%dma_start3A_1335 : memref<64x128xf32, #tpu.memory_space<hbm>>) target_semaphore(%arg19 : memref<!tpu.dma_semaphore, #tpu.memory_space<semaphore_mem>>)
      %dma_wait3A_1340 = arith.constant 0 : i32
      %dma_wait3A_1341 = arith.constant 0 : i32
      %dma_wait3A_1342 = arith.constant 0 : i32
      %dma_wait3A_1343 = tpu.memref_slice %arg6[%dma_wait3A_1340, %dma_wait3A_1341, %dma_wait3A_1342] : memref<8x64x128xf32, #tpu.memory_space<vmem>> -> memref<1x64x128xf32, #tpu.memory_space<vmem>>
      %dma_wait3A_1344 = tpu.memref_squeeze %dma_wait3A_1343 : memref<1x64x128xf32, #tpu.memory_space<vmem>> -> memref<64x128xf32, #tpu.memory_space<vmem>>
      %dma_wait3A_1345 = arith.constant 0 : i32
      %dma_wait3A_1346 = arith.constant 0 : i32
      %dma_wait3A_1347 = tpu.memref_slice %arg4[%dma_wait3A_1345, %dma_wait3A_1346] : memref<819200x128xf32, #tpu.memory_space<hbm>> -> memref<64x128xf32, #tpu.memory_space<hbm>>
      %dma_wait3A_1348 = arith.constant 0 : i32
      %dma_wait3A_1349 = arith.constant 0 : i32
      %dma_wait3A_1350 = tpu.memref_slice %arg4[%dma_wait3A_1348, %dma_wait3A_1349] : memref<819200x128xf32, #tpu.memory_space<hbm>> -> memref<64x128xf32, #tpu.memory_space<hbm>>
      %dma_wait3A_1351 = arith.constant 0 : i32
      %dma_wait3A_1352 = arith.constant 0 : i32
      %dma_wait3A_1353 = tpu.memref_slice %arg6[%dma_wait3A_1340, %dma_wait3A_1351, %dma_wait3A_1352] : memref<8x64x128xf32, #tpu.memory_space<vmem>> -> memref<1x64x128xf32, #tpu.memory_space<vmem>>
      %dma_wait3A_1354 = tpu.memref_squeeze %dma_wait3A_1353 : memref<1x64x128xf32, #tpu.memory_space<vmem>> -> memref<64x128xf32, #tpu.memory_space<vmem>>
      tpu.wait_dma2 semaphore(%arg15 : memref<!tpu.dma_semaphore, #tpu.memory_space<semaphore_mem>>) src(%dma_wait3A_1354 : memref<64x128xf32, #tpu.memory_space<vmem>>) dst(%dma_wait3A_1350 : memref<64x128xf32, #tpu.memory_space<hbm>>)
      %add3A_1355 = arith.constant 4 : i32
      %add3A_1356 = arith.addi %mul3A_953, %add3A_1355 : i32
      %add3A_1357 = arith.constant 4 : i32
      %add3A_1358 = arith.addi %add3A_1356, %add3A_1357 : i32
      %jit3A_1359 = arith.constant 2 : i32
      %div3A_1360 = arith.divsi %add3A_1358, %jit3A_1359 : i32
      %sign3A_1361 = arith.constant 0 : i32
      %sign3A_1362 = arith.cmpi sgt, %add3A_1358, %sign3A_1361 : i32
      %sign3A_1363 = arith.extui %sign3A_1362 : i1 to i32
      %sign3A_1364 = arith.constant 0 : i32
      %sign3A_1365 = arith.cmpi slt, %add3A_1358, %sign3A_1364 : i32
      %sign3A_1366 = arith.extui %sign3A_1365 : i1 to i32
      %sign3A_1367 = arith.subi %sign3A_1363, %sign3A_1366 : i32
      %sign3A_1368 = arith.constant 0 : i32
      %sign3A_1369 = arith.cmpi sgt, %jit3A_1359, %sign3A_1368 : i32
      %sign3A_1370 = arith.extui %sign3A_1369 : i1 to i32
      %sign3A_1371 = arith.constant 0 : i32
      %sign3A_1372 = arith.cmpi slt, %jit3A_1359, %sign3A_1371 : i32
      %sign3A_1373 = arith.extui %sign3A_1372 : i1 to i32
      %sign3A_1374 = arith.subi %sign3A_1370, %sign3A_1373 : i32
      %ne3A_1375 = arith.cmpi ne, %sign3A_1367, %sign3A_1374 : i32
      %rem3A_1376 = arith.remsi %add3A_1358, %jit3A_1359 : i32
      %ne3A_1377 = arith.constant 0 : i32
      %ne3A_1378 = arith.cmpi ne, %rem3A_1376, %ne3A_1377 : i32
      %and3A_1379 = arith.andi %ne3A_1375, %ne3A_1378 : i1
      %sub3A_1380 = arith.constant 1 : i32
      %sub3A_1381 = arith.subi %div3A_1360, %sub3A_1380 : i32
      %select_n3A_1382 = arith.select %and3A_1379, %sub3A_1381, %div3A_1360 : i32
      %dma_start3A_1383 = arith.constant 0 : i32
      %dma_start3A_1384 = arith.constant 0 : i32
      %dma_start3A_1385 = arith.constant 0 : i32
      %dma_start3A_1386 = tpu.memref_slice %arg6[%dma_start3A_1383, %dma_start3A_1384, %dma_start3A_1385] : memref<8x64x128xf32, #tpu.memory_space<vmem>> -> memref<1x64x128xf32, #tpu.memory_space<vmem>>
      %dma_start3A_1387 = tpu.memref_squeeze %dma_start3A_1386 : memref<1x64x128xf32, #tpu.memory_space<vmem>> -> memref<64x128xf32, #tpu.memory_space<vmem>>
      %dma_start3A_1388 = arith.constant 0 : i32
      %dma_start3A_1389 = tpu.memref_slice %arg5[%select_n3A_1382, %dma_start3A_1388] : memref<200x128xi32, #tpu.memory_space<vmem>> -> memref<1x64xi32, #tpu.memory_space<vmem>>
      %dma_start3A_1390 = tpu.memref_squeeze %dma_start3A_1389 : memref<1x64xi32, #tpu.memory_space<vmem>> -> memref<64xi32, #tpu.memory_space<vmem>>
      %dma_start3A_1391 = arith.constant 0 : i32
      %dma_start3A_1392 = arith.constant 0 : i32
      %dma_start3A_1393 = tpu.memref_slice %arg2[%dma_start3A_1391, %dma_start3A_1392] : memref<50000x128xf32, #tpu.memory_space<hbm>> -> memref<50000x128xf32, #tpu.memory_space<hbm>>
      tpu.enqueue_indirect_dma source(%dma_start3A_1393 : memref<50000x128xf32, #tpu.memory_space<hbm>>) target(%dma_start3A_1387 : memref<64x128xf32, #tpu.memory_space<vmem>>) offsets(%dma_start3A_1390 : memref<64xi32, #tpu.memory_space<vmem>>) semaphore(%arg7 : memref<!tpu.dma_semaphore, #tpu.memory_space<semaphore_mem>>)
      %dma_wait3A_1394 = arith.constant 5 : i32
      %dma_wait3A_1395 = arith.constant 0 : i32
      %dma_wait3A_1396 = arith.constant 0 : i32
      %dma_wait3A_1397 = tpu.memref_slice %arg6[%dma_wait3A_1394, %dma_wait3A_1395, %dma_wait3A_1396] : memref<8x64x128xf32, #tpu.memory_space<vmem>> -> memref<1x64x128xf32, #tpu.memory_space<vmem>>
      %dma_wait3A_1398 = tpu.memref_squeeze %dma_wait3A_1397 : memref<1x64x128xf32, #tpu.memory_space<vmem>> -> memref<64x128xf32, #tpu.memory_space<vmem>>
      %dma_wait3A_1399 = arith.constant 0 : i32
      %dma_wait3A_1400 = arith.constant 0 : i32
      %dma_wait3A_1401 = tpu.memref_slice %arg2[%dma_wait3A_1399, %dma_wait3A_1400] : memref<50000x128xf32, #tpu.memory_space<hbm>> -> memref<64x128xf32, #tpu.memory_space<hbm>>
      %dma_wait3A_1402 = arith.constant 0 : i32
      %dma_wait3A_1403 = arith.constant 0 : i32
      %dma_wait3A_1404 = tpu.memref_slice %arg6[%dma_wait3A_1394, %dma_wait3A_1402, %dma_wait3A_1403] : memref<8x64x128xf32, #tpu.memory_space<vmem>> -> memref<1x64x128xf32, #tpu.memory_space<vmem>>
      %dma_wait3A_1405 = tpu.memref_squeeze %dma_wait3A_1404 : memref<1x64x128xf32, #tpu.memory_space<vmem>> -> memref<64x128xf32, #tpu.memory_space<vmem>>
      %dma_wait3A_1406 = arith.constant 0 : i32
      %dma_wait3A_1407 = arith.constant 0 : i32
      %dma_wait3A_1408 = tpu.memref_slice %arg2[%dma_wait3A_1406, %dma_wait3A_1407] : memref<50000x128xf32, #tpu.memory_space<hbm>> -> memref<64x128xf32, #tpu.memory_space<hbm>>
      tpu.wait_dma2 semaphore(%arg12 : memref<!tpu.dma_semaphore, #tpu.memory_space<semaphore_mem>>) src(%dma_wait3A_1408 : memref<64x128xf32, #tpu.memory_space<hbm>>) dst(%dma_wait3A_1405 : memref<64x128xf32, #tpu.memory_space<vmem>>)
      %add3A_1409 = arith.constant 5 : i32
      %add3A_1410 = arith.addi %mul3A_953, %add3A_1409 : i32
      %mul3A_1411 = arith.constant 64 : i32
      %mul3A_1412 = arith.muli %add3A_1410, %mul3A_1411 : i32
      %add3A_1413 = arith.addi %multiple_of3A, %mul3A_1412 : i32
      %multiple_of3A_1414 = tpu.assume_multiple %add3A_1413, 64 : i32
      %dma_start3A_1415 = arith.constant 5 : i32
      %dma_start3A_1416 = arith.constant 0 : i32
      %dma_start3A_1417 = arith.constant 0 : i32
      %dma_start3A_1418 = tpu.memref_slice %arg6[%dma_start3A_1415, %dma_start3A_1416, %dma_start3A_1417] : memref<8x64x128xf32, #tpu.memory_space<vmem>> -> memref<1x64x128xf32, #tpu.memory_space<vmem>>
      %dma_start3A_1419 = tpu.memref_squeeze %dma_start3A_1418 : memref<1x64x128xf32, #tpu.memory_space<vmem>> -> memref<64x128xf32, #tpu.memory_space<vmem>>
      %dma_start3A_1420 = arith.constant 0 : i32
      %dma_start3A_1421 = tpu.memref_slice %arg4[%multiple_of3A_1414, %dma_start3A_1420] : memref<819200x128xf32, #tpu.memory_space<hbm>> -> memref<64x128xf32, #tpu.memory_space<hbm>>
      %dma_start3A_1422 = arith.constant 0 : i32
      %dma_start3A_1423 = tpu.memref_slice %arg4[%multiple_of3A_1414, %dma_start3A_1422] : memref<819200x128xf32, #tpu.memory_space<hbm>> -> memref<64x128xf32, #tpu.memory_space<hbm>>
      %dma_start3A_1424 = arith.constant 0 : i32
      %dma_start3A_1425 = arith.constant 0 : i32
      %dma_start3A_1426 = tpu.memref_slice %arg6[%dma_start3A_1415, %dma_start3A_1424, %dma_start3A_1425] : memref<8x64x128xf32, #tpu.memory_space<vmem>> -> memref<1x64x128xf32, #tpu.memory_space<vmem>>
      %dma_start3A_1427 = tpu.memref_squeeze %dma_start3A_1426 : memref<1x64x128xf32, #tpu.memory_space<vmem>> -> memref<64x128xf32, #tpu.memory_space<vmem>>
      tpu.enqueue_dma source(%dma_start3A_1427 : memref<64x128xf32, #tpu.memory_space<vmem>>) target(%dma_start3A_1423 : memref<64x128xf32, #tpu.memory_space<hbm>>) target_semaphore(%arg20 : memref<!tpu.dma_semaphore, #tpu.memory_space<semaphore_mem>>)
      %dma_wait3A_1428 = arith.constant 1 : i32
      %dma_wait3A_1429 = arith.constant 0 : i32
      %dma_wait3A_1430 = arith.constant 0 : i32
      %dma_wait3A_1431 = tpu.memref_slice %arg6[%dma_wait3A_1428, %dma_wait3A_1429, %dma_wait3A_1430] : memref<8x64x128xf32, #tpu.memory_space<vmem>> -> memref<1x64x128xf32, #tpu.memory_space<vmem>>
      %dma_wait3A_1432 = tpu.memref_squeeze %dma_wait3A_1431 : memref<1x64x128xf32, #tpu.memory_space<vmem>> -> memref<64x128xf32, #tpu.memory_space<vmem>>
      %dma_wait3A_1433 = arith.constant 0 : i32
      %dma_wait3A_1434 = arith.constant 0 : i32
      %dma_wait3A_1435 = tpu.memref_slice %arg4[%dma_wait3A_1433, %dma_wait3A_1434] : memref<819200x128xf32, #tpu.memory_space<hbm>> -> memref<64x128xf32, #tpu.memory_space<hbm>>
      %dma_wait3A_1436 = arith.constant 0 : i32
      %dma_wait3A_1437 = arith.constant 0 : i32
      %dma_wait3A_1438 = tpu.memref_slice %arg4[%dma_wait3A_1436, %dma_wait3A_1437] : memref<819200x128xf32, #tpu.memory_space<hbm>> -> memref<64x128xf32, #tpu.memory_space<hbm>>
      %dma_wait3A_1439 = arith.constant 0 : i32
      %dma_wait3A_1440 = arith.constant 0 : i32
      %dma_wait3A_1441 = tpu.memref_slice %arg6[%dma_wait3A_1428, %dma_wait3A_1439, %dma_wait3A_1440] : memref<8x64x128xf32, #tpu.memory_space<vmem>> -> memref<1x64x128xf32, #tpu.memory_space<vmem>>
      %dma_wait3A_1442 = tpu.memref_squeeze %dma_wait3A_1441 : memref<1x64x128xf32, #tpu.memory_space<vmem>> -> memref<64x128xf32, #tpu.memory_space<vmem>>
      tpu.wait_dma2 semaphore(%arg16 : memref<!tpu.dma_semaphore, #tpu.memory_space<semaphore_mem>>) src(%dma_wait3A_1442 : memref<64x128xf32, #tpu.memory_space<vmem>>) dst(%dma_wait3A_1438 : memref<64x128xf32, #tpu.memory_space<hbm>>)
      %add3A_1443 = arith.constant 5 : i32
      %add3A_1444 = arith.addi %mul3A_953, %add3A_1443 : i32
      %add3A_1445 = arith.constant 4 : i32
      %add3A_1446 = arith.addi %add3A_1444, %add3A_1445 : i32
      %jit3A_1447 = arith.constant 2 : i32
      %div3A_1448 = arith.divsi %add3A_1446, %jit3A_1447 : i32
      %sign3A_1449 = arith.constant 0 : i32
      %sign3A_1450 = arith.cmpi sgt, %add3A_1446, %sign3A_1449 : i32
      %sign3A_1451 = arith.extui %sign3A_1450 : i1 to i32
      %sign3A_1452 = arith.constant 0 : i32
      %sign3A_1453 = arith.cmpi slt, %add3A_1446, %sign3A_1452 : i32
      %sign3A_1454 = arith.extui %sign3A_1453 : i1 to i32
      %sign3A_1455 = arith.subi %sign3A_1451, %sign3A_1454 : i32
      %sign3A_1456 = arith.constant 0 : i32
      %sign3A_1457 = arith.cmpi sgt, %jit3A_1447, %sign3A_1456 : i32
      %sign3A_1458 = arith.extui %sign3A_1457 : i1 to i32
      %sign3A_1459 = arith.constant 0 : i32
      %sign3A_1460 = arith.cmpi slt, %jit3A_1447, %sign3A_1459 : i32
      %sign3A_1461 = arith.extui %sign3A_1460 : i1 to i32
      %sign3A_1462 = arith.subi %sign3A_1458, %sign3A_1461 : i32
      %ne3A_1463 = arith.cmpi ne, %sign3A_1455, %sign3A_1462 : i32
      %rem3A_1464 = arith.remsi %add3A_1446, %jit3A_1447 : i32
      %ne3A_1465 = arith.constant 0 : i32
      %ne3A_1466 = arith.cmpi ne, %rem3A_1464, %ne3A_1465 : i32
      %and3A_1467 = arith.andi %ne3A_1463, %ne3A_1466 : i1
      %sub3A_1468 = arith.constant 1 : i32
      %sub3A_1469 = arith.subi %div3A_1448, %sub3A_1468 : i32
      %select_n3A_1470 = arith.select %and3A_1467, %sub3A_1469, %div3A_1448 : i32
      %dma_start3A_1471 = arith.constant 1 : i32
      %dma_start3A_1472 = arith.constant 0 : i32
      %dma_start3A_1473 = arith.constant 0 : i32
      %dma_start3A_1474 = tpu.memref_slice %arg6[%dma_start3A_1471, %dma_start3A_1472, %dma_start3A_1473] : memref<8x64x128xf32, #tpu.memory_space<vmem>> -> memref<1x64x128xf32, #tpu.memory_space<vmem>>
      %dma_start3A_1475 = tpu.memref_squeeze %dma_start3A_1474 : memref<1x64x128xf32, #tpu.memory_space<vmem>> -> memref<64x128xf32, #tpu.memory_space<vmem>>
      %dma_start3A_1476 = arith.constant 64 : i32
      %dma_start3A_1477 = tpu.memref_slice %arg5[%select_n3A_1470, %dma_start3A_1476] : memref<200x128xi32, #tpu.memory_space<vmem>> -> memref<1x64xi32, #tpu.memory_space<vmem>>
      %dma_start3A_1478 = tpu.memref_squeeze %dma_start3A_1477 : memref<1x64xi32, #tpu.memory_space<vmem>> -> memref<64xi32, #tpu.memory_space<vmem>>
      %dma_start3A_1479 = arith.constant 0 : i32
      %dma_start3A_1480 = arith.constant 0 : i32
      %dma_start3A_1481 = tpu.memref_slice %arg2[%dma_start3A_1479, %dma_start3A_1480] : memref<50000x128xf32, #tpu.memory_space<hbm>> -> memref<50000x128xf32, #tpu.memory_space<hbm>>
      tpu.enqueue_indirect_dma source(%dma_start3A_1481 : memref<50000x128xf32, #tpu.memory_space<hbm>>) target(%dma_start3A_1475 : memref<64x128xf32, #tpu.memory_space<vmem>>) offsets(%dma_start3A_1478 : memref<64xi32, #tpu.memory_space<vmem>>) semaphore(%arg8 : memref<!tpu.dma_semaphore, #tpu.memory_space<semaphore_mem>>)
      %dma_wait3A_1482 = arith.constant 6 : i32
      %dma_wait3A_1483 = arith.constant 0 : i32
      %dma_wait3A_1484 = arith.constant 0 : i32
      %dma_wait3A_1485 = tpu.memref_slice %arg6[%dma_wait3A_1482, %dma_wait3A_1483, %dma_wait3A_1484] : memref<8x64x128xf32, #tpu.memory_space<vmem>> -> memref<1x64x128xf32, #tpu.memory_space<vmem>>
      %dma_wait3A_1486 = tpu.memref_squeeze %dma_wait3A_1485 : memref<1x64x128xf32, #tpu.memory_space<vmem>> -> memref<64x128xf32, #tpu.memory_space<vmem>>
      %dma_wait3A_1487 = arith.constant 0 : i32
      %dma_wait3A_1488 = arith.constant 0 : i32
      %dma_wait3A_1489 = tpu.memref_slice %arg2[%dma_wait3A_1487, %dma_wait3A_1488] : memref<50000x128xf32, #tpu.memory_space<hbm>> -> memref<64x128xf32, #tpu.memory_space<hbm>>
      %dma_wait3A_1490 = arith.constant 0 : i32
      %dma_wait3A_1491 = arith.constant 0 : i32
      %dma_wait3A_1492 = tpu.memref_slice %arg6[%dma_wait3A_1482, %dma_wait3A_1490, %dma_wait3A_1491] : memref<8x64x128xf32, #tpu.memory_space<vmem>> -> memref<1x64x128xf32, #tpu.memory_space<vmem>>
      %dma_wait3A_1493 = tpu.memref_squeeze %dma_wait3A_1492 : memref<1x64x128xf32, #tpu.memory_space<vmem>> -> memref<64x128xf32, #tpu.memory_space<vmem>>
      %dma_wait3A_1494 = arith.constant 0 : i32
      %dma_wait3A_1495 = arith.constant 0 : i32
      %dma_wait3A_1496 = tpu.memref_slice %arg2[%dma_wait3A_1494, %dma_wait3A_1495] : memref<50000x128xf32, #tpu.memory_space<hbm>> -> memref<64x128xf32, #tpu.memory_space<hbm>>
      tpu.wait_dma2 semaphore(%arg13 : memref<!tpu.dma_semaphore, #tpu.memory_space<semaphore_mem>>) src(%dma_wait3A_1496 : memref<64x128xf32, #tpu.memory_space<hbm>>) dst(%dma_wait3A_1493 : memref<64x128xf32, #tpu.memory_space<vmem>>)
      %add3A_1497 = arith.constant 6 : i32
      %add3A_1498 = arith.addi %mul3A_953, %add3A_1497 : i32
      %mul3A_1499 = arith.constant 64 : i32
      %mul3A_1500 = arith.muli %add3A_1498, %mul3A_1499 : i32
      %add3A_1501 = arith.addi %multiple_of3A, %mul3A_1500 : i32
      %multiple_of3A_1502 = tpu.assume_multiple %add3A_1501, 64 : i32
      %dma_start3A_1503 = arith.constant 6 : i32
      %dma_start3A_1504 = arith.constant 0 : i32
      %dma_start3A_1505 = arith.constant 0 : i32
      %dma_start3A_1506 = tpu.memref_slice %arg6[%dma_start3A_1503, %dma_start3A_1504, %dma_start3A_1505] : memref<8x64x128xf32, #tpu.memory_space<vmem>> -> memref<1x64x128xf32, #tpu.memory_space<vmem>>
      %dma_start3A_1507 = tpu.memref_squeeze %dma_start3A_1506 : memref<1x64x128xf32, #tpu.memory_space<vmem>> -> memref<64x128xf32, #tpu.memory_space<vmem>>
      %dma_start3A_1508 = arith.constant 0 : i32
      %dma_start3A_1509 = tpu.memref_slice %arg4[%multiple_of3A_1502, %dma_start3A_1508] : memref<819200x128xf32, #tpu.memory_space<hbm>> -> memref<64x128xf32, #tpu.memory_space<hbm>>
      %dma_start3A_1510 = arith.constant 0 : i32
      %dma_start3A_1511 = tpu.memref_slice %arg4[%multiple_of3A_1502, %dma_start3A_1510] : memref<819200x128xf32, #tpu.memory_space<hbm>> -> memref<64x128xf32, #tpu.memory_space<hbm>>
      %dma_start3A_1512 = arith.constant 0 : i32
      %dma_start3A_1513 = arith.constant 0 : i32
      %dma_start3A_1514 = tpu.memref_slice %arg6[%dma_start3A_1503, %dma_start3A_1512, %dma_start3A_1513] : memref<8x64x128xf32, #tpu.memory_space<vmem>> -> memref<1x64x128xf32, #tpu.memory_space<vmem>>
      %dma_start3A_1515 = tpu.memref_squeeze %dma_start3A_1514 : memref<1x64x128xf32, #tpu.memory_space<vmem>> -> memref<64x128xf32, #tpu.memory_space<vmem>>
      tpu.enqueue_dma source(%dma_start3A_1515 : memref<64x128xf32, #tpu.memory_space<vmem>>) target(%dma_start3A_1511 : memref<64x128xf32, #tpu.memory_space<hbm>>) target_semaphore(%arg21 : memref<!tpu.dma_semaphore, #tpu.memory_space<semaphore_mem>>)
      %dma_wait3A_1516 = arith.constant 2 : i32
      %dma_wait3A_1517 = arith.constant 0 : i32
      %dma_wait3A_1518 = arith.constant 0 : i32
      %dma_wait3A_1519 = tpu.memref_slice %arg6[%dma_wait3A_1516, %dma_wait3A_1517, %dma_wait3A_1518] : memref<8x64x128xf32, #tpu.memory_space<vmem>> -> memref<1x64x128xf32, #tpu.memory_space<vmem>>
      %dma_wait3A_1520 = tpu.memref_squeeze %dma_wait3A_1519 : memref<1x64x128xf32, #tpu.memory_space<vmem>> -> memref<64x128xf32, #tpu.memory_space<vmem>>
      %dma_wait3A_1521 = arith.constant 0 : i32
      %dma_wait3A_1522 = arith.constant 0 : i32
      %dma_wait3A_1523 = tpu.memref_slice %arg4[%dma_wait3A_1521, %dma_wait3A_1522] : memref<819200x128xf32, #tpu.memory_space<hbm>> -> memref<64x128xf32, #tpu.memory_space<hbm>>
      %dma_wait3A_1524 = arith.constant 0 : i32
      %dma_wait3A_1525 = arith.constant 0 : i32
      %dma_wait3A_1526 = tpu.memref_slice %arg4[%dma_wait3A_1524, %dma_wait3A_1525] : memref<819200x128xf32, #tpu.memory_space<hbm>> -> memref<64x128xf32, #tpu.memory_space<hbm>>
      %dma_wait3A_1527 = arith.constant 0 : i32
      %dma_wait3A_1528 = arith.constant 0 : i32
      %dma_wait3A_1529 = tpu.memref_slice %arg6[%dma_wait3A_1516, %dma_wait3A_1527, %dma_wait3A_1528] : memref<8x64x128xf32, #tpu.memory_space<vmem>> -> memref<1x64x128xf32, #tpu.memory_space<vmem>>
      %dma_wait3A_1530 = tpu.memref_squeeze %dma_wait3A_1529 : memref<1x64x128xf32, #tpu.memory_space<vmem>> -> memref<64x128xf32, #tpu.memory_space<vmem>>
      tpu.wait_dma2 semaphore(%arg17 : memref<!tpu.dma_semaphore, #tpu.memory_space<semaphore_mem>>) src(%dma_wait3A_1530 : memref<64x128xf32, #tpu.memory_space<vmem>>) dst(%dma_wait3A_1526 : memref<64x128xf32, #tpu.memory_space<hbm>>)
      %add3A_1531 = arith.constant 6 : i32
      %add3A_1532 = arith.addi %mul3A_953, %add3A_1531 : i32
      %add3A_1533 = arith.constant 4 : i32
      %add3A_1534 = arith.addi %add3A_1532, %add3A_1533 : i32
      %jit3A_1535 = arith.constant 2 : i32
      %div3A_1536 = arith.divsi %add3A_1534, %jit3A_1535 : i32
      %sign3A_1537 = arith.constant 0 : i32
      %sign3A_1538 = arith.cmpi sgt, %add3A_1534, %sign3A_1537 : i32
      %sign3A_1539 = arith.extui %sign3A_1538 : i1 to i32
      %sign3A_1540 = arith.constant 0 : i32
      %sign3A_1541 = arith.cmpi slt, %add3A_1534, %sign3A_1540 : i32
      %sign3A_1542 = arith.extui %sign3A_1541 : i1 to i32
      %sign3A_1543 = arith.subi %sign3A_1539, %sign3A_1542 : i32
      %sign3A_1544 = arith.constant 0 : i32
      %sign3A_1545 = arith.cmpi sgt, %jit3A_1535, %sign3A_1544 : i32
      %sign3A_1546 = arith.extui %sign3A_1545 : i1 to i32
      %sign3A_1547 = arith.constant 0 : i32
      %sign3A_1548 = arith.cmpi slt, %jit3A_1535, %sign3A_1547 : i32
      %sign3A_1549 = arith.extui %sign3A_1548 : i1 to i32
      %sign3A_1550 = arith.subi %sign3A_1546, %sign3A_1549 : i32
      %ne3A_1551 = arith.cmpi ne, %sign3A_1543, %sign3A_1550 : i32
      %rem3A_1552 = arith.remsi %add3A_1534, %jit3A_1535 : i32
      %ne3A_1553 = arith.constant 0 : i32
      %ne3A_1554 = arith.cmpi ne, %rem3A_1552, %ne3A_1553 : i32
      %and3A_1555 = arith.andi %ne3A_1551, %ne3A_1554 : i1
      %sub3A_1556 = arith.constant 1 : i32
      %sub3A_1557 = arith.subi %div3A_1536, %sub3A_1556 : i32
      %select_n3A_1558 = arith.select %and3A_1555, %sub3A_1557, %div3A_1536 : i32
      %dma_start3A_1559 = arith.constant 2 : i32
      %dma_start3A_1560 = arith.constant 0 : i32
      %dma_start3A_1561 = arith.constant 0 : i32
      %dma_start3A_1562 = tpu.memref_slice %arg6[%dma_start3A_1559, %dma_start3A_1560, %dma_start3A_1561] : memref<8x64x128xf32, #tpu.memory_space<vmem>> -> memref<1x64x128xf32, #tpu.memory_space<vmem>>
      %dma_start3A_1563 = tpu.memref_squeeze %dma_start3A_1562 : memref<1x64x128xf32, #tpu.memory_space<vmem>> -> memref<64x128xf32, #tpu.memory_space<vmem>>
      %dma_start3A_1564 = arith.constant 0 : i32
      %dma_start3A_1565 = tpu.memref_slice %arg5[%select_n3A_1558, %dma_start3A_1564] : memref<200x128xi32, #tpu.memory_space<vmem>> -> memref<1x64xi32, #tpu.memory_space<vmem>>
      %dma_start3A_1566 = tpu.memref_squeeze %dma_start3A_1565 : memref<1x64xi32, #tpu.memory_space<vmem>> -> memref<64xi32, #tpu.memory_space<vmem>>
      %dma_start3A_1567 = arith.constant 0 : i32
      %dma_start3A_1568 = arith.constant 0 : i32
      %dma_start3A_1569 = tpu.memref_slice %arg2[%dma_start3A_1567, %dma_start3A_1568] : memref<50000x128xf32, #tpu.memory_space<hbm>> -> memref<50000x128xf32, #tpu.memory_space<hbm>>
      tpu.enqueue_indirect_dma source(%dma_start3A_1569 : memref<50000x128xf32, #tpu.memory_space<hbm>>) target(%dma_start3A_1563 : memref<64x128xf32, #tpu.memory_space<vmem>>) offsets(%dma_start3A_1566 : memref<64xi32, #tpu.memory_space<vmem>>) semaphore(%arg9 : memref<!tpu.dma_semaphore, #tpu.memory_space<semaphore_mem>>)
      %dma_wait3A_1570 = arith.constant 7 : i32
      %dma_wait3A_1571 = arith.constant 0 : i32
      %dma_wait3A_1572 = arith.constant 0 : i32
      %dma_wait3A_1573 = tpu.memref_slice %arg6[%dma_wait3A_1570, %dma_wait3A_1571, %dma_wait3A_1572] : memref<8x64x128xf32, #tpu.memory_space<vmem>> -> memref<1x64x128xf32, #tpu.memory_space<vmem>>
      %dma_wait3A_1574 = tpu.memref_squeeze %dma_wait3A_1573 : memref<1x64x128xf32, #tpu.memory_space<vmem>> -> memref<64x128xf32, #tpu.memory_space<vmem>>
      %dma_wait3A_1575 = arith.constant 0 : i32
      %dma_wait3A_1576 = arith.constant 0 : i32
      %dma_wait3A_1577 = tpu.memref_slice %arg2[%dma_wait3A_1575, %dma_wait3A_1576] : memref<50000x128xf32, #tpu.memory_space<hbm>> -> memref<64x128xf32, #tpu.memory_space<hbm>>
      %dma_wait3A_1578 = arith.constant 0 : i32
      %dma_wait3A_1579 = arith.constant 0 : i32
      %dma_wait3A_1580 = tpu.memref_slice %arg6[%dma_wait3A_1570, %dma_wait3A_1578, %dma_wait3A_1579] : memref<8x64x128xf32, #tpu.memory_space<vmem>> -> memref<1x64x128xf32, #tpu.memory_space<vmem>>
      %dma_wait3A_1581 = tpu.memref_squeeze %dma_wait3A_1580 : memref<1x64x128xf32, #tpu.memory_space<vmem>> -> memref<64x128xf32, #tpu.memory_space<vmem>>
      %dma_wait3A_1582 = arith.constant 0 : i32
      %dma_wait3A_1583 = arith.constant 0 : i32
      %dma_wait3A_1584 = tpu.memref_slice %arg2[%dma_wait3A_1582, %dma_wait3A_1583] : memref<50000x128xf32, #tpu.memory_space<hbm>> -> memref<64x128xf32, #tpu.memory_space<hbm>>
      tpu.wait_dma2 semaphore(%arg14 : memref<!tpu.dma_semaphore, #tpu.memory_space<semaphore_mem>>) src(%dma_wait3A_1584 : memref<64x128xf32, #tpu.memory_space<hbm>>) dst(%dma_wait3A_1581 : memref<64x128xf32, #tpu.memory_space<vmem>>)
      %add3A_1585 = arith.constant 7 : i32
      %add3A_1586 = arith.addi %mul3A_953, %add3A_1585 : i32
      %mul3A_1587 = arith.constant 64 : i32
      %mul3A_1588 = arith.muli %add3A_1586, %mul3A_1587 : i32
      %add3A_1589 = arith.addi %multiple_of3A, %mul3A_1588 : i32
      %multiple_of3A_1590 = tpu.assume_multiple %add3A_1589, 64 : i32
      %dma_start3A_1591 = arith.constant 7 : i32
      %dma_start3A_1592 = arith.constant 0 : i32
      %dma_start3A_1593 = arith.constant 0 : i32
      %dma_start3A_1594 = tpu.memref_slice %arg6[%dma_start3A_1591, %dma_start3A_1592, %dma_start3A_1593] : memref<8x64x128xf32, #tpu.memory_space<vmem>> -> memref<1x64x128xf32, #tpu.memory_space<vmem>>
      %dma_start3A_1595 = tpu.memref_squeeze %dma_start3A_1594 : memref<1x64x128xf32, #tpu.memory_space<vmem>> -> memref<64x128xf32, #tpu.memory_space<vmem>>
      %dma_start3A_1596 = arith.constant 0 : i32
      %dma_start3A_1597 = tpu.memref_slice %arg4[%multiple_of3A_1590, %dma_start3A_1596] : memref<819200x128xf32, #tpu.memory_space<hbm>> -> memref<64x128xf32, #tpu.memory_space<hbm>>
      %dma_start3A_1598 = arith.constant 0 : i32
      %dma_start3A_1599 = tpu.memref_slice %arg4[%multiple_of3A_1590, %dma_start3A_1598] : memref<819200x128xf32, #tpu.memory_space<hbm>> -> memref<64x128xf32, #tpu.memory_space<hbm>>
      %dma_start3A_1600 = arith.constant 0 : i32
      %dma_start3A_1601 = arith.constant 0 : i32
      %dma_start3A_1602 = tpu.memref_slice %arg6[%dma_start3A_1591, %dma_start3A_1600, %dma_start3A_1601] : memref<8x64x128xf32, #tpu.memory_space<vmem>> -> memref<1x64x128xf32, #tpu.memory_space<vmem>>
      %dma_start3A_1603 = tpu.memref_squeeze %dma_start3A_1602 : memref<1x64x128xf32, #tpu.memory_space<vmem>> -> memref<64x128xf32, #tpu.memory_space<vmem>>
      tpu.enqueue_dma source(%dma_start3A_1603 : memref<64x128xf32, #tpu.memory_space<vmem>>) target(%dma_start3A_1599 : memref<64x128xf32, #tpu.memory_space<hbm>>) target_semaphore(%arg22 : memref<!tpu.dma_semaphore, #tpu.memory_space<semaphore_mem>>)
      %dma_wait3A_1604 = arith.constant 3 : i32
      %dma_wait3A_1605 = arith.constant 0 : i32
      %dma_wait3A_1606 = arith.constant 0 : i32
      %dma_wait3A_1607 = tpu.memref_slice %arg6[%dma_wait3A_1604, %dma_wait3A_1605, %dma_wait3A_1606] : memref<8x64x128xf32, #tpu.memory_space<vmem>> -> memref<1x64x128xf32, #tpu.memory_space<vmem>>
      %dma_wait3A_1608 = tpu.memref_squeeze %dma_wait3A_1607 : memref<1x64x128xf32, #tpu.memory_space<vmem>> -> memref<64x128xf32, #tpu.memory_space<vmem>>
      %dma_wait3A_1609 = arith.constant 0 : i32
      %dma_wait3A_1610 = arith.constant 0 : i32
      %dma_wait3A_1611 = tpu.memref_slice %arg4[%dma_wait3A_1609, %dma_wait3A_1610] : memref<819200x128xf32, #tpu.memory_space<hbm>> -> memref<64x128xf32, #tpu.memory_space<hbm>>
      %dma_wait3A_1612 = arith.constant 0 : i32
      %dma_wait3A_1613 = arith.constant 0 : i32
      %dma_wait3A_1614 = tpu.memref_slice %arg4[%dma_wait3A_1612, %dma_wait3A_1613] : memref<819200x128xf32, #tpu.memory_space<hbm>> -> memref<64x128xf32, #tpu.memory_space<hbm>>
      %dma_wait3A_1615 = arith.constant 0 : i32
      %dma_wait3A_1616 = arith.constant 0 : i32
      %dma_wait3A_1617 = tpu.memref_slice %arg6[%dma_wait3A_1604, %dma_wait3A_1615, %dma_wait3A_1616] : memref<8x64x128xf32, #tpu.memory_space<vmem>> -> memref<1x64x128xf32, #tpu.memory_space<vmem>>
      %dma_wait3A_1618 = tpu.memref_squeeze %dma_wait3A_1617 : memref<1x64x128xf32, #tpu.memory_space<vmem>> -> memref<64x128xf32, #tpu.memory_space<vmem>>
      tpu.wait_dma2 semaphore(%arg18 : memref<!tpu.dma_semaphore, #tpu.memory_space<semaphore_mem>>) src(%dma_wait3A_1618 : memref<64x128xf32, #tpu.memory_space<vmem>>) dst(%dma_wait3A_1614 : memref<64x128xf32, #tpu.memory_space<hbm>>)
      %add3A_1619 = arith.constant 7 : i32
      %add3A_1620 = arith.addi %mul3A_953, %add3A_1619 : i32
      %add3A_1621 = arith.constant 4 : i32
      %add3A_1622 = arith.addi %add3A_1620, %add3A_1621 : i32
      %jit3A_1623 = arith.constant 2 : i32
      %div3A_1624 = arith.divsi %add3A_1622, %jit3A_1623 : i32
      %sign3A_1625 = arith.constant 0 : i32
      %sign3A_1626 = arith.cmpi sgt, %add3A_1622, %sign3A_1625 : i32
      %sign3A_1627 = arith.extui %sign3A_1626 : i1 to i32
      %sign3A_1628 = arith.constant 0 : i32
      %sign3A_1629 = arith.cmpi slt, %add3A_1622, %sign3A_1628 : i32
      %sign3A_1630 = arith.extui %sign3A_1629 : i1 to i32
      %sign3A_1631 = arith.subi %sign3A_1627, %sign3A_1630 : i32
      %sign3A_1632 = arith.constant 0 : i32
      %sign3A_1633 = arith.cmpi sgt, %jit3A_1623, %sign3A_1632 : i32
      %sign3A_1634 = arith.extui %sign3A_1633 : i1 to i32
      %sign3A_1635 = arith.constant 0 : i32
      %sign3A_1636 = arith.cmpi slt, %jit3A_1623, %sign3A_1635 : i32
      %sign3A_1637 = arith.extui %sign3A_1636 : i1 to i32
      %sign3A_1638 = arith.subi %sign3A_1634, %sign3A_1637 : i32
      %ne3A_1639 = arith.cmpi ne, %sign3A_1631, %sign3A_1638 : i32
      %rem3A_1640 = arith.remsi %add3A_1622, %jit3A_1623 : i32
      %ne3A_1641 = arith.constant 0 : i32
      %ne3A_1642 = arith.cmpi ne, %rem3A_1640, %ne3A_1641 : i32
      %and3A_1643 = arith.andi %ne3A_1639, %ne3A_1642 : i1
      %sub3A_1644 = arith.constant 1 : i32
      %sub3A_1645 = arith.subi %div3A_1624, %sub3A_1644 : i32
      %select_n3A_1646 = arith.select %and3A_1643, %sub3A_1645, %div3A_1624 : i32
      %dma_start3A_1647 = arith.constant 3 : i32
      %dma_start3A_1648 = arith.constant 0 : i32
      %dma_start3A_1649 = arith.constant 0 : i32
      %dma_start3A_1650 = tpu.memref_slice %arg6[%dma_start3A_1647, %dma_start3A_1648, %dma_start3A_1649] : memref<8x64x128xf32, #tpu.memory_space<vmem>> -> memref<1x64x128xf32, #tpu.memory_space<vmem>>
      %dma_start3A_1651 = tpu.memref_squeeze %dma_start3A_1650 : memref<1x64x128xf32, #tpu.memory_space<vmem>> -> memref<64x128xf32, #tpu.memory_space<vmem>>
      %dma_start3A_1652 = arith.constant 64 : i32
      %dma_start3A_1653 = tpu.memref_slice %arg5[%select_n3A_1646, %dma_start3A_1652] : memref<200x128xi32, #tpu.memory_space<vmem>> -> memref<1x64xi32, #tpu.memory_space<vmem>>
      %dma_start3A_1654 = tpu.memref_squeeze %dma_start3A_1653 : memref<1x64xi32, #tpu.memory_space<vmem>> -> memref<64xi32, #tpu.memory_space<vmem>>
      %dma_start3A_1655 = arith.constant 0 : i32
      %dma_start3A_1656 = arith.constant 0 : i32
      %dma_start3A_1657 = tpu.memref_slice %arg2[%dma_start3A_1655, %dma_start3A_1656] : memref<50000x128xf32, #tpu.memory_space<hbm>> -> memref<50000x128xf32, #tpu.memory_space<hbm>>
      tpu.enqueue_indirect_dma source(%dma_start3A_1657 : memref<50000x128xf32, #tpu.memory_space<hbm>>) target(%dma_start3A_1651 : memref<64x128xf32, #tpu.memory_space<vmem>>) offsets(%dma_start3A_1654 : memref<64xi32, #tpu.memory_space<vmem>>) semaphore(%arg10 : memref<!tpu.dma_semaphore, #tpu.memory_space<semaphore_mem>>)
    }
    %scan3A_474 = arith.constant 48 : i32
    %dma_wait3A_475 = arith.constant 0 : i32
    %dma_wait3A_476 = arith.constant 0 : i32
    %dma_wait3A_477 = arith.constant 0 : i32
    %dma_wait3A_478 = tpu.memref_slice %arg6[%dma_wait3A_475, %dma_wait3A_476, %dma_wait3A_477] : memref<8x64x128xf32, #tpu.memory_space<vmem>> -> memref<1x64x128xf32, #tpu.memory_space<vmem>>
    %dma_wait3A_479 = tpu.memref_squeeze %dma_wait3A_478 : memref<1x64x128xf32, #tpu.memory_space<vmem>> -> memref<64x128xf32, #tpu.memory_space<vmem>>
    %dma_wait3A_480 = arith.constant 0 : i32
    %dma_wait3A_481 = arith.constant 0 : i32
    %dma_wait3A_482 = tpu.memref_slice %arg2[%dma_wait3A_480, %dma_wait3A_481] : memref<50000x128xf32, #tpu.memory_space<hbm>> -> memref<64x128xf32, #tpu.memory_space<hbm>>
    %dma_wait3A_483 = arith.constant 0 : i32
    %dma_wait3A_484 = arith.constant 0 : i32
    %dma_wait3A_485 = tpu.memref_slice %arg6[%dma_wait3A_475, %dma_wait3A_483, %dma_wait3A_484] : memref<8x64x128xf32, #tpu.memory_space<vmem>> -> memref<1x64x128xf32, #tpu.memory_space<vmem>>
    %dma_wait3A_486 = tpu.memref_squeeze %dma_wait3A_485 : memref<1x64x128xf32, #tpu.memory_space<vmem>> -> memref<64x128xf32, #tpu.memory_space<vmem>>
    %dma_wait3A_487 = arith.constant 0 : i32
    %dma_wait3A_488 = arith.constant 0 : i32
    %dma_wait3A_489 = tpu.memref_slice %arg2[%dma_wait3A_487, %dma_wait3A_488] : memref<50000x128xf32, #tpu.memory_space<hbm>> -> memref<64x128xf32, #tpu.memory_space<hbm>>
    tpu.wait_dma2 semaphore(%arg7 : memref<!tpu.dma_semaphore, #tpu.memory_space<semaphore_mem>>) src(%dma_wait3A_489 : memref<64x128xf32, #tpu.memory_space<hbm>>) dst(%dma_wait3A_486 : memref<64x128xf32, #tpu.memory_space<vmem>>)
    %add3A_490 = arith.constant 25088 : i32
    %add3A_491 = arith.addi %multiple_of3A, %add3A_490 : i32
    %multiple_of3A_492 = tpu.assume_multiple %add3A_491, 64 : i32
    %dma_start3A_493 = arith.constant 0 : i32
    %dma_start3A_494 = arith.constant 0 : i32
    %dma_start3A_495 = arith.constant 0 : i32
    %dma_start3A_496 = tpu.memref_slice %arg6[%dma_start3A_493, %dma_start3A_494, %dma_start3A_495] : memref<8x64x128xf32, #tpu.memory_space<vmem>> -> memref<1x64x128xf32, #tpu.memory_space<vmem>>
    %dma_start3A_497 = tpu.memref_squeeze %dma_start3A_496 : memref<1x64x128xf32, #tpu.memory_space<vmem>> -> memref<64x128xf32, #tpu.memory_space<vmem>>
    %dma_start3A_498 = arith.constant 0 : i32
    %dma_start3A_499 = tpu.memref_slice %arg4[%multiple_of3A_492, %dma_start3A_498] : memref<819200x128xf32, #tpu.memory_space<hbm>> -> memref<64x128xf32, #tpu.memory_space<hbm>>
    %dma_start3A_500 = arith.constant 0 : i32
    %dma_start3A_501 = tpu.memref_slice %arg4[%multiple_of3A_492, %dma_start3A_500] : memref<819200x128xf32, #tpu.memory_space<hbm>> -> memref<64x128xf32, #tpu.memory_space<hbm>>
    %dma_start3A_502 = arith.constant 0 : i32
    %dma_start3A_503 = arith.constant 0 : i32
    %dma_start3A_504 = tpu.memref_slice %arg6[%dma_start3A_493, %dma_start3A_502, %dma_start3A_503] : memref<8x64x128xf32, #tpu.memory_space<vmem>> -> memref<1x64x128xf32, #tpu.memory_space<vmem>>
    %dma_start3A_505 = tpu.memref_squeeze %dma_start3A_504 : memref<1x64x128xf32, #tpu.memory_space<vmem>> -> memref<64x128xf32, #tpu.memory_space<vmem>>
    tpu.enqueue_dma source(%dma_start3A_505 : memref<64x128xf32, #tpu.memory_space<vmem>>) target(%dma_start3A_501 : memref<64x128xf32, #tpu.memory_space<hbm>>) target_semaphore(%arg15 : memref<!tpu.dma_semaphore, #tpu.memory_space<semaphore_mem>>)
    %dma_wait3A_506 = arith.constant 4 : i32
    %dma_wait3A_507 = arith.constant 0 : i32
    %dma_wait3A_508 = arith.constant 0 : i32
    %dma_wait3A_509 = tpu.memref_slice %arg6[%dma_wait3A_506, %dma_wait3A_507, %dma_wait3A_508] : memref<8x64x128xf32, #tpu.memory_space<vmem>> -> memref<1x64x128xf32, #tpu.memory_space<vmem>>
    %dma_wait3A_510 = tpu.memref_squeeze %dma_wait3A_509 : memref<1x64x128xf32, #tpu.memory_space<vmem>> -> memref<64x128xf32, #tpu.memory_space<vmem>>
    %dma_wait3A_511 = arith.constant 0 : i32
    %dma_wait3A_512 = arith.constant 0 : i32
    %dma_wait3A_513 = tpu.memref_slice %arg4[%dma_wait3A_511, %dma_wait3A_512] : memref<819200x128xf32, #tpu.memory_space<hbm>> -> memref<64x128xf32, #tpu.memory_space<hbm>>
    %dma_wait3A_514 = arith.constant 0 : i32
    %dma_wait3A_515 = arith.constant 0 : i32
    %dma_wait3A_516 = tpu.memref_slice %arg4[%dma_wait3A_514, %dma_wait3A_515] : memref<819200x128xf32, #tpu.memory_space<hbm>> -> memref<64x128xf32, #tpu.memory_space<hbm>>
    %dma_wait3A_517 = arith.constant 0 : i32
    %dma_wait3A_518 = arith.constant 0 : i32
    %dma_wait3A_519 = tpu.memref_slice %arg6[%dma_wait3A_506, %dma_wait3A_517, %dma_wait3A_518] : memref<8x64x128xf32, #tpu.memory_space<vmem>> -> memref<1x64x128xf32, #tpu.memory_space<vmem>>
    %dma_wait3A_520 = tpu.memref_squeeze %dma_wait3A_519 : memref<1x64x128xf32, #tpu.memory_space<vmem>> -> memref<64x128xf32, #tpu.memory_space<vmem>>
    tpu.wait_dma2 semaphore(%arg19 : memref<!tpu.dma_semaphore, #tpu.memory_space<semaphore_mem>>) src(%dma_wait3A_520 : memref<64x128xf32, #tpu.memory_space<vmem>>) dst(%dma_wait3A_516 : memref<64x128xf32, #tpu.memory_space<hbm>>)
    %dma_start3A_521 = arith.constant 198 : i32
    %dma_start3A_522 = arith.constant 4 : i32
    %dma_start3A_523 = arith.constant 0 : i32
    %dma_start3A_524 = arith.constant 0 : i32
    %dma_start3A_525 = tpu.memref_slice %arg6[%dma_start3A_522, %dma_start3A_523, %dma_start3A_524] : memref<8x64x128xf32, #tpu.memory_space<vmem>> -> memref<1x64x128xf32, #tpu.memory_space<vmem>>
    %dma_start3A_526 = tpu.memref_squeeze %dma_start3A_525 : memref<1x64x128xf32, #tpu.memory_space<vmem>> -> memref<64x128xf32, #tpu.memory_space<vmem>>
    %dma_start3A_527 = arith.constant 0 : i32
    %dma_start3A_528 = tpu.memref_slice %arg5[%dma_start3A_521, %dma_start3A_527] : memref<200x128xi32, #tpu.memory_space<vmem>> -> memref<1x64xi32, #tpu.memory_space<vmem>>
    %dma_start3A_529 = tpu.memref_squeeze %dma_start3A_528 : memref<1x64xi32, #tpu.memory_space<vmem>> -> memref<64xi32, #tpu.memory_space<vmem>>
    %dma_start3A_530 = arith.constant 0 : i32
    %dma_start3A_531 = arith.constant 0 : i32
    %dma_start3A_532 = tpu.memref_slice %arg2[%dma_start3A_530, %dma_start3A_531] : memref<50000x128xf32, #tpu.memory_space<hbm>> -> memref<50000x128xf32, #tpu.memory_space<hbm>>
    tpu.enqueue_indirect_dma source(%dma_start3A_532 : memref<50000x128xf32, #tpu.memory_space<hbm>>) target(%dma_start3A_526 : memref<64x128xf32, #tpu.memory_space<vmem>>) offsets(%dma_start3A_529 : memref<64xi32, #tpu.memory_space<vmem>>) semaphore(%arg11 : memref<!tpu.dma_semaphore, #tpu.memory_space<semaphore_mem>>)
    %dma_wait3A_533 = arith.constant 1 : i32
    %dma_wait3A_534 = arith.constant 0 : i32
    %dma_wait3A_535 = arith.constant 0 : i32
    %dma_wait3A_536 = tpu.memref_slice %arg6[%dma_wait3A_533, %dma_wait3A_534, %dma_wait3A_535] : memref<8x64x128xf32, #tpu.memory_space<vmem>> -> memref<1x64x128xf32, #tpu.memory_space<vmem>>
    %dma_wait3A_537 = tpu.memref_squeeze %dma_wait3A_536 : memref<1x64x128xf32, #tpu.memory_space<vmem>> -> memref<64x128xf32, #tpu.memory_space<vmem>>
    %dma_wait3A_538 = arith.constant 0 : i32
    %dma_wait3A_539 = arith.constant 0 : i32
    %dma_wait3A_540 = tpu.memref_slice %arg2[%dma_wait3A_538, %dma_wait3A_539] : memref<50000x128xf32, #tpu.memory_space<hbm>> -> memref<64x128xf32, #tpu.memory_space<hbm>>
    %dma_wait3A_541 = arith.constant 0 : i32
    %dma_wait3A_542 = arith.constant 0 : i32
    %dma_wait3A_543 = tpu.memref_slice %arg6[%dma_wait3A_533, %dma_wait3A_541, %dma_wait3A_542] : memref<8x64x128xf32, #tpu.memory_space<vmem>> -> memref<1x64x128xf32, #tpu.memory_space<vmem>>
    %dma_wait3A_544 = tpu.memref_squeeze %dma_wait3A_543 : memref<1x64x128xf32, #tpu.memory_space<vmem>> -> memref<64x128xf32, #tpu.memory_space<vmem>>
    %dma_wait3A_545 = arith.constant 0 : i32
    %dma_wait3A_546 = arith.constant 0 : i32
    %dma_wait3A_547 = tpu.memref_slice %arg2[%dma_wait3A_545, %dma_wait3A_546] : memref<50000x128xf32, #tpu.memory_space<hbm>> -> memref<64x128xf32, #tpu.memory_space<hbm>>
    tpu.wait_dma2 semaphore(%arg8 : memref<!tpu.dma_semaphore, #tpu.memory_space<semaphore_mem>>) src(%dma_wait3A_547 : memref<64x128xf32, #tpu.memory_space<hbm>>) dst(%dma_wait3A_544 : memref<64x128xf32, #tpu.memory_space<vmem>>)
    %add3A_548 = arith.constant 25152 : i32
    %add3A_549 = arith.addi %multiple_of3A, %add3A_548 : i32
    %multiple_of3A_550 = tpu.assume_multiple %add3A_549, 64 : i32
    %dma_start3A_551 = arith.constant 1 : i32
    %dma_start3A_552 = arith.constant 0 : i32
    %dma_start3A_553 = arith.constant 0 : i32
    %dma_start3A_554 = tpu.memref_slice %arg6[%dma_start3A_551, %dma_start3A_552, %dma_start3A_553] : memref<8x64x128xf32, #tpu.memory_space<vmem>> -> memref<1x64x128xf32, #tpu.memory_space<vmem>>
    %dma_start3A_555 = tpu.memref_squeeze %dma_start3A_554 : memref<1x64x128xf32, #tpu.memory_space<vmem>> -> memref<64x128xf32, #tpu.memory_space<vmem>>
    %dma_start3A_556 = arith.constant 0 : i32
    %dma_start3A_557 = tpu.memref_slice %arg4[%multiple_of3A_550, %dma_start3A_556] : memref<819200x128xf32, #tpu.memory_space<hbm>> -> memref<64x128xf32, #tpu.memory_space<hbm>>
    %dma_start3A_558 = arith.constant 0 : i32
    %dma_start3A_559 = tpu.memref_slice %arg4[%multiple_of3A_550, %dma_start3A_558] : memref<819200x128xf32, #tpu.memory_space<hbm>> -> memref<64x128xf32, #tpu.memory_space<hbm>>
    %dma_start3A_560 = arith.constant 0 : i32
    %dma_start3A_561 = arith.constant 0 : i32
    %dma_start3A_562 = tpu.memref_slice %arg6[%dma_start3A_551, %dma_start3A_560, %dma_start3A_561] : memref<8x64x128xf32, #tpu.memory_space<vmem>> -> memref<1x64x128xf32, #tpu.memory_space<vmem>>
    %dma_start3A_563 = tpu.memref_squeeze %dma_start3A_562 : memref<1x64x128xf32, #tpu.memory_space<vmem>> -> memref<64x128xf32, #tpu.memory_space<vmem>>
    tpu.enqueue_dma source(%dma_start3A_563 : memref<64x128xf32, #tpu.memory_space<vmem>>) target(%dma_start3A_559 : memref<64x128xf32, #tpu.memory_space<hbm>>) target_semaphore(%arg16 : memref<!tpu.dma_semaphore, #tpu.memory_space<semaphore_mem>>)
    %dma_wait3A_564 = arith.constant 5 : i32
    %dma_wait3A_565 = arith.constant 0 : i32
    %dma_wait3A_566 = arith.constant 0 : i32
    %dma_wait3A_567 = tpu.memref_slice %arg6[%dma_wait3A_564, %dma_wait3A_565, %dma_wait3A_566] : memref<8x64x128xf32, #tpu.memory_space<vmem>> -> memref<1x64x128xf32, #tpu.memory_space<vmem>>
    %dma_wait3A_568 = tpu.memref_squeeze %dma_wait3A_567 : memref<1x64x128xf32, #tpu.memory_space<vmem>> -> memref<64x128xf32, #tpu.memory_space<vmem>>
    %dma_wait3A_569 = arith.constant 0 : i32
    %dma_wait3A_570 = arith.constant 0 : i32
    %dma_wait3A_571 = tpu.memref_slice %arg4[%dma_wait3A_569, %dma_wait3A_570] : memref<819200x128xf32, #tpu.memory_space<hbm>> -> memref<64x128xf32, #tpu.memory_space<hbm>>
    %dma_wait3A_572 = arith.constant 0 : i32
    %dma_wait3A_573 = arith.constant 0 : i32
    %dma_wait3A_574 = tpu.memref_slice %arg4[%dma_wait3A_572, %dma_wait3A_573] : memref<819200x128xf32, #tpu.memory_space<hbm>> -> memref<64x128xf32, #tpu.memory_space<hbm>>
    %dma_wait3A_575 = arith.constant 0 : i32
    %dma_wait3A_576 = arith.constant 0 : i32
    %dma_wait3A_577 = tpu.memref_slice %arg6[%dma_wait3A_564, %dma_wait3A_575, %dma_wait3A_576] : memref<8x64x128xf32, #tpu.memory_space<vmem>> -> memref<1x64x128xf32, #tpu.memory_space<vmem>>
    %dma_wait3A_578 = tpu.memref_squeeze %dma_wait3A_577 : memref<1x64x128xf32, #tpu.memory_space<vmem>> -> memref<64x128xf32, #tpu.memory_space<vmem>>
    tpu.wait_dma2 semaphore(%arg20 : memref<!tpu.dma_semaphore, #tpu.memory_space<semaphore_mem>>) src(%dma_wait3A_578 : memref<64x128xf32, #tpu.memory_space<vmem>>) dst(%dma_wait3A_574 : memref<64x128xf32, #tpu.memory_space<hbm>>)
    %dma_start3A_579 = arith.constant 198 : i32
    %dma_start3A_580 = arith.constant 5 : i32
    %dma_start3A_581 = arith.constant 0 : i32
    %dma_start3A_582 = arith.constant 0 : i32
    %dma_start3A_583 = tpu.memref_slice %arg6[%dma_start3A_580, %dma_start3A_581, %dma_start3A_582] : memref<8x64x128xf32, #tpu.memory_space<vmem>> -> memref<1x64x128xf32, #tpu.memory_space<vmem>>
    %dma_start3A_584 = tpu.memref_squeeze %dma_start3A_583 : memref<1x64x128xf32, #tpu.memory_space<vmem>> -> memref<64x128xf32, #tpu.memory_space<vmem>>
    %dma_start3A_585 = arith.constant 64 : i32
    %dma_start3A_586 = tpu.memref_slice %arg5[%dma_start3A_579, %dma_start3A_585] : memref<200x128xi32, #tpu.memory_space<vmem>> -> memref<1x64xi32, #tpu.memory_space<vmem>>
    %dma_start3A_587 = tpu.memref_squeeze %dma_start3A_586 : memref<1x64xi32, #tpu.memory_space<vmem>> -> memref<64xi32, #tpu.memory_space<vmem>>
    %dma_start3A_588 = arith.constant 0 : i32
    %dma_start3A_589 = arith.constant 0 : i32
    %dma_start3A_590 = tpu.memref_slice %arg2[%dma_start3A_588, %dma_start3A_589] : memref<50000x128xf32, #tpu.memory_space<hbm>> -> memref<50000x128xf32, #tpu.memory_space<hbm>>
    tpu.enqueue_indirect_dma source(%dma_start3A_590 : memref<50000x128xf32, #tpu.memory_space<hbm>>) target(%dma_start3A_584 : memref<64x128xf32, #tpu.memory_space<vmem>>) offsets(%dma_start3A_587 : memref<64xi32, #tpu.memory_space<vmem>>) semaphore(%arg12 : memref<!tpu.dma_semaphore, #tpu.memory_space<semaphore_mem>>)
    %dma_wait3A_591 = arith.constant 2 : i32
    %dma_wait3A_592 = arith.constant 0 : i32
    %dma_wait3A_593 = arith.constant 0 : i32
    %dma_wait3A_594 = tpu.memref_slice %arg6[%dma_wait3A_591, %dma_wait3A_592, %dma_wait3A_593] : memref<8x64x128xf32, #tpu.memory_space<vmem>> -> memref<1x64x128xf32, #tpu.memory_space<vmem>>
    %dma_wait3A_595 = tpu.memref_squeeze %dma_wait3A_594 : memref<1x64x128xf32, #tpu.memory_space<vmem>> -> memref<64x128xf32, #tpu.memory_space<vmem>>
    %dma_wait3A_596 = arith.constant 0 : i32
    %dma_wait3A_597 = arith.constant 0 : i32
    %dma_wait3A_598 = tpu.memref_slice %arg2[%dma_wait3A_596, %dma_wait3A_597] : memref<50000x128xf32, #tpu.memory_space<hbm>> -> memref<64x128xf32, #tpu.memory_space<hbm>>
    %dma_wait3A_599 = arith.constant 0 : i32
    %dma_wait3A_600 = arith.constant 0 : i32
    %dma_wait3A_601 = tpu.memref_slice %arg6[%dma_wait3A_591, %dma_wait3A_599, %dma_wait3A_600] : memref<8x64x128xf32, #tpu.memory_space<vmem>> -> memref<1x64x128xf32, #tpu.memory_space<vmem>>
    %dma_wait3A_602 = tpu.memref_squeeze %dma_wait3A_601 : memref<1x64x128xf32, #tpu.memory_space<vmem>> -> memref<64x128xf32, #tpu.memory_space<vmem>>
    %dma_wait3A_603 = arith.constant 0 : i32
    %dma_wait3A_604 = arith.constant 0 : i32
    %dma_wait3A_605 = tpu.memref_slice %arg2[%dma_wait3A_603, %dma_wait3A_604] : memref<50000x128xf32, #tpu.memory_space<hbm>> -> memref<64x128xf32, #tpu.memory_space<hbm>>
    tpu.wait_dma2 semaphore(%arg9 : memref<!tpu.dma_semaphore, #tpu.memory_space<semaphore_mem>>) src(%dma_wait3A_605 : memref<64x128xf32, #tpu.memory_space<hbm>>) dst(%dma_wait3A_602 : memref<64x128xf32, #tpu.memory_space<vmem>>)
    %add3A_606 = arith.constant 25216 : i32
    %add3A_607 = arith.addi %multiple_of3A, %add3A_606 : i32
    %multiple_of3A_608 = tpu.assume_multiple %add3A_607, 64 : i32
    %dma_start3A_609 = arith.constant 2 : i32
    %dma_start3A_610 = arith.constant 0 : i32
    %dma_start3A_611 = arith.constant 0 : i32
    %dma_start3A_612 = tpu.memref_slice %arg6[%dma_start3A_609, %dma_start3A_610, %dma_start3A_611] : memref<8x64x128xf32, #tpu.memory_space<vmem>> -> memref<1x64x128xf32, #tpu.memory_space<vmem>>
    %dma_start3A_613 = tpu.memref_squeeze %dma_start3A_612 : memref<1x64x128xf32, #tpu.memory_space<vmem>> -> memref<64x128xf32, #tpu.memory_space<vmem>>
    %dma_start3A_614 = arith.constant 0 : i32
    %dma_start3A_615 = tpu.memref_slice %arg4[%multiple_of3A_608, %dma_start3A_614] : memref<819200x128xf32, #tpu.memory_space<hbm>> -> memref<64x128xf32, #tpu.memory_space<hbm>>
    %dma_start3A_616 = arith.constant 0 : i32
    %dma_start3A_617 = tpu.memref_slice %arg4[%multiple_of3A_608, %dma_start3A_616] : memref<819200x128xf32, #tpu.memory_space<hbm>> -> memref<64x128xf32, #tpu.memory_space<hbm>>
    %dma_start3A_618 = arith.constant 0 : i32
    %dma_start3A_619 = arith.constant 0 : i32
    %dma_start3A_620 = tpu.memref_slice %arg6[%dma_start3A_609, %dma_start3A_618, %dma_start3A_619] : memref<8x64x128xf32, #tpu.memory_space<vmem>> -> memref<1x64x128xf32, #tpu.memory_space<vmem>>
    %dma_start3A_621 = tpu.memref_squeeze %dma_start3A_620 : memref<1x64x128xf32, #tpu.memory_space<vmem>> -> memref<64x128xf32, #tpu.memory_space<vmem>>
    tpu.enqueue_dma source(%dma_start3A_621 : memref<64x128xf32, #tpu.memory_space<vmem>>) target(%dma_start3A_617 : memref<64x128xf32, #tpu.memory_space<hbm>>) target_semaphore(%arg17 : memref<!tpu.dma_semaphore, #tpu.memory_space<semaphore_mem>>)
    %dma_wait3A_622 = arith.constant 6 : i32
    %dma_wait3A_623 = arith.constant 0 : i32
    %dma_wait3A_624 = arith.constant 0 : i32
    %dma_wait3A_625 = tpu.memref_slice %arg6[%dma_wait3A_622, %dma_wait3A_623, %dma_wait3A_624] : memref<8x64x128xf32, #tpu.memory_space<vmem>> -> memref<1x64x128xf32, #tpu.memory_space<vmem>>
    %dma_wait3A_626 = tpu.memref_squeeze %dma_wait3A_625 : memref<1x64x128xf32, #tpu.memory_space<vmem>> -> memref<64x128xf32, #tpu.memory_space<vmem>>
    %dma_wait3A_627 = arith.constant 0 : i32
    %dma_wait3A_628 = arith.constant 0 : i32
    %dma_wait3A_629 = tpu.memref_slice %arg4[%dma_wait3A_627, %dma_wait3A_628] : memref<819200x128xf32, #tpu.memory_space<hbm>> -> memref<64x128xf32, #tpu.memory_space<hbm>>
    %dma_wait3A_630 = arith.constant 0 : i32
    %dma_wait3A_631 = arith.constant 0 : i32
    %dma_wait3A_632 = tpu.memref_slice %arg4[%dma_wait3A_630, %dma_wait3A_631] : memref<819200x128xf32, #tpu.memory_space<hbm>> -> memref<64x128xf32, #tpu.memory_space<hbm>>
    %dma_wait3A_633 = arith.constant 0 : i32
    %dma_wait3A_634 = arith.constant 0 : i32
    %dma_wait3A_635 = tpu.memref_slice %arg6[%dma_wait3A_622, %dma_wait3A_633, %dma_wait3A_634] : memref<8x64x128xf32, #tpu.memory_space<vmem>> -> memref<1x64x128xf32, #tpu.memory_space<vmem>>
    %dma_wait3A_636 = tpu.memref_squeeze %dma_wait3A_635 : memref<1x64x128xf32, #tpu.memory_space<vmem>> -> memref<64x128xf32, #tpu.memory_space<vmem>>
    tpu.wait_dma2 semaphore(%arg21 : memref<!tpu.dma_semaphore, #tpu.memory_space<semaphore_mem>>) src(%dma_wait3A_636 : memref<64x128xf32, #tpu.memory_space<vmem>>) dst(%dma_wait3A_632 : memref<64x128xf32, #tpu.memory_space<hbm>>)
    %dma_start3A_637 = arith.constant 199 : i32
    %dma_start3A_638 = arith.constant 6 : i32
    %dma_start3A_639 = arith.constant 0 : i32
    %dma_start3A_640 = arith.constant 0 : i32
    %dma_start3A_641 = tpu.memref_slice %arg6[%dma_start3A_638, %dma_start3A_639, %dma_start3A_640] : memref<8x64x128xf32, #tpu.memory_space<vmem>> -> memref<1x64x128xf32, #tpu.memory_space<vmem>>
    %dma_start3A_642 = tpu.memref_squeeze %dma_start3A_641 : memref<1x64x128xf32, #tpu.memory_space<vmem>> -> memref<64x128xf32, #tpu.memory_space<vmem>>
    %dma_start3A_643 = arith.constant 0 : i32
    %dma_start3A_644 = tpu.memref_slice %arg5[%dma_start3A_637, %dma_start3A_643] : memref<200x128xi32, #tpu.memory_space<vmem>> -> memref<1x64xi32, #tpu.memory_space<vmem>>
    %dma_start3A_645 = tpu.memref_squeeze %dma_start3A_644 : memref<1x64xi32, #tpu.memory_space<vmem>> -> memref<64xi32, #tpu.memory_space<vmem>>
    %dma_start3A_646 = arith.constant 0 : i32
    %dma_start3A_647 = arith.constant 0 : i32
    %dma_start3A_648 = tpu.memref_slice %arg2[%dma_start3A_646, %dma_start3A_647] : memref<50000x128xf32, #tpu.memory_space<hbm>> -> memref<50000x128xf32, #tpu.memory_space<hbm>>
    tpu.enqueue_indirect_dma source(%dma_start3A_648 : memref<50000x128xf32, #tpu.memory_space<hbm>>) target(%dma_start3A_642 : memref<64x128xf32, #tpu.memory_space<vmem>>) offsets(%dma_start3A_645 : memref<64xi32, #tpu.memory_space<vmem>>) semaphore(%arg13 : memref<!tpu.dma_semaphore, #tpu.memory_space<semaphore_mem>>)
    %dma_wait3A_649 = arith.constant 3 : i32
    %dma_wait3A_650 = arith.constant 0 : i32
    %dma_wait3A_651 = arith.constant 0 : i32
    %dma_wait3A_652 = tpu.memref_slice %arg6[%dma_wait3A_649, %dma_wait3A_650, %dma_wait3A_651] : memref<8x64x128xf32, #tpu.memory_space<vmem>> -> memref<1x64x128xf32, #tpu.memory_space<vmem>>
    %dma_wait3A_653 = tpu.memref_squeeze %dma_wait3A_652 : memref<1x64x128xf32, #tpu.memory_space<vmem>> -> memref<64x128xf32, #tpu.memory_space<vmem>>
    %dma_wait3A_654 = arith.constant 0 : i32
    %dma_wait3A_655 = arith.constant 0 : i32
    %dma_wait3A_656 = tpu.memref_slice %arg2[%dma_wait3A_654, %dma_wait3A_655] : memref<50000x128xf32, #tpu.memory_space<hbm>> -> memref<64x128xf32, #tpu.memory_space<hbm>>
    %dma_wait3A_657 = arith.constant 0 : i32
    %dma_wait3A_658 = arith.constant 0 : i32
    %dma_wait3A_659 = tpu.memref_slice %arg6[%dma_wait3A_649, %dma_wait3A_657, %dma_wait3A_658] : memref<8x64x128xf32, #tpu.memory_space<vmem>> -> memref<1x64x128xf32, #tpu.memory_space<vmem>>
    %dma_wait3A_660 = tpu.memref_squeeze %dma_wait3A_659 : memref<1x64x128xf32, #tpu.memory_space<vmem>> -> memref<64x128xf32, #tpu.memory_space<vmem>>
    %dma_wait3A_661 = arith.constant 0 : i32
    %dma_wait3A_662 = arith.constant 0 : i32
    %dma_wait3A_663 = tpu.memref_slice %arg2[%dma_wait3A_661, %dma_wait3A_662] : memref<50000x128xf32, #tpu.memory_space<hbm>> -> memref<64x128xf32, #tpu.memory_space<hbm>>
    tpu.wait_dma2 semaphore(%arg10 : memref<!tpu.dma_semaphore, #tpu.memory_space<semaphore_mem>>) src(%dma_wait3A_663 : memref<64x128xf32, #tpu.memory_space<hbm>>) dst(%dma_wait3A_660 : memref<64x128xf32, #tpu.memory_space<vmem>>)
    %add3A_664 = arith.constant 25280 : i32
    %add3A_665 = arith.addi %multiple_of3A, %add3A_664 : i32
    %multiple_of3A_666 = tpu.assume_multiple %add3A_665, 64 : i32
    %dma_start3A_667 = arith.constant 3 : i32
    %dma_start3A_668 = arith.constant 0 : i32
    %dma_start3A_669 = arith.constant 0 : i32
    %dma_start3A_670 = tpu.memref_slice %arg6[%dma_start3A_667, %dma_start3A_668, %dma_start3A_669] : memref<8x64x128xf32, #tpu.memory_space<vmem>> -> memref<1x64x128xf32, #tpu.memory_space<vmem>>
    %dma_start3A_671 = tpu.memref_squeeze %dma_start3A_670 : memref<1x64x128xf32, #tpu.memory_space<vmem>> -> memref<64x128xf32, #tpu.memory_space<vmem>>
    %dma_start3A_672 = arith.constant 0 : i32
    %dma_start3A_673 = tpu.memref_slice %arg4[%multiple_of3A_666, %dma_start3A_672] : memref<819200x128xf32, #tpu.memory_space<hbm>> -> memref<64x128xf32, #tpu.memory_space<hbm>>
    %dma_start3A_674 = arith.constant 0 : i32
    %dma_start3A_675 = tpu.memref_slice %arg4[%multiple_of3A_666, %dma_start3A_674] : memref<819200x128xf32, #tpu.memory_space<hbm>> -> memref<64x128xf32, #tpu.memory_space<hbm>>
    %dma_start3A_676 = arith.constant 0 : i32
    %dma_start3A_677 = arith.constant 0 : i32
    %dma_start3A_678 = tpu.memref_slice %arg6[%dma_start3A_667, %dma_start3A_676, %dma_start3A_677] : memref<8x64x128xf32, #tpu.memory_space<vmem>> -> memref<1x64x128xf32, #tpu.memory_space<vmem>>
    %dma_start3A_679 = tpu.memref_squeeze %dma_start3A_678 : memref<1x64x128xf32, #tpu.memory_space<vmem>> -> memref<64x128xf32, #tpu.memory_space<vmem>>
    tpu.enqueue_dma source(%dma_start3A_679 : memref<64x128xf32, #tpu.memory_space<vmem>>) target(%dma_start3A_675 : memref<64x128xf32, #tpu.memory_space<hbm>>) target_semaphore(%arg18 : memref<!tpu.dma_semaphore, #tpu.memory_space<semaphore_mem>>)
    %dma_wait3A_680 = arith.constant 7 : i32
    %dma_wait3A_681 = arith.constant 0 : i32
    %dma_wait3A_682 = arith.constant 0 : i32
    %dma_wait3A_683 = tpu.memref_slice %arg6[%dma_wait3A_680, %dma_wait3A_681, %dma_wait3A_682] : memref<8x64x128xf32, #tpu.memory_space<vmem>> -> memref<1x64x128xf32, #tpu.memory_space<vmem>>
    %dma_wait3A_684 = tpu.memref_squeeze %dma_wait3A_683 : memref<1x64x128xf32, #tpu.memory_space<vmem>> -> memref<64x128xf32, #tpu.memory_space<vmem>>
    %dma_wait3A_685 = arith.constant 0 : i32
    %dma_wait3A_686 = arith.constant 0 : i32
    %dma_wait3A_687 = tpu.memref_slice %arg4[%dma_wait3A_685, %dma_wait3A_686] : memref<819200x128xf32, #tpu.memory_space<hbm>> -> memref<64x128xf32, #tpu.memory_space<hbm>>
    %dma_wait3A_688 = arith.constant 0 : i32
    %dma_wait3A_689 = arith.constant 0 : i32
    %dma_wait3A_690 = tpu.memref_slice %arg4[%dma_wait3A_688, %dma_wait3A_689] : memref<819200x128xf32, #tpu.memory_space<hbm>> -> memref<64x128xf32, #tpu.memory_space<hbm>>
    %dma_wait3A_691 = arith.constant 0 : i32
    %dma_wait3A_692 = arith.constant 0 : i32
    %dma_wait3A_693 = tpu.memref_slice %arg6[%dma_wait3A_680, %dma_wait3A_691, %dma_wait3A_692] : memref<8x64x128xf32, #tpu.memory_space<vmem>> -> memref<1x64x128xf32, #tpu.memory_space<vmem>>
    %dma_wait3A_694 = tpu.memref_squeeze %dma_wait3A_693 : memref<1x64x128xf32, #tpu.memory_space<vmem>> -> memref<64x128xf32, #tpu.memory_space<vmem>>
    tpu.wait_dma2 semaphore(%arg22 : memref<!tpu.dma_semaphore, #tpu.memory_space<semaphore_mem>>) src(%dma_wait3A_694 : memref<64x128xf32, #tpu.memory_space<vmem>>) dst(%dma_wait3A_690 : memref<64x128xf32, #tpu.memory_space<hbm>>)
    %dma_start3A_695 = arith.constant 199 : i32
    %dma_start3A_696 = arith.constant 7 : i32
    %dma_start3A_697 = arith.constant 0 : i32
    %dma_start3A_698 = arith.constant 0 : i32
    %dma_start3A_699 = tpu.memref_slice %arg6[%dma_start3A_696, %dma_start3A_697, %dma_start3A_698] : memref<8x64x128xf32, #tpu.memory_space<vmem>> -> memref<1x64x128xf32, #tpu.memory_space<vmem>>
    %dma_start3A_700 = tpu.memref_squeeze %dma_start3A_699 : memref<1x64x128xf32, #tpu.memory_space<vmem>> -> memref<64x128xf32, #tpu.memory_space<vmem>>
    %dma_start3A_701 = arith.constant 64 : i32
    %dma_start3A_702 = tpu.memref_slice %arg5[%dma_start3A_695, %dma_start3A_701] : memref<200x128xi32, #tpu.memory_space<vmem>> -> memref<1x64xi32, #tpu.memory_space<vmem>>
    %dma_start3A_703 = tpu.memref_squeeze %dma_start3A_702 : memref<1x64xi32, #tpu.memory_space<vmem>> -> memref<64xi32, #tpu.memory_space<vmem>>
    %dma_start3A_704 = arith.constant 0 : i32
    %dma_start3A_705 = arith.constant 0 : i32
    %dma_start3A_706 = tpu.memref_slice %arg2[%dma_start3A_704, %dma_start3A_705] : memref<50000x128xf32, #tpu.memory_space<hbm>> -> memref<50000x128xf32, #tpu.memory_space<hbm>>
    tpu.enqueue_indirect_dma source(%dma_start3A_706 : memref<50000x128xf32, #tpu.memory_space<hbm>>) target(%dma_start3A_700 : memref<64x128xf32, #tpu.memory_space<vmem>>) offsets(%dma_start3A_703 : memref<64xi32, #tpu.memory_space<vmem>>) semaphore(%arg14 : memref<!tpu.dma_semaphore, #tpu.memory_space<semaphore_mem>>)
    %dma_wait3A_707 = arith.constant 4 : i32
    %dma_wait3A_708 = arith.constant 0 : i32
    %dma_wait3A_709 = arith.constant 0 : i32
    %dma_wait3A_710 = tpu.memref_slice %arg6[%dma_wait3A_707, %dma_wait3A_708, %dma_wait3A_709] : memref<8x64x128xf32, #tpu.memory_space<vmem>> -> memref<1x64x128xf32, #tpu.memory_space<vmem>>
    %dma_wait3A_711 = tpu.memref_squeeze %dma_wait3A_710 : memref<1x64x128xf32, #tpu.memory_space<vmem>> -> memref<64x128xf32, #tpu.memory_space<vmem>>
    %dma_wait3A_712 = arith.constant 0 : i32
    %dma_wait3A_713 = arith.constant 0 : i32
    %dma_wait3A_714 = tpu.memref_slice %arg2[%dma_wait3A_712, %dma_wait3A_713] : memref<50000x128xf32, #tpu.memory_space<hbm>> -> memref<64x128xf32, #tpu.memory_space<hbm>>
    %dma_wait3A_715 = arith.constant 0 : i32
    %dma_wait3A_716 = arith.constant 0 : i32
    %dma_wait3A_717 = tpu.memref_slice %arg6[%dma_wait3A_707, %dma_wait3A_715, %dma_wait3A_716] : memref<8x64x128xf32, #tpu.memory_space<vmem>> -> memref<1x64x128xf32, #tpu.memory_space<vmem>>
    %dma_wait3A_718 = tpu.memref_squeeze %dma_wait3A_717 : memref<1x64x128xf32, #tpu.memory_space<vmem>> -> memref<64x128xf32, #tpu.memory_space<vmem>>
    %dma_wait3A_719 = arith.constant 0 : i32
    %dma_wait3A_720 = arith.constant 0 : i32
    %dma_wait3A_721 = tpu.memref_slice %arg2[%dma_wait3A_719, %dma_wait3A_720] : memref<50000x128xf32, #tpu.memory_space<hbm>> -> memref<64x128xf32, #tpu.memory_space<hbm>>
    tpu.wait_dma2 semaphore(%arg11 : memref<!tpu.dma_semaphore, #tpu.memory_space<semaphore_mem>>) src(%dma_wait3A_721 : memref<64x128xf32, #tpu.memory_space<hbm>>) dst(%dma_wait3A_718 : memref<64x128xf32, #tpu.memory_space<vmem>>)
    %add3A_722 = arith.constant 25344 : i32
    %add3A_723 = arith.addi %multiple_of3A, %add3A_722 : i32
    %multiple_of3A_724 = tpu.assume_multiple %add3A_723, 64 : i32
    %dma_start3A_725 = arith.constant 4 : i32
    %dma_start3A_726 = arith.constant 0 : i32
    %dma_start3A_727 = arith.constant 0 : i32
    %dma_start3A_728 = tpu.memref_slice %arg6[%dma_start3A_725, %dma_start3A_726, %dma_start3A_727] : memref<8x64x128xf32, #tpu.memory_space<vmem>> -> memref<1x64x128xf32, #tpu.memory_space<vmem>>
    %dma_start3A_729 = tpu.memref_squeeze %dma_start3A_728 : memref<1x64x128xf32, #tpu.memory_space<vmem>> -> memref<64x128xf32, #tpu.memory_space<vmem>>
    %dma_start3A_730 = arith.constant 0 : i32
    %dma_start3A_731 = tpu.memref_slice %arg4[%multiple_of3A_724, %dma_start3A_730] : memref<819200x128xf32, #tpu.memory_space<hbm>> -> memref<64x128xf32, #tpu.memory_space<hbm>>
    %dma_start3A_732 = arith.constant 0 : i32
    %dma_start3A_733 = tpu.memref_slice %arg4[%multiple_of3A_724, %dma_start3A_732] : memref<819200x128xf32, #tpu.memory_space<hbm>> -> memref<64x128xf32, #tpu.memory_space<hbm>>
    %dma_start3A_734 = arith.constant 0 : i32
    %dma_start3A_735 = arith.constant 0 : i32
    %dma_start3A_736 = tpu.memref_slice %arg6[%dma_start3A_725, %dma_start3A_734, %dma_start3A_735] : memref<8x64x128xf32, #tpu.memory_space<vmem>> -> memref<1x64x128xf32, #tpu.memory_space<vmem>>
    %dma_start3A_737 = tpu.memref_squeeze %dma_start3A_736 : memref<1x64x128xf32, #tpu.memory_space<vmem>> -> memref<64x128xf32, #tpu.memory_space<vmem>>
    tpu.enqueue_dma source(%dma_start3A_737 : memref<64x128xf32, #tpu.memory_space<vmem>>) target(%dma_start3A_733 : memref<64x128xf32, #tpu.memory_space<hbm>>) target_semaphore(%arg19 : memref<!tpu.dma_semaphore, #tpu.memory_space<semaphore_mem>>)
    %dma_wait3A_738 = arith.constant 5 : i32
    %dma_wait3A_739 = arith.constant 0 : i32
    %dma_wait3A_740 = arith.constant 0 : i32
    %dma_wait3A_741 = tpu.memref_slice %arg6[%dma_wait3A_738, %dma_wait3A_739, %dma_wait3A_740] : memref<8x64x128xf32, #tpu.memory_space<vmem>> -> memref<1x64x128xf32, #tpu.memory_space<vmem>>
    %dma_wait3A_742 = tpu.memref_squeeze %dma_wait3A_741 : memref<1x64x128xf32, #tpu.memory_space<vmem>> -> memref<64x128xf32, #tpu.memory_space<vmem>>
    %dma_wait3A_743 = arith.constant 0 : i32
    %dma_wait3A_744 = arith.constant 0 : i32
    %dma_wait3A_745 = tpu.memref_slice %arg2[%dma_wait3A_743, %dma_wait3A_744] : memref<50000x128xf32, #tpu.memory_space<hbm>> -> memref<64x128xf32, #tpu.memory_space<hbm>>
    %dma_wait3A_746 = arith.constant 0 : i32
    %dma_wait3A_747 = arith.constant 0 : i32
    %dma_wait3A_748 = tpu.memref_slice %arg6[%dma_wait3A_738, %dma_wait3A_746, %dma_wait3A_747] : memref<8x64x128xf32, #tpu.memory_space<vmem>> -> memref<1x64x128xf32, #tpu.memory_space<vmem>>
    %dma_wait3A_749 = tpu.memref_squeeze %dma_wait3A_748 : memref<1x64x128xf32, #tpu.memory_space<vmem>> -> memref<64x128xf32, #tpu.memory_space<vmem>>
    %dma_wait3A_750 = arith.constant 0 : i32
    %dma_wait3A_751 = arith.constant 0 : i32
    %dma_wait3A_752 = tpu.memref_slice %arg2[%dma_wait3A_750, %dma_wait3A_751] : memref<50000x128xf32, #tpu.memory_space<hbm>> -> memref<64x128xf32, #tpu.memory_space<hbm>>
    tpu.wait_dma2 semaphore(%arg12 : memref<!tpu.dma_semaphore, #tpu.memory_space<semaphore_mem>>) src(%dma_wait3A_752 : memref<64x128xf32, #tpu.memory_space<hbm>>) dst(%dma_wait3A_749 : memref<64x128xf32, #tpu.memory_space<vmem>>)
    %add3A_753 = arith.constant 25408 : i32
    %add3A_754 = arith.addi %multiple_of3A, %add3A_753 : i32
    %multiple_of3A_755 = tpu.assume_multiple %add3A_754, 64 : i32
    %dma_start3A_756 = arith.constant 5 : i32
    %dma_start3A_757 = arith.constant 0 : i32
    %dma_start3A_758 = arith.constant 0 : i32
    %dma_start3A_759 = tpu.memref_slice %arg6[%dma_start3A_756, %dma_start3A_757, %dma_start3A_758] : memref<8x64x128xf32, #tpu.memory_space<vmem>> -> memref<1x64x128xf32, #tpu.memory_space<vmem>>
    %dma_start3A_760 = tpu.memref_squeeze %dma_start3A_759 : memref<1x64x128xf32, #tpu.memory_space<vmem>> -> memref<64x128xf32, #tpu.memory_space<vmem>>
    %dma_start3A_761 = arith.constant 0 : i32
    %dma_start3A_762 = tpu.memref_slice %arg4[%multiple_of3A_755, %dma_start3A_761] : memref<819200x128xf32, #tpu.memory_space<hbm>> -> memref<64x128xf32, #tpu.memory_space<hbm>>
    %dma_start3A_763 = arith.constant 0 : i32
    %dma_start3A_764 = tpu.memref_slice %arg4[%multiple_of3A_755, %dma_start3A_763] : memref<819200x128xf32, #tpu.memory_space<hbm>> -> memref<64x128xf32, #tpu.memory_space<hbm>>
    %dma_start3A_765 = arith.constant 0 : i32
    %dma_start3A_766 = arith.constant 0 : i32
    %dma_start3A_767 = tpu.memref_slice %arg6[%dma_start3A_756, %dma_start3A_765, %dma_start3A_766] : memref<8x64x128xf32, #tpu.memory_space<vmem>> -> memref<1x64x128xf32, #tpu.memory_space<vmem>>
    %dma_start3A_768 = tpu.memref_squeeze %dma_start3A_767 : memref<1x64x128xf32, #tpu.memory_space<vmem>> -> memref<64x128xf32, #tpu.memory_space<vmem>>
    tpu.enqueue_dma source(%dma_start3A_768 : memref<64x128xf32, #tpu.memory_space<vmem>>) target(%dma_start3A_764 : memref<64x128xf32, #tpu.memory_space<hbm>>) target_semaphore(%arg20 : memref<!tpu.dma_semaphore, #tpu.memory_space<semaphore_mem>>)
    %dma_wait3A_769 = arith.constant 6 : i32
    %dma_wait3A_770 = arith.constant 0 : i32
    %dma_wait3A_771 = arith.constant 0 : i32
    %dma_wait3A_772 = tpu.memref_slice %arg6[%dma_wait3A_769, %dma_wait3A_770, %dma_wait3A_771] : memref<8x64x128xf32, #tpu.memory_space<vmem>> -> memref<1x64x128xf32, #tpu.memory_space<vmem>>
    %dma_wait3A_773 = tpu.memref_squeeze %dma_wait3A_772 : memref<1x64x128xf32, #tpu.memory_space<vmem>> -> memref<64x128xf32, #tpu.memory_space<vmem>>
    %dma_wait3A_774 = arith.constant 0 : i32
    %dma_wait3A_775 = arith.constant 0 : i32
    %dma_wait3A_776 = tpu.memref_slice %arg2[%dma_wait3A_774, %dma_wait3A_775] : memref<50000x128xf32, #tpu.memory_space<hbm>> -> memref<64x128xf32, #tpu.memory_space<hbm>>
    %dma_wait3A_777 = arith.constant 0 : i32
    %dma_wait3A_778 = arith.constant 0 : i32
    %dma_wait3A_779 = tpu.memref_slice %arg6[%dma_wait3A_769, %dma_wait3A_777, %dma_wait3A_778] : memref<8x64x128xf32, #tpu.memory_space<vmem>> -> memref<1x64x128xf32, #tpu.memory_space<vmem>>
    %dma_wait3A_780 = tpu.memref_squeeze %dma_wait3A_779 : memref<1x64x128xf32, #tpu.memory_space<vmem>> -> memref<64x128xf32, #tpu.memory_space<vmem>>
    %dma_wait3A_781 = arith.constant 0 : i32
    %dma_wait3A_782 = arith.constant 0 : i32
    %dma_wait3A_783 = tpu.memref_slice %arg2[%dma_wait3A_781, %dma_wait3A_782] : memref<50000x128xf32, #tpu.memory_space<hbm>> -> memref<64x128xf32, #tpu.memory_space<hbm>>
    tpu.wait_dma2 semaphore(%arg13 : memref<!tpu.dma_semaphore, #tpu.memory_space<semaphore_mem>>) src(%dma_wait3A_783 : memref<64x128xf32, #tpu.memory_space<hbm>>) dst(%dma_wait3A_780 : memref<64x128xf32, #tpu.memory_space<vmem>>)
    %add3A_784 = arith.constant 25472 : i32
    %add3A_785 = arith.addi %multiple_of3A, %add3A_784 : i32
    %multiple_of3A_786 = tpu.assume_multiple %add3A_785, 64 : i32
    %dma_start3A_787 = arith.constant 6 : i32
    %dma_start3A_788 = arith.constant 0 : i32
    %dma_start3A_789 = arith.constant 0 : i32
    %dma_start3A_790 = tpu.memref_slice %arg6[%dma_start3A_787, %dma_start3A_788, %dma_start3A_789] : memref<8x64x128xf32, #tpu.memory_space<vmem>> -> memref<1x64x128xf32, #tpu.memory_space<vmem>>
    %dma_start3A_791 = tpu.memref_squeeze %dma_start3A_790 : memref<1x64x128xf32, #tpu.memory_space<vmem>> -> memref<64x128xf32, #tpu.memory_space<vmem>>
    %dma_start3A_792 = arith.constant 0 : i32
    %dma_start3A_793 = tpu.memref_slice %arg4[%multiple_of3A_786, %dma_start3A_792] : memref<819200x128xf32, #tpu.memory_space<hbm>> -> memref<64x128xf32, #tpu.memory_space<hbm>>
    %dma_start3A_794 = arith.constant 0 : i32
    %dma_start3A_795 = tpu.memref_slice %arg4[%multiple_of3A_786, %dma_start3A_794] : memref<819200x128xf32, #tpu.memory_space<hbm>> -> memref<64x128xf32, #tpu.memory_space<hbm>>
    %dma_start3A_796 = arith.constant 0 : i32
    %dma_start3A_797 = arith.constant 0 : i32
    %dma_start3A_798 = tpu.memref_slice %arg6[%dma_start3A_787, %dma_start3A_796, %dma_start3A_797] : memref<8x64x128xf32, #tpu.memory_space<vmem>> -> memref<1x64x128xf32, #tpu.memory_space<vmem>>
    %dma_start3A_799 = tpu.memref_squeeze %dma_start3A_798 : memref<1x64x128xf32, #tpu.memory_space<vmem>> -> memref<64x128xf32, #tpu.memory_space<vmem>>
    tpu.enqueue_dma source(%dma_start3A_799 : memref<64x128xf32, #tpu.memory_space<vmem>>) target(%dma_start3A_795 : memref<64x128xf32, #tpu.memory_space<hbm>>) target_semaphore(%arg21 : memref<!tpu.dma_semaphore, #tpu.memory_space<semaphore_mem>>)
    %dma_wait3A_800 = arith.constant 7 : i32
    %dma_wait3A_801 = arith.constant 0 : i32
    %dma_wait3A_802 = arith.constant 0 : i32
    %dma_wait3A_803 = tpu.memref_slice %arg6[%dma_wait3A_800, %dma_wait3A_801, %dma_wait3A_802] : memref<8x64x128xf32, #tpu.memory_space<vmem>> -> memref<1x64x128xf32, #tpu.memory_space<vmem>>
    %dma_wait3A_804 = tpu.memref_squeeze %dma_wait3A_803 : memref<1x64x128xf32, #tpu.memory_space<vmem>> -> memref<64x128xf32, #tpu.memory_space<vmem>>
    %dma_wait3A_805 = arith.constant 0 : i32
    %dma_wait3A_806 = arith.constant 0 : i32
    %dma_wait3A_807 = tpu.memref_slice %arg2[%dma_wait3A_805, %dma_wait3A_806] : memref<50000x128xf32, #tpu.memory_space<hbm>> -> memref<64x128xf32, #tpu.memory_space<hbm>>
    %dma_wait3A_808 = arith.constant 0 : i32
    %dma_wait3A_809 = arith.constant 0 : i32
    %dma_wait3A_810 = tpu.memref_slice %arg6[%dma_wait3A_800, %dma_wait3A_808, %dma_wait3A_809] : memref<8x64x128xf32, #tpu.memory_space<vmem>> -> memref<1x64x128xf32, #tpu.memory_space<vmem>>
    %dma_wait3A_811 = tpu.memref_squeeze %dma_wait3A_810 : memref<1x64x128xf32, #tpu.memory_space<vmem>> -> memref<64x128xf32, #tpu.memory_space<vmem>>
    %dma_wait3A_812 = arith.constant 0 : i32
    %dma_wait3A_813 = arith.constant 0 : i32
    %dma_wait3A_814 = tpu.memref_slice %arg2[%dma_wait3A_812, %dma_wait3A_813] : memref<50000x128xf32, #tpu.memory_space<hbm>> -> memref<64x128xf32, #tpu.memory_space<hbm>>
    tpu.wait_dma2 semaphore(%arg14 : memref<!tpu.dma_semaphore, #tpu.memory_space<semaphore_mem>>) src(%dma_wait3A_814 : memref<64x128xf32, #tpu.memory_space<hbm>>) dst(%dma_wait3A_811 : memref<64x128xf32, #tpu.memory_space<vmem>>)
    %add3A_815 = arith.constant 25536 : i32
    %add3A_816 = arith.addi %multiple_of3A, %add3A_815 : i32
    %multiple_of3A_817 = tpu.assume_multiple %add3A_816, 64 : i32
    %dma_start3A_818 = arith.constant 7 : i32
    %dma_start3A_819 = arith.constant 0 : i32
    %dma_start3A_820 = arith.constant 0 : i32
    %dma_start3A_821 = tpu.memref_slice %arg6[%dma_start3A_818, %dma_start3A_819, %dma_start3A_820] : memref<8x64x128xf32, #tpu.memory_space<vmem>> -> memref<1x64x128xf32, #tpu.memory_space<vmem>>
    %dma_start3A_822 = tpu.memref_squeeze %dma_start3A_821 : memref<1x64x128xf32, #tpu.memory_space<vmem>> -> memref<64x128xf32, #tpu.memory_space<vmem>>
    %dma_start3A_823 = arith.constant 0 : i32
    %dma_start3A_824 = tpu.memref_slice %arg4[%multiple_of3A_817, %dma_start3A_823] : memref<819200x128xf32, #tpu.memory_space<hbm>> -> memref<64x128xf32, #tpu.memory_space<hbm>>
    %dma_start3A_825 = arith.constant 0 : i32
    %dma_start3A_826 = tpu.memref_slice %arg4[%multiple_of3A_817, %dma_start3A_825] : memref<819200x128xf32, #tpu.memory_space<hbm>> -> memref<64x128xf32, #tpu.memory_space<hbm>>
    %dma_start3A_827 = arith.constant 0 : i32
    %dma_start3A_828 = arith.constant 0 : i32
    %dma_start3A_829 = tpu.memref_slice %arg6[%dma_start3A_818, %dma_start3A_827, %dma_start3A_828] : memref<8x64x128xf32, #tpu.memory_space<vmem>> -> memref<1x64x128xf32, #tpu.memory_space<vmem>>
    %dma_start3A_830 = tpu.memref_squeeze %dma_start3A_829 : memref<1x64x128xf32, #tpu.memory_space<vmem>> -> memref<64x128xf32, #tpu.memory_space<vmem>>
    tpu.enqueue_dma source(%dma_start3A_830 : memref<64x128xf32, #tpu.memory_space<vmem>>) target(%dma_start3A_826 : memref<64x128xf32, #tpu.memory_space<hbm>>) target_semaphore(%arg22 : memref<!tpu.dma_semaphore, #tpu.memory_space<semaphore_mem>>)
    %dma_wait3A_831 = arith.constant 0 : i32
    %dma_wait3A_832 = arith.constant 0 : i32
    %dma_wait3A_833 = arith.constant 0 : i32
    %dma_wait3A_834 = tpu.memref_slice %arg6[%dma_wait3A_831, %dma_wait3A_832, %dma_wait3A_833] : memref<8x64x128xf32, #tpu.memory_space<vmem>> -> memref<1x64x128xf32, #tpu.memory_space<vmem>>
    %dma_wait3A_835 = tpu.memref_squeeze %dma_wait3A_834 : memref<1x64x128xf32, #tpu.memory_space<vmem>> -> memref<64x128xf32, #tpu.memory_space<vmem>>
    %dma_wait3A_836 = arith.constant 0 : i32
    %dma_wait3A_837 = arith.constant 0 : i32
    %dma_wait3A_838 = tpu.memref_slice %arg4[%dma_wait3A_836, %dma_wait3A_837] : memref<819200x128xf32, #tpu.memory_space<hbm>> -> memref<64x128xf32, #tpu.memory_space<hbm>>
    %dma_wait3A_839 = arith.constant 0 : i32
    %dma_wait3A_840 = arith.constant 0 : i32
    %dma_wait3A_841 = tpu.memref_slice %arg4[%dma_wait3A_839, %dma_wait3A_840] : memref<819200x128xf32, #tpu.memory_space<hbm>> -> memref<64x128xf32, #tpu.memory_space<hbm>>
    %dma_wait3A_842 = arith.constant 0 : i32
    %dma_wait3A_843 = arith.constant 0 : i32
    %dma_wait3A_844 = tpu.memref_slice %arg6[%dma_wait3A_831, %dma_wait3A_842, %dma_wait3A_843] : memref<8x64x128xf32, #tpu.memory_space<vmem>> -> memref<1x64x128xf32, #tpu.memory_space<vmem>>
    %dma_wait3A_845 = tpu.memref_squeeze %dma_wait3A_844 : memref<1x64x128xf32, #tpu.memory_space<vmem>> -> memref<64x128xf32, #tpu.memory_space<vmem>>
    tpu.wait_dma2 semaphore(%arg15 : memref<!tpu.dma_semaphore, #tpu.memory_space<semaphore_mem>>) src(%dma_wait3A_845 : memref<64x128xf32, #tpu.memory_space<vmem>>) dst(%dma_wait3A_841 : memref<64x128xf32, #tpu.memory_space<hbm>>)
    %dma_wait3A_846 = arith.constant 1 : i32
    %dma_wait3A_847 = arith.constant 0 : i32
    %dma_wait3A_848 = arith.constant 0 : i32
    %dma_wait3A_849 = tpu.memref_slice %arg6[%dma_wait3A_846, %dma_wait3A_847, %dma_wait3A_848] : memref<8x64x128xf32, #tpu.memory_space<vmem>> -> memref<1x64x128xf32, #tpu.memory_space<vmem>>
    %dma_wait3A_850 = tpu.memref_squeeze %dma_wait3A_849 : memref<1x64x128xf32, #tpu.memory_space<vmem>> -> memref<64x128xf32, #tpu.memory_space<vmem>>
    %dma_wait3A_851 = arith.constant 0 : i32
    %dma_wait3A_852 = arith.constant 0 : i32
    %dma_wait3A_853 = tpu.memref_slice %arg4[%dma_wait3A_851, %dma_wait3A_852] : memref<819200x128xf32, #tpu.memory_space<hbm>> -> memref<64x128xf32, #tpu.memory_space<hbm>>
    %dma_wait3A_854 = arith.constant 0 : i32
    %dma_wait3A_855 = arith.constant 0 : i32
    %dma_wait3A_856 = tpu.memref_slice %arg4[%dma_wait3A_854, %dma_wait3A_855] : memref<819200x128xf32, #tpu.memory_space<hbm>> -> memref<64x128xf32, #tpu.memory_space<hbm>>
    %dma_wait3A_857 = arith.constant 0 : i32
    %dma_wait3A_858 = arith.constant 0 : i32
    %dma_wait3A_859 = tpu.memref_slice %arg6[%dma_wait3A_846, %dma_wait3A_857, %dma_wait3A_858] : memref<8x64x128xf32, #tpu.memory_space<vmem>> -> memref<1x64x128xf32, #tpu.memory_space<vmem>>
    %dma_wait3A_860 = tpu.memref_squeeze %dma_wait3A_859 : memref<1x64x128xf32, #tpu.memory_space<vmem>> -> memref<64x128xf32, #tpu.memory_space<vmem>>
    tpu.wait_dma2 semaphore(%arg16 : memref<!tpu.dma_semaphore, #tpu.memory_space<semaphore_mem>>) src(%dma_wait3A_860 : memref<64x128xf32, #tpu.memory_space<vmem>>) dst(%dma_wait3A_856 : memref<64x128xf32, #tpu.memory_space<hbm>>)
    %dma_wait3A_861 = arith.constant 2 : i32
    %dma_wait3A_862 = arith.constant 0 : i32
    %dma_wait3A_863 = arith.constant 0 : i32
    %dma_wait3A_864 = tpu.memref_slice %arg6[%dma_wait3A_861, %dma_wait3A_862, %dma_wait3A_863] : memref<8x64x128xf32, #tpu.memory_space<vmem>> -> memref<1x64x128xf32, #tpu.memory_space<vmem>>
    %dma_wait3A_865 = tpu.memref_squeeze %dma_wait3A_864 : memref<1x64x128xf32, #tpu.memory_space<vmem>> -> memref<64x128xf32, #tpu.memory_space<vmem>>
    %dma_wait3A_866 = arith.constant 0 : i32
    %dma_wait3A_867 = arith.constant 0 : i32
    %dma_wait3A_868 = tpu.memref_slice %arg4[%dma_wait3A_866, %dma_wait3A_867] : memref<819200x128xf32, #tpu.memory_space<hbm>> -> memref<64x128xf32, #tpu.memory_space<hbm>>
    %dma_wait3A_869 = arith.constant 0 : i32
    %dma_wait3A_870 = arith.constant 0 : i32
    %dma_wait3A_871 = tpu.memref_slice %arg4[%dma_wait3A_869, %dma_wait3A_870] : memref<819200x128xf32, #tpu.memory_space<hbm>> -> memref<64x128xf32, #tpu.memory_space<hbm>>
    %dma_wait3A_872 = arith.constant 0 : i32
    %dma_wait3A_873 = arith.constant 0 : i32
    %dma_wait3A_874 = tpu.memref_slice %arg6[%dma_wait3A_861, %dma_wait3A_872, %dma_wait3A_873] : memref<8x64x128xf32, #tpu.memory_space<vmem>> -> memref<1x64x128xf32, #tpu.memory_space<vmem>>
    %dma_wait3A_875 = tpu.memref_squeeze %dma_wait3A_874 : memref<1x64x128xf32, #tpu.memory_space<vmem>> -> memref<64x128xf32, #tpu.memory_space<vmem>>
    tpu.wait_dma2 semaphore(%arg17 : memref<!tpu.dma_semaphore, #tpu.memory_space<semaphore_mem>>) src(%dma_wait3A_875 : memref<64x128xf32, #tpu.memory_space<vmem>>) dst(%dma_wait3A_871 : memref<64x128xf32, #tpu.memory_space<hbm>>)
    %dma_wait3A_876 = arith.constant 3 : i32
    %dma_wait3A_877 = arith.constant 0 : i32
    %dma_wait3A_878 = arith.constant 0 : i32
    %dma_wait3A_879 = tpu.memref_slice %arg6[%dma_wait3A_876, %dma_wait3A_877, %dma_wait3A_878] : memref<8x64x128xf32, #tpu.memory_space<vmem>> -> memref<1x64x128xf32, #tpu.memory_space<vmem>>
    %dma_wait3A_880 = tpu.memref_squeeze %dma_wait3A_879 : memref<1x64x128xf32, #tpu.memory_space<vmem>> -> memref<64x128xf32, #tpu.memory_space<vmem>>
    %dma_wait3A_881 = arith.constant 0 : i32
    %dma_wait3A_882 = arith.constant 0 : i32
    %dma_wait3A_883 = tpu.memref_slice %arg4[%dma_wait3A_881, %dma_wait3A_882] : memref<819200x128xf32, #tpu.memory_space<hbm>> -> memref<64x128xf32, #tpu.memory_space<hbm>>
    %dma_wait3A_884 = arith.constant 0 : i32
    %dma_wait3A_885 = arith.constant 0 : i32
    %dma_wait3A_886 = tpu.memref_slice %arg4[%dma_wait3A_884, %dma_wait3A_885] : memref<819200x128xf32, #tpu.memory_space<hbm>> -> memref<64x128xf32, #tpu.memory_space<hbm>>
    %dma_wait3A_887 = arith.constant 0 : i32
    %dma_wait3A_888 = arith.constant 0 : i32
    %dma_wait3A_889 = tpu.memref_slice %arg6[%dma_wait3A_876, %dma_wait3A_887, %dma_wait3A_888] : memref<8x64x128xf32, #tpu.memory_space<vmem>> -> memref<1x64x128xf32, #tpu.memory_space<vmem>>
    %dma_wait3A_890 = tpu.memref_squeeze %dma_wait3A_889 : memref<1x64x128xf32, #tpu.memory_space<vmem>> -> memref<64x128xf32, #tpu.memory_space<vmem>>
    tpu.wait_dma2 semaphore(%arg18 : memref<!tpu.dma_semaphore, #tpu.memory_space<semaphore_mem>>) src(%dma_wait3A_890 : memref<64x128xf32, #tpu.memory_space<vmem>>) dst(%dma_wait3A_886 : memref<64x128xf32, #tpu.memory_space<hbm>>)
    %dma_wait3A_891 = arith.constant 4 : i32
    %dma_wait3A_892 = arith.constant 0 : i32
    %dma_wait3A_893 = arith.constant 0 : i32
    %dma_wait3A_894 = tpu.memref_slice %arg6[%dma_wait3A_891, %dma_wait3A_892, %dma_wait3A_893] : memref<8x64x128xf32, #tpu.memory_space<vmem>> -> memref<1x64x128xf32, #tpu.memory_space<vmem>>
    %dma_wait3A_895 = tpu.memref_squeeze %dma_wait3A_894 : memref<1x64x128xf32, #tpu.memory_space<vmem>> -> memref<64x128xf32, #tpu.memory_space<vmem>>
    %dma_wait3A_896 = arith.constant 0 : i32
    %dma_wait3A_897 = arith.constant 0 : i32
    %dma_wait3A_898 = tpu.memref_slice %arg4[%dma_wait3A_896, %dma_wait3A_897] : memref<819200x128xf32, #tpu.memory_space<hbm>> -> memref<64x128xf32, #tpu.memory_space<hbm>>
    %dma_wait3A_899 = arith.constant 0 : i32
    %dma_wait3A_900 = arith.constant 0 : i32
    %dma_wait3A_901 = tpu.memref_slice %arg4[%dma_wait3A_899, %dma_wait3A_900] : memref<819200x128xf32, #tpu.memory_space<hbm>> -> memref<64x128xf32, #tpu.memory_space<hbm>>
    %dma_wait3A_902 = arith.constant 0 : i32
    %dma_wait3A_903 = arith.constant 0 : i32
    %dma_wait3A_904 = tpu.memref_slice %arg6[%dma_wait3A_891, %dma_wait3A_902, %dma_wait3A_903] : memref<8x64x128xf32, #tpu.memory_space<vmem>> -> memref<1x64x128xf32, #tpu.memory_space<vmem>>
    %dma_wait3A_905 = tpu.memref_squeeze %dma_wait3A_904 : memref<1x64x128xf32, #tpu.memory_space<vmem>> -> memref<64x128xf32, #tpu.memory_space<vmem>>
    tpu.wait_dma2 semaphore(%arg19 : memref<!tpu.dma_semaphore, #tpu.memory_space<semaphore_mem>>) src(%dma_wait3A_905 : memref<64x128xf32, #tpu.memory_space<vmem>>) dst(%dma_wait3A_901 : memref<64x128xf32, #tpu.memory_space<hbm>>)
    %dma_wait3A_906 = arith.constant 5 : i32
    %dma_wait3A_907 = arith.constant 0 : i32
    %dma_wait3A_908 = arith.constant 0 : i32
    %dma_wait3A_909 = tpu.memref_slice %arg6[%dma_wait3A_906, %dma_wait3A_907, %dma_wait3A_908] : memref<8x64x128xf32, #tpu.memory_space<vmem>> -> memref<1x64x128xf32, #tpu.memory_space<vmem>>
    %dma_wait3A_910 = tpu.memref_squeeze %dma_wait3A_909 : memref<1x64x128xf32, #tpu.memory_space<vmem>> -> memref<64x128xf32, #tpu.memory_space<vmem>>
    %dma_wait3A_911 = arith.constant 0 : i32
    %dma_wait3A_912 = arith.constant 0 : i32
    %dma_wait3A_913 = tpu.memref_slice %arg4[%dma_wait3A_911, %dma_wait3A_912] : memref<819200x128xf32, #tpu.memory_space<hbm>> -> memref<64x128xf32, #tpu.memory_space<hbm>>
    %dma_wait3A_914 = arith.constant 0 : i32
    %dma_wait3A_915 = arith.constant 0 : i32
    %dma_wait3A_916 = tpu.memref_slice %arg4[%dma_wait3A_914, %dma_wait3A_915] : memref<819200x128xf32, #tpu.memory_space<hbm>> -> memref<64x128xf32, #tpu.memory_space<hbm>>
    %dma_wait3A_917 = arith.constant 0 : i32
    %dma_wait3A_918 = arith.constant 0 : i32
    %dma_wait3A_919 = tpu.memref_slice %arg6[%dma_wait3A_906, %dma_wait3A_917, %dma_wait3A_918] : memref<8x64x128xf32, #tpu.memory_space<vmem>> -> memref<1x64x128xf32, #tpu.memory_space<vmem>>
    %dma_wait3A_920 = tpu.memref_squeeze %dma_wait3A_919 : memref<1x64x128xf32, #tpu.memory_space<vmem>> -> memref<64x128xf32, #tpu.memory_space<vmem>>
    tpu.wait_dma2 semaphore(%arg20 : memref<!tpu.dma_semaphore, #tpu.memory_space<semaphore_mem>>) src(%dma_wait3A_920 : memref<64x128xf32, #tpu.memory_space<vmem>>) dst(%dma_wait3A_916 : memref<64x128xf32, #tpu.memory_space<hbm>>)
    %dma_wait3A_921 = arith.constant 6 : i32
    %dma_wait3A_922 = arith.constant 0 : i32
    %dma_wait3A_923 = arith.constant 0 : i32
    %dma_wait3A_924 = tpu.memref_slice %arg6[%dma_wait3A_921, %dma_wait3A_922, %dma_wait3A_923] : memref<8x64x128xf32, #tpu.memory_space<vmem>> -> memref<1x64x128xf32, #tpu.memory_space<vmem>>
    %dma_wait3A_925 = tpu.memref_squeeze %dma_wait3A_924 : memref<1x64x128xf32, #tpu.memory_space<vmem>> -> memref<64x128xf32, #tpu.memory_space<vmem>>
    %dma_wait3A_926 = arith.constant 0 : i32
    %dma_wait3A_927 = arith.constant 0 : i32
    %dma_wait3A_928 = tpu.memref_slice %arg4[%dma_wait3A_926, %dma_wait3A_927] : memref<819200x128xf32, #tpu.memory_space<hbm>> -> memref<64x128xf32, #tpu.memory_space<hbm>>
    %dma_wait3A_929 = arith.constant 0 : i32
    %dma_wait3A_930 = arith.constant 0 : i32
    %dma_wait3A_931 = tpu.memref_slice %arg4[%dma_wait3A_929, %dma_wait3A_930] : memref<819200x128xf32, #tpu.memory_space<hbm>> -> memref<64x128xf32, #tpu.memory_space<hbm>>
    %dma_wait3A_932 = arith.constant 0 : i32
    %dma_wait3A_933 = arith.constant 0 : i32
    %dma_wait3A_934 = tpu.memref_slice %arg6[%dma_wait3A_921, %dma_wait3A_932, %dma_wait3A_933] : memref<8x64x128xf32, #tpu.memory_space<vmem>> -> memref<1x64x128xf32, #tpu.memory_space<vmem>>
    %dma_wait3A_935 = tpu.memref_squeeze %dma_wait3A_934 : memref<1x64x128xf32, #tpu.memory_space<vmem>> -> memref<64x128xf32, #tpu.memory_space<vmem>>
    tpu.wait_dma2 semaphore(%arg21 : memref<!tpu.dma_semaphore, #tpu.memory_space<semaphore_mem>>) src(%dma_wait3A_935 : memref<64x128xf32, #tpu.memory_space<vmem>>) dst(%dma_wait3A_931 : memref<64x128xf32, #tpu.memory_space<hbm>>)
    %dma_wait3A_936 = arith.constant 7 : i32
    %dma_wait3A_937 = arith.constant 0 : i32
    %dma_wait3A_938 = arith.constant 0 : i32
    %dma_wait3A_939 = tpu.memref_slice %arg6[%dma_wait3A_936, %dma_wait3A_937, %dma_wait3A_938] : memref<8x64x128xf32, #tpu.memory_space<vmem>> -> memref<1x64x128xf32, #tpu.memory_space<vmem>>
    %dma_wait3A_940 = tpu.memref_squeeze %dma_wait3A_939 : memref<1x64x128xf32, #tpu.memory_space<vmem>> -> memref<64x128xf32, #tpu.memory_space<vmem>>
    %dma_wait3A_941 = arith.constant 0 : i32
    %dma_wait3A_942 = arith.constant 0 : i32
    %dma_wait3A_943 = tpu.memref_slice %arg4[%dma_wait3A_941, %dma_wait3A_942] : memref<819200x128xf32, #tpu.memory_space<hbm>> -> memref<64x128xf32, #tpu.memory_space<hbm>>
    %dma_wait3A_944 = arith.constant 0 : i32
    %dma_wait3A_945 = arith.constant 0 : i32
    %dma_wait3A_946 = tpu.memref_slice %arg4[%dma_wait3A_944, %dma_wait3A_945] : memref<819200x128xf32, #tpu.memory_space<hbm>> -> memref<64x128xf32, #tpu.memory_space<hbm>>
    %dma_wait3A_947 = arith.constant 0 : i32
    %dma_wait3A_948 = arith.constant 0 : i32
    %dma_wait3A_949 = tpu.memref_slice %arg6[%dma_wait3A_936, %dma_wait3A_947, %dma_wait3A_948] : memref<8x64x128xf32, #tpu.memory_space<vmem>> -> memref<1x64x128xf32, #tpu.memory_space<vmem>>
    %dma_wait3A_950 = tpu.memref_squeeze %dma_wait3A_949 : memref<1x64x128xf32, #tpu.memory_space<vmem>> -> memref<64x128xf32, #tpu.memory_space<vmem>>
    tpu.wait_dma2 semaphore(%arg22 : memref<!tpu.dma_semaphore, #tpu.memory_space<semaphore_mem>>) src(%dma_wait3A_950 : memref<64x128xf32, #tpu.memory_space<vmem>>) dst(%dma_wait3A_946 : memref<64x128xf32, #tpu.memory_space<hbm>>)
    return
  }
}

</mosaic_0001>

<sc_bundles>
// kernel: kernel.3.cloned.1.call-start
scs
__scs_entry_jumppad:
0x0: {  	(pc) =	sbr.rel $0x88, $3  }
0x1: {  	(tag) =	ssettag $0x0;
	lr =	simm.s32 $0x1  }
0x2: {  	[smem:$0x3F9F] =	sst lr;
	_ =	strace $0xD0000000  }
0x3: {  	_ = 	snop  }
0x4: {  	_ = 	snop  }
0x5: {  	_ = 	snop  }
0x6: {  	_ = 	snop  }
0x7: {  	_ = 	snop  }
__scs_overlays_trampoline_lowered:
0x8: {  	[smem:$0x3FAE] =	sst s0  }
0x9: {  	[smem:$0x3FAF] =	sst s1  }
0xa: {  	[smem:$0x3FB0] =	sst s2  }
0xb: {  	[smem:$0x3FB1] =	sst s3  }
0xc: {  	[smem:$0x3FB2] =	sst s4  }
0xd: {  	[smem:$0x3FB3] =	sst s5  }
0xe: {  	[smem:$0x3FB4] =	sst s6  }
0xf: {  	[smem:$0x3FB5] =	sst s7  }
0x10: {  	[smem:$0x3FB6] =	sst s8  }
0x11: {  	[smem:$0x3FB7] =	sst s9;
	s0 =	simm.s32 @!p0 $0x0  }
0x12: {  	s1 =	sld [smem:$0x3F9D];
	s0 =	simm.s32 @p0 $0x1  }
0x13: {  	[smem:$0x3FB8] =	sst s0;
	s0 =	simm.s32 @!p1 $0x0  }
0x14: {  	s2 =	sld [smem:$0x3F9C];
	s0 =	simm.s32 @p1 $0x1  }
0x15: {  	[smem:$0x3FB9] =	sst s0;
	s0 =	simm.s32 @!p2 $0x0  }
0x16: {  	s3 =	sld [smem:$0x3FDB];
	s0 =	simm.s32 @p2 $0x1  }
0x17: {  	s4 =	simm.s32 $0x1BF5;
	[smem:$0x3FBB] =	sst s0  }
0x18: {  	s0 =	sld [smem:$0x3F9E];
	_ =	swait.ge [sflag:s4], $0x0  }
0x19: {  	s7 =	sld [smem:$0x3F9F]  }
0x1a: {  	s8 =	sadd.s32 $0xFFFFE003, lr  }
0x1b: {  	s9 =	sadd.s32 $0xFFFFFEF7, lr;
	s5 =	simm.s32 $0xFFFFFFFF;
	p2 =	slt.u32 s8, $0xFFFFF086  }
0x1c: {  	p1 =	slt.u32 s9, $0xF7A;
	s5 =	simm.s32 @!p2 $0x0  }
0x1d: {  	s5 =	simm.s32 @p1 $0x1;
	p0 =	seq.s32 s7, s2  }
0x1e: {  	s7 =	smul.u32 @!p0 $0xF7A, s2;
	p2 =	seq.s32 @!p0 s5, $0x0  }
0x1f: {  	s9 =	smul.u32 $0xF7A, s1;
	s8 =	simm.s32 @!p0 $0x1BF5;
	p2 =	por !p2, p0  }
0x20: {  	[sflag:s8] =	ssyncset.s32 @!p0 $0xFFFFF086;
	s6 =	sadd.s32 @!p0 s3, s7;
	s7 =	simm.s32 @!p0 $0x108  }
0x21: {  	s3 =	sadd.s32 s3, s9;
	s6 =	sadd.s32 @!p0 $0x88, s6;
	s7 =	simm.s32 @p2 $0x1082  }
0x22: {  	[simem:s7], [sflag:s8] =	dma.local @!p0 [hbm:s6], $0xF7A  }
0x23: {  	s9 =	sor.u32 $0xD0000000, s2;
	s6 =	simm.s32 $0x108;
	_ =	swait.ge @!p0 [sflag:s8], $0x0  }
0x24: {  	s3 =	sadd.s32 $0x88, s3;
	s6 =	simm.s32 @!p1 $0x1082;
	[sflag:s4] =	ssyncset.s32 $0xFFFFF086  }
0x25: {  	[simem:s6], [sflag:s4] =	dma.local [hbm:s3], $0xF7A  }
0x26: {  	[smem:$0x3F9F] =	sst s1;
	(tag) =	ssettag s2;
	_ =	strace s9  }
0x27: {  	s1 =	sld [smem:$0x3FAF]  }
0x28: {  	s2 =	sld [smem:$0x3FB0]  }
0x29: {  	s4 =	sld [smem:$0x3FB2]  }
0x2a: {  	p0 =	seq.s32 s5, $0x0;
	s5 =	sld [smem:$0x3FB3]  }
0x2b: {  	s6 =	sld [smem:$0x3FB4]  }
0x2c: {  	s7 =	sld [smem:$0x3FB5]  }
0x2d: {  	s3 =	simm.s32 $0x108;
	s8 =	sld [smem:$0x3FB6]  }
0x2e: {  	s3 =	simm.s32 @!p0 $0x1082;
	s9 =	sld [smem:$0x3FB7]  }
0x2f: {  	lr =	sadd.s32 s0, s3;
	s0 =	sld [smem:$0x3FAE]  }
0x30: {  	s3 =	sld [smem:$0x3FB1]  }
0x31: {  	[smem:$0x3FBA] =	sst s10  }
0x32: {  	s10 =	sld [smem:$0x3FB8];
	_ =	sdelay $0x3  }
0x33: {  	p0 =	seq.s32 s10, $0x1;
	s10 =	sld [smem:$0x3FBA];
	_ =	sdelay $0x3  }
0x34: {  	[smem:$0x3FBA] =	sst s10  }
0x35: {  	s10 =	sld [smem:$0x3FB9];
	_ =	sdelay $0x3  }
0x36: {  	p1 =	seq.s32 s10, $0x1;
	s10 =	sld [smem:$0x3FBA];
	_ =	sdelay $0x3  }
0x37: {  	[smem:$0x3FBA] =	sst s10  }
0x38: {  	s10 =	sld [smem:$0x3FBB]  }
0x39: {  	_ = 	snop;
	(pc) =	sbr.ind lr, $3  }
0x3a: {  	_ = 	snop  }
0x3b: {  	_ = 	snop  }
0x3c: {  	p2 =	seq.s32 s10, $0x1;
	s10 =	sld [smem:$0x3FBA]  }
0x3d: {  	_ =	shalt  }
0x3e: {  	_ =	shalt  }
0x3f: {  	_ =	shalt  }
0x40: {  	_ =	shalt  }
0x41: {  	_ =	shalt  }
0x42: {  	_ =	shalt  }
0x43: {  	_ =	shalt  }
0x44: {  	_ =	shalt  }
0x45: {  	_ =	shalt  }
0x46: {  	_ =	shalt  }
0x47: {  	_ =	shalt  }
0x48: {  	_ =	shalt  }
0x49: {  	_ =	shalt  }
0x4a: {  	_ =	shalt  }
0x4b: {  	_ =	shalt  }
0x4c: {  	_ =	shalt  }
0x4d: {  	_ =	shalt  }
0x4e: {  	_ =	shalt  }
0x4f: {  	_ =	shalt  }
0x50: {  	_ =	shalt  }
0x51: {  	_ =	shalt  }
0x52: {  	_ =	shalt  }
0x53: {  	_ =	shalt  }
0x54: {  	_ =	shalt  }
0x55: {  	_ =	shalt  }
0x56: {  	_ =	shalt  }
0x57: {  	_ =	shalt  }
0x58: {  	_ =	shalt  }
0x59: {  	_ =	shalt  }
0x5a: {  	_ =	shalt  }
0x5b: {  	_ =	shalt  }
0x5c: {  	_ =	shalt  }
0x5d: {  	_ =	shalt  }
0x5e: {  	_ =	shalt  }
0x5f: {  	_ =	shalt  }
0x60: {  	_ =	shalt  }
0x61: {  	_ =	shalt  }
0x62: {  	_ =	shalt  }
0x63: {  	_ =	shalt  }
0x64: {  	_ =	shalt  }
0x65: {  	_ =	shalt  }
0x66: {  	_ =	shalt  }
0x67: {  	_ =	shalt  }
0x68: {  	_ =	shalt  }
0x69: {  	_ =	shalt  }
0x6a: {  	_ =	shalt  }
0x6b: {  	_ =	shalt  }
0x6c: {  	_ =	shalt  }
0x6d: {  	_ =	shalt  }
0x6e: {  	_ =	shalt  }
0x6f: {  	_ =	shalt  }
0x70: {  	_ =	shalt  }
0x71: {  	_ =	shalt  }
0x72: {  	_ =	shalt  }
0x73: {  	_ =	shalt  }
0x74: {  	_ =	shalt  }
0x75: {  	_ =	shalt  }
0x76: {  	_ =	shalt  }
0x77: {  	_ =	shalt  }
0x78: {  	_ =	shalt  }
0x79: {  	_ =	shalt  }
0x7a: {  	_ =	shalt  }
0x7b: {  	_ =	shalt  }
0x7c: {  	_ =	shalt  }
0x7d: {  	_ =	shalt  }
0x7e: {  	_ =	shalt  }
0x7f: {  	_ =	shalt  }
0x80: {  	_ =	shalt  }
0x81: {  	_ =	shalt  }
0x82: {  	_ =	shalt  }
0x83: {  	_ =	shalt  }
0x84: {  	_ =	shalt  }
0x85: {  	_ =	shalt  }
0x86: {  	_ =	shalt  }
0x87: {  	_ =	shalt  }
.Lfunc_end0:
.L_simem_size_0:
called_computation_lowered:
.L_overlay_start_0:
0x88: {  	s2 =	sld [smem:$0x3FD9]  }
0x89: {  	s3 =	sld [smem:$0x3FFE];
	_ =	sdelay $0x1  }
0x8a: {  	s1 =	srdreg.scid  }
0x8b: {  	s0 =	sand.u32 $0x1, s1  }
0x8c: {  	s17 =	sshll.u32 s0, $0xA;
	s2 =	sadd.s32 s3, s2  }
0x8d: {  	s2 =	sadd.s32 s2, s17  }
0x8e: {  	[smem:$0x3FC6] =	sst s2  }
0x8f: {  	_ = 	snop  }
0x90: {  	s2 =	sld [smem:$0x3FC8]  }
0x91: {  	s18 =	sld [smem:$0x3FD0];
	(tm) =	ssettm $0x1  }
0x92: {  	s4 =	sld [smem:$0x3FFB];
	_ =	sdelay $0x3  }
0x93: {  	_ =	strace s4  }
0x94: {  	s4 =	sld [smem:$0x3FFC];
	_ =	sdelay $0x3  }
0x95: {  	_ =	strace s4  }
0x96: {  	s4 =	sld [smem:$0x3FFD];
	_ =	sdelay $0x3  }
0x97: {  	_ =	strace s4  }
0x98: {  	_ =	strace $0x8FFFFFFF  }
0x99: {  	s19 =	sld [smem:$0x3FDB];
	_ =	sdelay $0x1  }
0x9a: {  	s5 =	simm.s32 $_scs_section_size  }
0x9b: {  	s6 =	simm.s32 $_size__tile_overlayer_lowered;
	s7 =	simm.s32 $_tile_overlayer_lowered  }
0x9c: {  	s22 =	simm.s32 $0x1BFF;
	s21 =	sshll.u32 s7, $0x1;
	s4 =	sadd.s32 s5, s19  }
0x9d: {  	s8 =	simm.s32 $0x0;
	s20 =	sshll.u32 s6, $0x1;
	s6 =	sadd.s32 s21, s4  }
0x9e: {  	[timem:s8], [sflag:s22] =	dma.local [hbm:s6], s20  }
0x9f: {  	_ =	swait.ge [sflag:s22], s20  }
0xa0: {  	s5 =	ssub.s32 $0x0, s20;
	[sflag:s22] =	ssyncset.done $0x0  }
0xa1: {  	[sflag:s22] =	ssyncadd.s32 s5;
	_ =	sdelay $0x1  }
0xa2: {  	s23 =	simm.s32 $0x1B8B  }
0xa3: {  	_ =	swait.ge [sflag:s23], $0x1  }
0xa4: {  	[sflag:s23] =	ssyncset.done $0x0  }
0xa5: {  	s25 =	simm.s32 $0x1B8E;
	s24 =	sld [smem:$0x3FFE];
	[sflag:s23] =	ssyncadd.s32 $0xFFFFFFFF  }
0xa6: {  	s26 =	simm.s32 $execute0_lowered;
	[smem:$0x3FD2] =	sst s25  }
0xa7: {  	s6 =	sshll.u32 s26, $0x1;
	_ =	strace $0x80000046;
	[dreg:$0x1] =	wrdreg $0xFFFFFFFF  }
0xa8: {  	s28 =	simm.s32 $_size_execute0_lowered;
	s4 =	sadd.s32 s4, s6;
	[dreg:$0x0] =	wrdreg $0x0  }
0xa9: {  	s6 =	sshll.u32 s28, $0x1;
	[dreg:$0x2] =	wrdreg s4  }
0xaa: {  	[dreg:$0x3] =	wrdreg s6  }
0xab: {  	[dreg:$0x4] =	wrdreg $0xC0  }
0xac: {  	_ =	task [dreg:s8], $0x5FFFF  }
0xad: {  	[dreg:$0x1] =	wrdreg $0xFFFFFFFF  }
0xae: {  	[dreg:$0x0] =	wrdreg $0x60  }
0xaf: {  	[dreg:$0x2] =	wrdreg s2  }
0xb0: {  	[dreg:$0x3] =	wrdreg s24  }
0xb1: {  	[dreg:$0x4] =	wrdreg s18  }
0xb2: {  	[dreg:$0x5] =	wrdreg $0x9  }
0xb3: {  	_ =	task.clear_ibuf [dreg:s8], $0x6FFFF;
	_ =	strace $0x90000046  }
0xb4: {  	s29 =	simm.s32 $0x9;
	_ =	strace $0x80000048  }
0xb5: {  	_ =	swait.ge [sflag:s29], $0x1  }
0xb6: {  	[sflag:s29] =	ssyncadd.s32 $0xFFFFFFFF  }
0xb7: {  	_ =	strace $0x90000048  }
0xb8: {  	_ =	sfence  }
0xb9: {  	s30 =	sld [smem:$0x0];
	_ =	sdelay $0x2  }
0xba: {  	s31 =	sshll.u32 s1, $0xD;
	s1 =	sshrl.u32 s1, $0x2  }
0xbb: {  	s3 =	sand.u32 $0x4000, s31;
	s1 =	sadd.s32 s1, s30  }
0xbc: {  	s0 =	sor.u32 s3, s0;
	s1 =	sshll.u32 s1, $0x11  }
0xbd: {  	s0 =	sor.u32 s1, s0  }
0xbe: {  	s0 =	sadd.s32 $0x8F2B, s0  }
0xbf: {  	[sflag:s0] =	ssyncadd.remote.s32 $0x1  }
0xc0: {  	_ =	sfence.sel $0xFFFF  }
0xc1: {  	[dreg:$0x0] =	wrdreg $0xFFFFFFFF;
	(pc) =	sbr.abs _section_cstart, $3  }
0xc2: {  	[dreg:$0x1] =	wrdreg $0xFFFFFFFF  }
0xc3: {  	_ =	task.clear_ibuf [dreg:s8], $0x2FFFF;
	_ =	strace $0x9FFFFFFF  }
0xc4: {  	(tm) =	ssettm $0x7FFFFFFF  }
0xc5: {  	_ =	shalt  }
tec
execute0_lowered:
.L_overlay_start_1:
0x0: {  	(tag) =	ssettag $0x1  }
0x1: {  	s1 =	rddreg [dreg:$0x0];
	s10 =	stileid.u32  }
0x2: {  	s0 =	srdreg.scid;
	s26 =	smul.u32 $0x640000, s10  }
0x3: {  	s2 =	rddreg [dreg:$0x1];
	s0 =	sand.u32 $0x1, s0;
	s15 =	smul.u32 $0xC8000, s10  }
0x4: {  	s4 =	rddreg [dreg:$0x2];
	s3 =	sshll.u32 s10, $0x1;
	s30 =	smul.u32 $0x320000, s0  }
0x5: {  	s5 =	sor.u32 s0, s3;
	s7 =	ssub.s32 $0x2, s0;
	s0 =	smul.u32 $0x64000, s0  }
0x6: {  	s29 =	simm.s32 $0x3;
	s3 =	simm.s32 $0x0;
	s6 =	smul.u32 $0x6400, s5  }
0x7: {  	s31 =	simm.s32 $0x12400;
	[smem:$0x7FF] =	sst s3;
	s9 =	smul.u32 $0x64000, s5  }
0x8: {  	s8 =	sshrl.u32 s7, $0x1;
	s21 =	smul.u32 $0x320000, s5;
	_ =	strace $0x80000047  }
0x9: {  	s5 =	sadd.s32 s30, s26;
	s6 =	sshrl.u32 s6, $0x3;
	s20 =	sadd.s32 s4, s9  }
0xa: {  	s14 =	sor.u32 $0x10000, s5;
	s22 =	sadd.s32 $0x400, s20;
	[dreg:$0xb] =	wrdreg s20  }
0xb: {  	s18 =	sor.u32 $0x1E000, s5;
	s23 =	sadd.s32 $0x800, s20;
	[dreg:$0xc] =	wrdreg s22  }
0xc: {  	s2 =	sadd.s32 s6, s2;
	s24 =	sadd.s32 $0xC00, s20;
	[dreg:$0xd] =	wrdreg s23  }
0xd: {  	s6 =	ssub.s32 s7, s8;
	s25 =	sadd.s32 $0x1000, s20;
	[dreg:$0xe] =	wrdreg s24  }
0xe: {  	s28 =	sadd.s32 $0x1400, s20;
	s9 =	sadd.s32 $0x1800, s20;
	[dreg:$0xf] =	wrdreg s25  }
0xf: {  	s8 =	sadd.s32 $0x1C00, s20;
	s7 =	sshrl.u32 s14, $0x3;
	[dreg:$0x10] =	wrdreg s28  }
0x10: {  	s20 =	sshrl.u32 s18, $0x3;
	s2 =	sadd.s32 $0x400, s2;
	[dreg:$0x11] =	wrdreg s9  }
0x11: {  	[dreg:$0x12] =	wrdreg s8;
	s7 =	sadd.s32 s7, s4;
	s8 =	sadd.s32 s15, s4  }
0x12: {  	s22 =	sor.u32 $0x1C000, s5;
	s24 =	sor.u32 $0x1A000, s5;
	[dreg:$0xa] =	wrdreg s2  }
0x13: {  	s5 =	sor.u32 $0x18000, s5;
	s28 =	smax.u32 s6, $0x1;
	[dreg:$0x4] =	wrdreg s7  }
0x14: {  	s2 =	sshrl.u32 s21, $0x3;
	s0 =	sadd.s32 s0, s8;
	[dreg:$0x1b] =	wrdreg s28  }
0x15: {  	s21 =	sadd.s32 s20, s4;
	s23 =	sshrl.u32 s22, $0x3;
	[dreg:$0x5] =	wrdreg s0  }
0x16: {  	s26 =	sshrl.u32 s5, $0x3;
	[dreg:$0x6] =	wrdreg s21;
	s0 =	sadd.s32 s23, s4  }
0x17: {  	s2 =	sadd.s32 s4, s2;
	s30 =	sadd.s32 s26, s4;
	[dreg:$0x7] =	wrdreg s0  }
0x18: {  	s10 =	simm.s32 $0x6;
	s9 =	sadd.s32 $0x62000, s2;
	[dreg:$0x9] =	wrdreg s30  }
0x19: {  	s14 =	simm.s32 $0x8;
	s11 =	sadd.s32 $0x62400, s2;
	[dreg:$0x13] =	wrdreg s9  }
0x1a: {  	s18 =	simm.s32 $0xF;
	s12 =	sadd.s32 $0x62800, s2;
	[dreg:$0x14] =	wrdreg s11  }
0x1b: {  	s6 =	simm.s32 $0x4;
	s13 =	sadd.s32 $0x62C00, s2;
	[dreg:$0x15] =	wrdreg s12  }
0x1c: {  	s15 =	simm.s32 $0xC;
	s16 =	sadd.s32 $0x63000, s2;
	[dreg:$0x16] =	wrdreg s13  }
0x1d: {  	s8 =	simm.s32 $0x5;
	s17 =	sadd.s32 $0x63400, s2;
	[dreg:$0x17] =	wrdreg s16  }
0x1e: {  	s23 =	simm.s32 $0x40;
	s19 =	sadd.s32 $0x63800, s2;
	[dreg:$0x18] =	wrdreg s17  }
0x1f: {  	s26 =	simm.s32 $0x2;
	s2 =	sadd.s32 $0x63C00, s2;
	[dreg:$0x19] =	wrdreg s19  }
0x20: {  	s0 =	simm.s32 $0x0;
	[dreg:$0x1a] =	wrdreg s2;
	s2 =	sshrl.u32 s24, $0x3  }
0x21: {  	s9 =	simm.s32 $0x9;
	s11 =	simm.s32 $0xA;
	s12 =	simm.s32 $0x7  }
0x22: {  	s13 =	simm.s32 $0xB;
	s16 =	simm.s32 $0xD;
	s25 =	sadd.s32 s2, s4  }
0x23: {  	s17 =	simm.s32 $0xE;
	s19 =	simm.s32 $0x10;
	[dreg:$0x8] =	wrdreg s25  }
.LBB2_1:
0x24: {  	[dreg:$0x1c] =	wrdreg s0  }
0x25: {  	s5 =	rddreg [dreg:$0xa];
	s30 =	simm.s32 $0x11  }
0x26: {  	[tilespmem:s3], [sflag:$0x11] =	stream.linear.gather [hbm4b:s5+s3], $0x6400, $0x38;
	[tilespmem:$0x16400] =	vst v63  }
0x27: {  	_ =	swait.ge [sflag:s30], $0x6400  }
0x28: {  	[sflag:s30] =	ssyncset.done $0x0  }
0x29: {  	s21 =	simm.s32 $0x6400;
	[sflag:s30] =	ssyncadd.s32 $0xFFFF9C00  }
0x2a: {  	[tilespmem:s21], [sflag:$0x1] =	stream.indirect.gather [hbm4b:s1+s23], $0x80, s3, s23, $0xb8;
	[tilespmem:$0x16400] =	vst v63  }
0x2b: {  	s22 =	simm.s32 $0x8400  }
0x2c: {  	[tilespmem:s22], [sflag:$0x2] =	stream.indirect.gather [hbm4b:s1+s23], $0x80, s23, s23, $0xb8;
	[tilespmem:$0x16400] =	vst v63  }
0x2d: {  	s0 =	simm.s32 $0x80;
	s24 =	simm.s32 $0xA400  }
0x2e: {  	[tilespmem:s24], [sflag:$0x3] =	stream.indirect.gather [hbm4b:s1+s23], $0x80, s0, s23, $0xb8;
	[tilespmem:$0x16400] =	vst v63  }
0x2f: {  	s2 =	simm.s32 $0xC0;
	s25 =	simm.s32 $0xC400;
	s20 =	simm.s32 $0x1  }
0x30: {  	[tilespmem:s25], [sflag:$0x4] =	stream.indirect.gather [hbm4b:s1+s23], $0x80, s2, s23, $0xb8;
	[tilespmem:$0x16400] =	vst v63  }
0x31: {  	_ =	swait.ge [sflag:s20], $0x2000  }
0x32: {  	[sflag:s20] =	ssyncset.done $0x0  }
0x33: {  	s4 =	rddreg [dreg:$0xb];
	[sflag:s20] =	ssyncadd.s32 $0xFFFFE000  }
0x34: {  	[hbm4b:s4+s3] =	stream.linear.scatter [tilespmem:s21], [sflag:$0x9], $0x2000, $0x38;
	[tilespmem:$0x16400] =	vst v63  }
0x35: {  	s7 =	simm.s32 $0x100;
	s2 =	simm.s32 $0xE400  }
0x36: {  	[tilespmem:s2], [sflag:$0x5] =	stream.indirect.gather [hbm4b:s1+s23], $0x80, s7, s23, $0xb8;
	[tilespmem:$0x16400] =	vst v63  }
0x37: {  	_ =	swait.ge [sflag:s26], $0x2000  }
0x38: {  	[sflag:s26] =	ssyncset.done $0x0  }
0x39: {  	s28 =	rddreg [dreg:$0xc];
	[sflag:s26] =	ssyncadd.s32 $0xFFFFE000  }
0x3a: {  	[hbm4b:s28+s3] =	stream.linear.scatter [tilespmem:s22], [sflag:$0xA], $0x2000, $0x38;
	[tilespmem:$0x16400] =	vst v63  }
0x3b: {  	s30 =	simm.s32 $0x140;
	s4 =	simm.s32 $0x10400  }
0x3c: {  	[tilespmem:s4], [sflag:$0x6] =	stream.indirect.gather [hbm4b:s1+s23], $0x80, s30, s23, $0xb8;
	[tilespmem:$0x16400] =	vst v63  }
0x3d: {  	_ =	swait.ge [sflag:s29], $0x2000  }
0x3e: {  	[sflag:s29] =	ssyncset.done $0x0  }
0x3f: {  	s0 =	rddreg [dreg:$0xd];
	[sflag:s29] =	ssyncadd.s32 $0xFFFFE000  }
0x40: {  	[hbm4b:s0+s3] =	stream.linear.scatter [tilespmem:s24], [sflag:$0xB], $0x2000, $0x38;
	[tilespmem:$0x16400] =	vst v63  }
0x41: {  	s5 =	simm.s32 $0x180;
	s7 =	simm.s32 $0x12400  }
0x42: {  	[tilespmem:s7], [sflag:$0x7] =	stream.indirect.gather [hbm4b:s1+s23], $0x80, s5, s23, $0xb8;
	[tilespmem:$0x16400] =	vst v63  }
0x43: {  	_ =	swait.ge [sflag:s6], $0x2000  }
0x44: {  	[sflag:s6] =	ssyncset.done $0x0  }
0x45: {  	s28 =	rddreg [dreg:$0xe];
	[sflag:s6] =	ssyncadd.s32 $0xFFFFE000  }
0x46: {  	[hbm4b:s28+s3] =	stream.linear.scatter [tilespmem:s25], [sflag:$0xC], $0x2000, $0x38;
	[tilespmem:$0x16400] =	vst v63  }
0x47: {  	s30 =	simm.s32 $0x1C0;
	s28 =	simm.s32 $0x14400  }
0x48: {  	[tilespmem:s28], [sflag:$0x8] =	stream.indirect.gather [hbm4b:s1+s23], $0x80, s30, s23, $0xb8;
	[tilespmem:$0x16400] =	vst v63  }
0x49: {  	_ =	swait.ge [sflag:s8], $0x2000  }
0x4a: {  	[sflag:s8] =	ssyncset.done $0x0  }
0x4b: {  	s0 =	rddreg [dreg:$0xf];
	[sflag:s8] =	ssyncadd.s32 $0xFFFFE000  }
0x4c: {  	[hbm4b:s0+s3] =	stream.linear.scatter [tilespmem:s2], [sflag:$0xD], $0x2000, $0x38;
	[tilespmem:$0x16400] =	vst v63  }
0x4d: {  	_ =	swait.ge [sflag:s9], $0x2000  }
0x4e: {  	[sflag:s9] =	ssyncset.done $0x0  }
0x4f: {  	s30 =	simm.s32 $0x200;
	[sflag:s9] =	ssyncadd.s32 $0xFFFFE000  }
0x50: {  	[tilespmem:s21], [sflag:$0x1] =	stream.indirect.gather [hbm4b:s1+s23], $0x80, s30, s23, $0xb8;
	[tilespmem:$0x16400] =	vst v63  }
0x51: {  	_ =	swait.ge [sflag:s10], $0x2000  }
0x52: {  	[sflag:s10] =	ssyncset.done $0x0  }
0x53: {  	s0 =	rddreg [dreg:$0x10];
	[sflag:s10] =	ssyncadd.s32 $0xFFFFE000  }
0x54: {  	[hbm4b:s0+s3] =	stream.linear.scatter [tilespmem:s4], [sflag:$0xE], $0x2000, $0x38;
	[tilespmem:$0x16400] =	vst v63  }
0x55: {  	_ =	swait.ge [sflag:s11], $0x2000  }
0x56: {  	[sflag:s11] =	ssyncset.done $0x0  }
0x57: {  	s30 =	simm.s32 $0x240;
	[sflag:s11] =	ssyncadd.s32 $0xFFFFE000  }
0x58: {  	[tilespmem:s22], [sflag:$0x2] =	stream.indirect.gather [hbm4b:s1+s23], $0x80, s30, s23, $0xb8;
	[tilespmem:$0x16400] =	vst v63  }
0x59: {  	_ =	swait.ge [sflag:s12], $0x2000  }
0x5a: {  	[sflag:s12] =	ssyncset.done $0x0  }
0x5b: {  	s0 =	rddreg [dreg:$0x11];
	[sflag:s12] =	ssyncadd.s32 $0xFFFFE000  }
0x5c: {  	[hbm4b:s0+s3] =	stream.linear.scatter [tilespmem:s7], [sflag:$0xF], $0x2000, $0x38;
	[tilespmem:$0x16400] =	vst v63  }
0x5d: {  	_ =	swait.ge [sflag:s13], $0x2000  }
0x5e: {  	[sflag:s13] =	ssyncset.done $0x0  }
0x5f: {  	s30 =	simm.s32 $0x280;
	[sflag:s13] =	ssyncadd.s32 $0xFFFFE000  }
0x60: {  	[tilespmem:s24], [sflag:$0x3] =	stream.indirect.gather [hbm4b:s1+s23], $0x80, s30, s23, $0xb8;
	[tilespmem:$0x16400] =	vst v63  }
0x61: {  	_ =	swait.ge [sflag:s14], $0x2000  }
0x62: {  	[sflag:s14] =	ssyncset.done $0x0  }
0x63: {  	s0 =	rddreg [dreg:$0x12];
	[sflag:s14] =	ssyncadd.s32 $0xFFFFE000  }
0x64: {  	[hbm4b:s0+s3] =	stream.linear.scatter [tilespmem:s28], [sflag:$0x10], $0x2000, $0x38;
	[tilespmem:$0x16400] =	vst v63  }
0x65: {  	_ =	swait.ge [sflag:s15], $0x2000  }
0x66: {  	[sflag:s15] =	ssyncset.done $0x0  }
0x67: {  	s5 =	simm.s32 $0x2C0;
	[sflag:s15] =	ssyncadd.s32 $0xFFFFE000  }
0x68: {  	[tilespmem:s25], [sflag:$0x4] =	stream.indirect.gather [hbm4b:s1+s23], $0x80, s5, s23, $0xb8;
	[tilespmem:$0x16400] =	vst v63  }
0x69: {  	_ =	swait.ge [sflag:s20], $0x2000  }
0x6a: {  	s30 =	rddreg [dreg:$0x4];
	[sflag:s20] =	ssyncset.done $0x0  }
0x6b: {  	[sflag:s20] =	ssyncadd.s32 $0xFFFFE000;
	s5 =	sadd.s32 $0x0, s30  }
0x6c: {  	[hbm4b:s5+s3] =	stream.linear.scatter [tilespmem:s21], [sflag:$0x9], $0x2000, $0x38;
	[tilespmem:$0x16400] =	vst v63  }
0x6d: {  	_ =	swait.ge [sflag:s16], $0x2000  }
0x6e: {  	[sflag:s16] =	ssyncset.done $0x0  }
0x6f: {  	s0 =	simm.s32 $0x300;
	[sflag:s16] =	ssyncadd.s32 $0xFFFFE000  }
0x70: {  	[tilespmem:s2], [sflag:$0x5] =	stream.indirect.gather [hbm4b:s1+s23], $0x80, s0, s23, $0xb8;
	[tilespmem:$0x16400] =	vst v63  }
0x71: {  	_ =	swait.ge [sflag:s26], $0x2000  }
0x72: {  	s20 =	rddreg [dreg:$0x5]  }
0x73: {  	[sflag:s26] =	ssyncset.done $0x0;
	s5 =	sadd.s32 $0x0, s20  }
0x74: {  	[sflag:s26] =	ssyncadd.s32 $0xFFFFE000;
	s30 =	sadd.s32 $0x2400, s5  }
0x75: {  	[hbm4b:s30+s3] =	stream.linear.scatter [tilespmem:s22], [sflag:$0xA], $0x2000, $0x38;
	[tilespmem:$0x16400] =	vst v63  }
0x76: {  	_ =	swait.ge [sflag:s17], $0x2000  }
0x77: {  	[sflag:s17] =	ssyncset.done $0x0  }
0x78: {  	s0 =	simm.s32 $0x340;
	[sflag:s17] =	ssyncadd.s32 $0xFFFFE000  }
0x79: {  	[tilespmem:s4], [sflag:$0x6] =	stream.indirect.gather [hbm4b:s1+s23], $0x80, s0, s23, $0xb8;
	[tilespmem:$0x16400] =	vst v63  }
0x7a: {  	_ =	swait.ge [sflag:s29], $0x2000  }
0x7b: {  	[sflag:s29] =	ssyncset.done $0x0  }
0x7c: {  	s30 =	sadd.s32 $0x2800, s5;
	[sflag:s29] =	ssyncadd.s32 $0xFFFFE000  }
0x7d: {  	[hbm4b:s30+s3] =	stream.linear.scatter [tilespmem:s24], [sflag:$0xB], $0x2000, $0x38;
	[tilespmem:$0x16400] =	vst v63  }
0x7e: {  	_ =	swait.ge [sflag:s18], $0x2000  }
0x7f: {  	[sflag:s18] =	ssyncset.done $0x0  }
0x80: {  	s0 =	simm.s32 $0x380;
	[sflag:s18] =	ssyncadd.s32 $0xFFFFE000  }
0x81: {  	[tilespmem:s7], [sflag:$0x7] =	stream.indirect.gather [hbm4b:s1+s23], $0x80, s0, s23, $0xb8;
	[tilespmem:$0x16400] =	vst v63  }
0x82: {  	_ =	swait.ge [sflag:s6], $0x2000  }
0x83: {  	[sflag:s6] =	ssyncset.done $0x0  }
0x84: {  	s5 =	sadd.s32 $0x2C00, s5;
	[sflag:s6] =	ssyncadd.s32 $0xFFFFE000  }
0x85: {  	[hbm4b:s5+s3] =	stream.linear.scatter [tilespmem:s25], [sflag:$0xC], $0x2000, $0x38;
	[tilespmem:$0x16400] =	vst v63  }
0x86: {  	_ =	swait.ge [sflag:s19], $0x2000  }
0x87: {  	[sflag:s19] =	ssyncset.done $0x0  }
0x88: {  	s30 =	simm.s32 $0x3C0;
	[sflag:s19] =	ssyncadd.s32 $0xFFFFE000  }
0x89: {  	[tilespmem:s28], [sflag:$0x8] =	stream.indirect.gather [hbm4b:s1+s23], $0x80, s30, s23, $0xb8;
	[tilespmem:$0x16400] =	vst v63  }
0x8a: {  	_ =	swait.ge [sflag:s8], $0x2000  }
0x8b: {  	s0 =	rddreg [dreg:$0x9];
	[sflag:s8] =	ssyncset.done $0x0  }
0x8c: {  	[sflag:s8] =	ssyncadd.s32 $0xFFFFE000;
	s5 =	sadd.s32 $0x0, s0  }
0x8d: {  	[hbm4b:s5+s3] =	stream.linear.scatter [tilespmem:s2], [sflag:$0xD], $0x2000, $0x38;
	[tilespmem:$0x16400] =	vst v63  }
0x8e: {  	_ =	swait.ge [sflag:s9], $0x2000  }
0x8f: {  	[sflag:s9] =	ssyncset.done $0x0  }
0x90: {  	s2 =	simm.s32 $0x400;
	[sflag:s9] =	ssyncadd.s32 $0xFFFFE000  }
0x91: {  	[tilespmem:s21], [sflag:$0x1] =	stream.indirect.gather [hbm4b:s1+s23], $0x80, s2, s23, $0xb8;
	[tilespmem:$0x16400] =	vst v63  }
0x92: {  	_ =	swait.ge [sflag:s10], $0x2000  }
0x93: {  	s20 =	rddreg [dreg:$0x8];
	[sflag:s10] =	ssyncset.done $0x0  }
0x94: {  	[sflag:s10] =	ssyncadd.s32 $0xFFFFE000;
	s5 =	sadd.s32 $0x0, s20  }
0x95: {  	[hbm4b:s5+s3] =	stream.linear.scatter [tilespmem:s4], [sflag:$0xE], $0x2000, $0x38;
	[tilespmem:$0x16400] =	vst v63  }
0x96: {  	_ =	swait.ge [sflag:s11], $0x2000  }
0x97: {  	[sflag:s11] =	ssyncset.done $0x0  }
0x98: {  	s21 =	simm.s32 $0x440;
	[sflag:s11] =	ssyncadd.s32 $0xFFFFE000  }
0x99: {  	[tilespmem:s22], [sflag:$0x2] =	stream.indirect.gather [hbm4b:s1+s23], $0x80, s21, s23, $0xb8;
	[tilespmem:$0x16400] =	vst v63  }
0x9a: {  	_ =	swait.ge [sflag:s12], $0x2000  }
0x9b: {  	s22 =	rddreg [dreg:$0x7];
	[sflag:s12] =	ssyncset.done $0x0  }
0x9c: {  	[sflag:s12] =	ssyncadd.s32 $0xFFFFE000;
	s5 =	sadd.s32 $0x0, s22  }
0x9d: {  	[hbm4b:s5+s3] =	stream.linear.scatter [tilespmem:s7], [sflag:$0xF], $0x2000, $0x38;
	[tilespmem:$0x16400] =	vst v63  }
0x9e: {  	_ =	swait.ge [sflag:s13], $0x2000  }
0x9f: {  	[sflag:s13] =	ssyncset.done $0x0  }
0xa0: {  	s25 =	simm.s32 $0x480;
	[sflag:s13] =	ssyncadd.s32 $0xFFFFE000  }
0xa1: {  	[tilespmem:s24], [sflag:$0x3] =	stream.indirect.gather [hbm4b:s1+s23], $0x80, s25, s23, $0xb8;
	[tilespmem:$0x16400] =	vst v63  }
0xa2: {  	_ =	swait.ge [sflag:s14], $0x2000  }
0xa3: {  	s30 =	rddreg [dreg:$0x6];
	[sflag:s14] =	ssyncset.done $0x0  }
0xa4: {  	[sflag:s14] =	ssyncadd.s32 $0xFFFFE000;
	s5 =	sadd.s32 $0x0, s30  }
0xa5: {  	[hbm4b:s5+s3] =	stream.linear.scatter [tilespmem:s28], [sflag:$0x10], $0x2000, $0x38;
	[tilespmem:$0x16400] =	vst v63  }
0xa6: {  	_ =	swait.ge [sflag:s15], $0x2000  }
0xa7: {  	s21 =	simm.s32 $0x4C0;
	[sflag:s15] =	ssyncset.done $0x0  }
0xa8: {  	s22 =	simm.s32 $0x6C0;
	s5 =	simm.s32 $0x2000;
	[sflag:s15] =	ssyncadd.s32 $0xFFFFE000  }
.LBB2_2:
0xa9: {  	s2 =	simm.s32 $0xC400;
	s0 =	simm.s32 $0x1  }
0xaa: {  	[tilespmem:s2], [sflag:$0x4] =	stream.indirect.gather [hbm4b:s1+s23], $0x80, s21, s23, $0xb8;
	[tilespmem:$0x16400] =	vst v63  }
0xab: {  	_ =	swait.ge [sflag:s0], $0x2000  }
0xac: {  	s20 =	smov.u32 s5;
	s24 =	rddreg [dreg:$0x4];
	[sflag:s0] =	ssyncset.done $0x0  }
0xad: {  	s28 =	simm.s32 $0x6400;
	[sflag:s0] =	ssyncadd.s32 $0xFFFFE000;
	s24 =	sadd.s32 s20, s24  }
0xae: {  	[hbm4b:s24+s3] =	stream.linear.scatter [tilespmem:s28], [sflag:$0x9], $0x2000, $0x38;
	[tilespmem:$0x16400] =	vst v63  }
0xaf: {  	_ =	swait.ge [sflag:s16], $0x2000  }
0xb0: {  	[sflag:s16] =	ssyncset.done $0x0  }
0xb1: {  	s7 =	sadd.s32 $0xFFFFFE40, s22;
	s4 =	simm.s32 $0xE400;
	[sflag:s16] =	ssyncadd.s32 $0xFFFFE000  }
0xb2: {  	[tilespmem:s4], [sflag:$0x5] =	stream.indirect.gather [hbm4b:s1+s23], $0x80, s7, s23, $0xb8;
	[tilespmem:$0x16400] =	vst v63  }
0xb3: {  	_ =	swait.ge [sflag:s26], $0x2000  }
0xb4: {  	s25 =	rddreg [dreg:$0x5]  }
0xb5: {  	[sflag:s26] =	ssyncset.done $0x0;
	s24 =	sadd.s32 s20, s25  }
0xb6: {  	s30 =	simm.s32 $0x8400;
	[sflag:s26] =	ssyncadd.s32 $0xFFFFE000;
	s25 =	sadd.s32 $0x2400, s24  }
0xb7: {  	[hbm4b:s25+s3] =	stream.linear.scatter [tilespmem:s30], [sflag:$0xA], $0x2000, $0x38;
	[tilespmem:$0x16400] =	vst v63  }
0xb8: {  	_ =	swait.ge [sflag:s17], $0x2000  }
0xb9: {  	[sflag:s17] =	ssyncset.done $0x0  }
0xba: {  	s0 =	sadd.s32 $0xFFFFFE80, s22;
	s7 =	simm.s32 $0x10400;
	[sflag:s17] =	ssyncadd.s32 $0xFFFFE000  }
0xbb: {  	[tilespmem:s7], [sflag:$0x6] =	stream.indirect.gather [hbm4b:s1+s23], $0x80, s0, s23, $0xb8;
	[tilespmem:$0x16400] =	vst v63  }
0xbc: {  	_ =	swait.ge [sflag:s29], $0x2000  }
0xbd: {  	[sflag:s29] =	ssyncset.done $0x0  }
0xbe: {  	s25 =	sadd.s32 $0x2800, s24;
	s0 =	simm.s32 $0xA400;
	[sflag:s29] =	ssyncadd.s32 $0xFFFFE000  }
0xbf: {  	[hbm4b:s25+s3] =	stream.linear.scatter [tilespmem:s0], [sflag:$0xB], $0x2000, $0x38;
	[tilespmem:$0x16400] =	vst v63  }
0xc0: {  	_ =	swait.ge [sflag:s18], $0x2000  }
0xc1: {  	[sflag:s18] =	ssyncset.done $0x0  }
0xc2: {  	s25 =	sadd.s32 $0xFFFFFEC0, s22;
	[sflag:s18] =	ssyncadd.s32 $0xFFFFE000  }
0xc3: {  	[tilespmem:s31], [sflag:$0x7] =	stream.indirect.gather [hbm4b:s1+s23], $0x80, s25, s23, $0xb8;
	[tilespmem:$0x16400] =	vst v63  }
0xc4: {  	_ =	swait.ge [sflag:s6], $0x2000  }
0xc5: {  	[sflag:s6] =	ssyncset.done $0x0  }
0xc6: {  	s24 =	sadd.s32 $0x2C00, s24;
	[sflag:s6] =	ssyncadd.s32 $0xFFFFE000  }
0xc7: {  	[hbm4b:s24+s3] =	stream.linear.scatter [tilespmem:s2], [sflag:$0xC], $0x2000, $0x38;
	[tilespmem:$0x16400] =	vst v63  }
0xc8: {  	_ =	swait.ge [sflag:s19], $0x2000  }
0xc9: {  	[sflag:s19] =	ssyncset.done $0x0  }
0xca: {  	s25 =	sadd.s32 $0xFFFFFF00, s22;
	s2 =	simm.s32 $0x14400;
	[sflag:s19] =	ssyncadd.s32 $0xFFFFE000  }
0xcb: {  	[tilespmem:s2], [sflag:$0x8] =	stream.indirect.gather [hbm4b:s1+s23], $0x80, s25, s23, $0xb8;
	[tilespmem:$0x16400] =	vst v63  }
0xcc: {  	_ =	swait.ge [sflag:s8], $0x2000  }
0xcd: {  	s25 =	rddreg [dreg:$0x9];
	[sflag:s8] =	ssyncset.done $0x0  }
0xce: {  	[sflag:s8] =	ssyncadd.s32 $0xFFFFE000;
	s24 =	sadd.s32 s20, s25  }
0xcf: {  	[hbm4b:s24+s3] =	stream.linear.scatter [tilespmem:s4], [sflag:$0xD], $0x2000, $0x38;
	[tilespmem:$0x16400] =	vst v63  }
0xd0: {  	_ =	swait.ge [sflag:s9], $0x2000  }
0xd1: {  	[sflag:s9] =	ssyncset.done $0x0  }
0xd2: {  	s4 =	sadd.s32 $0xFFFFFF40, s22;
	[sflag:s9] =	ssyncadd.s32 $0xFFFFE000  }
0xd3: {  	[tilespmem:s28], [sflag:$0x1] =	stream.indirect.gather [hbm4b:s1+s23], $0x80, s4, s23, $0xb8;
	[tilespmem:$0x16400] =	vst v63  }
0xd4: {  	_ =	swait.ge [sflag:s10], $0x2000  }
0xd5: {  	s4 =	rddreg [dreg:$0x8];
	[sflag:s10] =	ssyncset.done $0x0  }
0xd6: {  	[sflag:s10] =	ssyncadd.s32 $0xFFFFE000;
	s24 =	sadd.s32 s20, s4  }
0xd7: {  	[hbm4b:s24+s3] =	stream.linear.scatter [tilespmem:s7], [sflag:$0xE], $0x2000, $0x38;
	[tilespmem:$0x16400] =	vst v63  }
0xd8: {  	_ =	swait.ge [sflag:s11], $0x2000  }
0xd9: {  	[sflag:s11] =	ssyncset.done $0x0  }
0xda: {  	s4 =	sadd.s32 $0xFFFFFF80, s22;
	[sflag:s11] =	ssyncadd.s32 $0xFFFFE000  }
0xdb: {  	[tilespmem:s30], [sflag:$0x2] =	stream.indirect.gather [hbm4b:s1+s23], $0x80, s4, s23, $0xb8;
	[tilespmem:$0x16400] =	vst v63  }
0xdc: {  	_ =	swait.ge [sflag:s12], $0x2000  }
0xdd: {  	s7 =	rddreg [dreg:$0x7];
	[sflag:s12] =	ssyncset.done $0x0  }
0xde: {  	[sflag:s12] =	ssyncadd.s32 $0xFFFFE000;
	s24 =	sadd.s32 s20, s7  }
0xdf: {  	[hbm4b:s24+s3] =	stream.linear.scatter [tilespmem:s31], [sflag:$0xF], $0x2000, $0x38;
	[tilespmem:$0x16400] =	vst v63  }
0xe0: {  	_ =	swait.ge [sflag:s13], $0x2000  }
0xe1: {  	[sflag:s13] =	ssyncset.done $0x0  }
0xe2: {  	s4 =	sadd.s32 $0xFFFFFFC0, s22;
	[sflag:s13] =	ssyncadd.s32 $0xFFFFE000  }
0xe3: {  	[tilespmem:s0], [sflag:$0x3] =	stream.indirect.gather [hbm4b:s1+s23], $0x80, s4, s23, $0xb8;
	[tilespmem:$0x16400] =	vst v63  }
0xe4: {  	_ =	swait.ge [sflag:s14], $0x2000  }
0xe5: {  	p0 =	sne.s32 s5, $0x5E000;
	s7 =	rddreg [dreg:$0x6];
	[sflag:s14] =	ssyncset.done $0x0  }
.Ltmp0:
0xe6: {  	[sflag:s14] =	ssyncadd.s32 $0xFFFFE000;
	s20 =	sadd.s32 s20, s7;
	(pc) =	sbr.rel @p0 .LBB2_2-.Ltmp0, $4  }
0xe7: {  	[hbm4b:s20+s3] =	stream.linear.scatter [tilespmem:s2], [sflag:$0x10], $0x2000, $0x38;
	[tilespmem:$0x16400] =	vst v63  }
0xe8: {  	s5 =	sadd.s32 $0x2000, s5;
	s21 =	smov.u32 s22;
	_ =	swait.ge [sflag:s15], $0x2000  }
0xe9: {  	s25 =	simm.s32 $0x6400;
	s28 =	simm.s32 $0x8400;
	[sflag:s15] =	ssyncset.done $0x0  }
0xea: {  	s30 =	simm.s32 $0xA400;
	s22 =	sadd.s32 $0x200, s22;
	[sflag:s15] =	ssyncadd.s32 $0xFFFFE000  }
0xeb: {  	s0 =	simm.s32 $0xC400;
	s2 =	simm.s32 $0x1  }
0xec: {  	[tilespmem:s0], [sflag:$0x4] =	stream.indirect.gather [hbm4b:s1+s23], $0x80, s21, s23, $0xb8;
	[tilespmem:$0x16400] =	vst v63  }
0xed: {  	_ =	swait.ge [sflag:s2], $0x2000  }
0xee: {  	[sflag:s2] =	ssyncset.done $0x0  }
0xef: {  	s5 =	rddreg [dreg:$0x13];
	[sflag:s2] =	ssyncadd.s32 $0xFFFFE000  }
0xf0: {  	[hbm4b:s5+s3] =	stream.linear.scatter [tilespmem:s25], [sflag:$0x9], $0x2000, $0x38;
	[tilespmem:$0x16400] =	vst v63  }
0xf1: {  	_ =	swait.ge [sflag:s16], $0x2000  }
0xf2: {  	[sflag:s16] =	ssyncset.done $0x0  }
0xf3: {  	s4 =	simm.s32 $0x6300;
	s2 =	simm.s32 $0xE400;
	[sflag:s16] =	ssyncadd.s32 $0xFFFFE000  }
0xf4: {  	[tilespmem:s2], [sflag:$0x5] =	stream.indirect.gather [hbm4b:s1+s23], $0x80, s4, s23, $0xb8;
	[tilespmem:$0x16400] =	vst v63  }
0xf5: {  	_ =	swait.ge [sflag:s26], $0x2000  }
0xf6: {  	[sflag:s26] =	ssyncset.done $0x0  }
0xf7: {  	s21 =	rddreg [dreg:$0x14];
	[sflag:s26] =	ssyncadd.s32 $0xFFFFE000  }
0xf8: {  	[hbm4b:s21+s3] =	stream.linear.scatter [tilespmem:s28], [sflag:$0xA], $0x2000, $0x38;
	[tilespmem:$0x16400] =	vst v63  }
0xf9: {  	_ =	swait.ge [sflag:s17], $0x2000  }
0xfa: {  	[sflag:s17] =	ssyncset.done $0x0  }
0xfb: {  	s22 =	simm.s32 $0x6340;
	s4 =	simm.s32 $0x10400;
	[sflag:s17] =	ssyncadd.s32 $0xFFFFE000  }
0xfc: {  	[tilespmem:s4], [sflag:$0x6] =	stream.indirect.gather [hbm4b:s1+s23], $0x80, s22, s23, $0xb8;
	[tilespmem:$0x16400] =	vst v63  }
0xfd: {  	_ =	swait.ge [sflag:s29], $0x2000  }
0xfe: {  	[sflag:s29] =	ssyncset.done $0x0  }
0xff: {  	s24 =	rddreg [dreg:$0x15];
	[sflag:s29] =	ssyncadd.s32 $0xFFFFE000  }
0x100: {  	[hbm4b:s24+s3] =	stream.linear.scatter [tilespmem:s30], [sflag:$0xB], $0x2000, $0x38;
	[tilespmem:$0x16400] =	vst v63  }
0x101: {  	_ =	swait.ge [sflag:s18], $0x2000  }
0x102: {  	[sflag:s18] =	ssyncset.done $0x0  }
0x103: {  	s7 =	simm.s32 $0x12400;
	s25 =	simm.s32 $0x6380;
	[sflag:s18] =	ssyncadd.s32 $0xFFFFE000  }
0x104: {  	[tilespmem:s7], [sflag:$0x7] =	stream.indirect.gather [hbm4b:s1+s23], $0x80, s25, s23, $0xb8;
	[tilespmem:$0x16400] =	vst v63  }
0x105: {  	_ =	swait.ge [sflag:s6], $0x2000  }
0x106: {  	[sflag:s6] =	ssyncset.done $0x0  }
0x107: {  	s28 =	rddreg [dreg:$0x16];
	[sflag:s6] =	ssyncadd.s32 $0xFFFFE000  }
0x108: {  	[hbm4b:s28+s3] =	stream.linear.scatter [tilespmem:s0], [sflag:$0xC], $0x2000, $0x38;
	[tilespmem:$0x16400] =	vst v63  }
0x109: {  	_ =	swait.ge [sflag:s19], $0x2000  }
0x10a: {  	[sflag:s19] =	ssyncset.done $0x0  }
0x10b: {  	s20 =	simm.s32 $0x63C0;
	s30 =	simm.s32 $0x14400;
	[sflag:s19] =	ssyncadd.s32 $0xFFFFE000  }
0x10c: {  	[tilespmem:s30], [sflag:$0x8] =	stream.indirect.gather [hbm4b:s1+s23], $0x80, s20, s23, $0xb8;
	[tilespmem:$0x16400] =	vst v63  }
0x10d: {  	_ =	swait.ge [sflag:s8], $0x2000  }
0x10e: {  	[sflag:s8] =	ssyncset.done $0x0  }
0x10f: {  	s21 =	rddreg [dreg:$0x17];
	[sflag:s8] =	ssyncadd.s32 $0xFFFFE000  }
0x110: {  	[hbm4b:s21+s3] =	stream.linear.scatter [tilespmem:s2], [sflag:$0xD], $0x2000, $0x38;
	[tilespmem:$0x16400] =	vst v63  }
0x111: {  	_ =	swait.ge [sflag:s10], $0x2000  }
0x112: {  	[sflag:s10] =	ssyncset.done $0x0  }
0x113: {  	s22 =	rddreg [dreg:$0x18];
	[sflag:s10] =	ssyncadd.s32 $0xFFFFE000  }
0x114: {  	[hbm4b:s22+s3] =	stream.linear.scatter [tilespmem:s4], [sflag:$0xE], $0x2000, $0x38;
	[tilespmem:$0x16400] =	vst v63  }
0x115: {  	_ =	swait.ge [sflag:s12], $0x2000  }
0x116: {  	[sflag:s12] =	ssyncset.done $0x0  }
0x117: {  	s24 =	rddreg [dreg:$0x19];
	[sflag:s12] =	ssyncadd.s32 $0xFFFFE000  }
0x118: {  	[hbm4b:s24+s3] =	stream.linear.scatter [tilespmem:s7], [sflag:$0xF], $0x2000, $0x38;
	[tilespmem:$0x16400] =	vst v63  }
0x119: {  	_ =	swait.ge [sflag:s14], $0x2000  }
0x11a: {  	[sflag:s14] =	ssyncset.done $0x0  }
0x11b: {  	s25 =	rddreg [dreg:$0x1a];
	[sflag:s14] =	ssyncadd.s32 $0xFFFFE000  }
0x11c: {  	[hbm4b:s25+s3] =	stream.linear.scatter [tilespmem:s30], [sflag:$0x10], $0x2000, $0x38;
	[tilespmem:$0x16400] =	vst v63  }
0x11d: {  	_ =	swait.ge [sflag:s9], $0x2000  }
0x11e: {  	[sflag:s9] =	ssyncset.done $0x0  }
0x11f: {  	[sflag:s9] =	ssyncadd.s32 $0xFFFFE000  }
0x120: {  	_ =	swait.ge [sflag:s11], $0x2000  }
0x121: {  	[sflag:s11] =	ssyncset.done $0x0  }
0x122: {  	[sflag:s11] =	ssyncadd.s32 $0xFFFFE000  }
0x123: {  	_ =	swait.ge [sflag:s13], $0x2000  }
0x124: {  	[sflag:s13] =	ssyncset.done $0x0  }
0x125: {  	[sflag:s13] =	ssyncadd.s32 $0xFFFFE000  }
0x126: {  	_ =	swait.ge [sflag:s15], $0x2000  }
0x127: {  	[sflag:s15] =	ssyncset.done $0x0  }
0x128: {  	[sflag:s15] =	ssyncadd.s32 $0xFFFFE000  }
0x129: {  	_ =	swait.ge [sflag:s16], $0x2000  }
0x12a: {  	[sflag:s16] =	ssyncset.done $0x0  }
0x12b: {  	[sflag:s16] =	ssyncadd.s32 $0xFFFFE000  }
0x12c: {  	_ =	swait.ge [sflag:s17], $0x2000  }
0x12d: {  	[sflag:s17] =	ssyncset.done $0x0  }
0x12e: {  	[sflag:s17] =	ssyncadd.s32 $0xFFFFE000  }
0x12f: {  	_ =	swait.ge [sflag:s18], $0x2000  }
0x130: {  	[sflag:s18] =	ssyncset.done $0x0  }
0x131: {  	[sflag:s18] =	ssyncadd.s32 $0xFFFFE000  }
0x132: {  	_ =	swait.ge [sflag:s19], $0x2000  }
0x133: {  	s28 =	rddreg [dreg:$0x1c]  }
0x134: {  	s30 =	rddreg [dreg:$0x1b];
	s0 =	sadd.s32 $0x1, s28  }
0x135: {  	p0 =	sne.s32 s0, s30  }
.Ltmp1:
0x136: {  	_ = 	snop;
	(pc) =	sbr.rel @p0 .LBB2_1-.Ltmp1, $3  }
0x137: {  	_ =	sdelay $0x1  }
0x138: {  	[sflag:s19] =	ssyncset.done $0x0  }
0x139: {  	[sflag:s19] =	ssyncadd.s32 $0xFFFFE000  }
0x13a: {  	_ =	sfence.sel $0x180000  }
0x13b: {  	[bflag:$0x0] =	sbarrier.arrive $0xFFFF  }
0x13c: {  	_ =	strace $0x90000047  }
0x13d: {  	s0 =	stileid.u32;
	[bflag:$0x2] =	sbarrier.arrive $0xFFFF  }
0x13e: {  	p0 =	sne.s32 s0, $0x0;
	s0 =	rddreg [dreg:$0x3]  }
0x13f: {  	s0 =	sadd.s32 @!p0 $0x100000, s0  }
0x140: {  	[sflag:s0] =	ssyncadd.tile.s32 @!p0 $0x1;
	_ =	shalt  }
.Lfunc_end2:
_tile_overlayer_lowered:
.L_overlay_start_2:
0x141: {  	(tag) =	ssettag $0x2  }
0x142: {  	s0 =	rddreg [dreg:$0x0];
	s2 =	stileid.u32  }
0x143: {  	s1 =	rddreg [dreg:$0x1];
	p0 =	sne.s32 s2, $0x0  }
0x144: {  	s3 =	rddreg [dreg:$0x2];
	[bflag:$0x3] =	sbarrier.arrive $0xFFFF;
	s2 =	simm.s32 @!p0 $0x1C11  }
0x145: {  	[timem:s3], [sflag:s2] =	dma.local @!p0 [hbm:s0], s1  }
0x146: {  	s0 =	simm.s32 @!p0 $0x11  }
0x147: {  	_ =	swait.ge @!p0 [sflag:s0], s1  }
0x148: {  	s1 =	ssub.s32 @!p0 $0x0, s1;
	[sflag:s0] =	ssyncset.done @!p0 $0x0  }
0x149: {  	[sflag:s0] =	ssyncadd.s32 @!p0 s1  }
0x14a: {  	[bflag:$0x3] =	sbarrier.arrive $0xFFFF  }
0x14b: {  	_ =	shalt  }

</sc_bundles>
